<compile_context>
chip_gen: v7x
topology: tpu7x:2x2x1
jax: 0.10.2.dev20260603
libtpu: 0.0.44.dev20260713+nightly
codegen_flags: <defaults>
</compile_context>

<pallas_src>
import jax
import jax.numpy as jnp
from jax import lax
from jax.experimental import pallas as pl
from jax.experimental.pallas import tpu as pltpu
from jax.experimental.pallas import tpu_sc as plsc

B = 16384 * 26
NC, NS = 2, 16
NW = NC * NS
BPW = B // NW
GROUP = 256
NGROUPS = BPW // GROUP
CHUNK = 128
NCHUNK = GROUP // CHUNK
VEC = 16


def _m12_body(c2a_ref, c2b_ref, c1_ref, outa_ref, outb_ref):
    c1 = c1_ref[...]
    outa_ref[...] = jnp.dot(c2a_ref[...], c1, preferred_element_type=jnp.float32)
    outb_ref[...] = jnp.dot(c2b_ref[...], c1, preferred_element_type=jnp.float32)


def _table_body(m_ref, w_ref, out_ref):
    res = jnp.dot(m_ref[...], w_ref[0], preferred_element_type=jnp.float32)
    out_ref[0:10000, :] = res[:, 0:128]
    out_ref[10000:20000, :] = res[:, 128:256]


def _build_table(c2a, c2b, c1flat, w):
    m12a, m12b = pl.pallas_call(
        _m12_body,
        out_shape=(
            jax.ShapeDtypeStruct((100, 6400), jnp.float32),
            jax.ShapeDtypeStruct((100, 6400), jnp.float32),
        ),
    )(c2a, c2b, c1flat)
    m12cat = jnp.concatenate(
        [m12a.reshape(10000, 64), m12b.reshape(10000, 64)], axis=1
    )
    t4 = pl.pallas_call(
        _table_body,
        grid=(13,),
        in_specs=[
            pl.BlockSpec((10000, 128), lambda i: (0, 0)),
            pl.BlockSpec((1, 128, 256), lambda i: (i, 0, 0)),
        ],
        out_specs=pl.BlockSpec((20000, 128), lambda i: (i, 0)),
        out_shape=jax.ShapeDtypeStruct((260000, 128), jnp.float32),
    )(m12cat, w)
    return t4


def _sc_body(x_ref, t_ref, out_ref, idx_h, row_v,
             buf_a, buf_b, stag_a, stag_b, sg_a, sg_b, so_a, so_b):
    wid = lax.axis_index("s") * NC + lax.axis_index("c")
    base = wid * BPW
    itbase = wid * 4
    iota = lax.iota(jnp.int32, 16)
    iota26 = iota * 26

    for h in range(2):
        pltpu.sync_copy(x_ref.at[pl.ds(base + h * 6656, 6656)], idx_h)

        def dig(t, carry):
            j = t >> 4
            ibl = t & 15
            lg = iota26 + (ibl * 416 + j)
            v = plsc.load_gather(idx_h, [lg])
            vf = v.astype(jnp.float32) + 0.5
            d0 = (vf * (1.0 / 10000.0)).astype(jnp.int32)
            rem = v - d0 * 10000
            d1 = ((rem.astype(jnp.float32) + 0.5) * (1.0 / 100.0)).astype(jnp.int32)
            d2 = rem - d1 * 100
            y = (d0 >> 2) * 40000 + (d2 * 100 + d1) * 4 + (d0 & 3)
            row_v[pl.ds(j * 512 + h * 256 + ibl * 16, 16)] = y
            return carry

        lax.fori_loop(0, 416, dig, 0)

    def fire(u, buf, sem):
        for c in range(2):
            pltpu.async_copy(
                t_ref.at[row_v.at[pl.ds(u * 256 + c * 128, 128)]],
                buf.at[pl.ds(c * 128, 128)],
                sem,
            )

    def gdrain(buf, sem):
        for c in range(2):
            pltpu.make_async_copy(
                t_ref.at[row_v.at[pl.ds(0, 128)]],
                buf.at[pl.ds(c * 128, 128)],
                sem,
            ).wait()

    ktv0 = iota >> 3
    ktv1 = ktv0 + 2
    kmv = iota & 7

    def select(buf, stag):
        def four(q, carry):
            for u in range(4):
                dl = q * 4 + u
                itl = dl >> 7
                im = dl & 127
                itlv = jnp.full((16,), itl, jnp.int32)
                imv = jnp.full((16,), im, jnp.int32)
                v0 = buf[dl, pl.ds(0, 16)]
                v1 = buf[dl, pl.ds(16, 16)]
                plsc.store_scatter(stag, [itlv, ktv0, kmv, imv], v0)
                plsc.store_scatter(stag, [itlv, ktv1, kmv, imv], v1)
            return carry

        lax.fori_loop(0, 64, four, 0)

    def puts(j, h, stag, sem):
        for kt in range(4):
            pltpu.async_copy(
                stag.at[:, kt, :, pl.ds(0, 128)],
                out_ref.at[j, kt, pl.ds(itbase + h * 2, 2)],
                sem,
            )

    def odrain(stag, sem):
        for kt in range(4):
            pltpu.make_async_copy(
                stag.at[:, kt, :, pl.ds(0, 128)],
                out_ref.at[0, kt, pl.ds(0, 2)],
                sem,
            ).wait()

    fire(0, buf_a, sg_a)
    fire(1, buf_b, sg_b)

    def unit_pair(j, carry):
        gdrain(buf_a, sg_a)

        @pl.when(j >= 1)
        def _():
            odrain(stag_a, so_a)

        pass
        puts(j, 0, stag_a, so_a)
        fire(2 * j + 2, buf_a, sg_a)

        gdrain(buf_b, sg_b)

        @pl.when(j >= 1)
        def _():
            odrain(stag_b, so_b)

        pass
        puts(j, 1, stag_b, so_b)
        fire(2 * j + 3, buf_b, sg_b)
        return carry

    lax.fori_loop(0, 25, unit_pair, 0)
    gdrain(buf_a, sg_a)
    odrain(stag_a, so_a)
    select(buf_a, stag_a)
    puts(25, 0, stag_a, so_a)
    gdrain(buf_b, sg_b)
    odrain(stag_b, so_b)
    select(buf_b, stag_b)
    puts(25, 1, stag_b, so_b)
    odrain(stag_a, so_a)
    odrain(stag_b, so_b)


def _make_sc_lookup():
    return pl.kernel(
        _sc_body,
        out_type=jax.ShapeDtypeStruct((26, 4, 128, 8, 128), jnp.float32),
        compiler_params=pltpu.CompilerParams(
            use_tc_tiling_on_sc=False, needs_layout_passes=False
        ),
        mesh=plsc.VectorSubcoreMesh(
            core_axis_name="c", subcore_axis_name="s",
            num_cores=NC, num_subcores=NS,
        ),
        scratch_types=[
            pltpu.VMEM((6656,), jnp.int32),
            pltpu.VMEM((BPW,), jnp.int32),
            pltpu.VMEM((256, 32), jnp.float32),
            pltpu.VMEM((256, 32), jnp.float32),
            pltpu.VMEM((2, 4, 8, 131), jnp.float32),
            pltpu.VMEM((2, 4, 8, 131), jnp.float32),
            pltpu.SemaphoreType.DMA,
            pltpu.SemaphoreType.DMA,
            pltpu.SemaphoreType.DMA,
            pltpu.SemaphoreType.DMA,
        ],
    )


def kernel(x, core0, core1, core2):
    xf = x.reshape(-1)
    g0 = core0[0]
    c2 = core2[..., 0]
    c2a = c2[:, :, 0].T
    c2b = c2[:, :, 1].T
    c1flat = jnp.transpose(core1, (3, 1, 0, 2)).reshape(16, 6400)
    g0p = jnp.concatenate(
        [g0, jnp.zeros((4, 4, 16), jnp.float32)], axis=0
    ).reshape(13, 8, 4, 16)
    w = jnp.einsum(
        "pdar,xc,ye->pyrxdace",
        g0p,
        jnp.eye(4, dtype=jnp.float32),
        jnp.eye(2, dtype=jnp.float32),
    ).reshape(13, 128, 256)

    t4 = _build_table(c2a, c2b, c1flat, w)
    t = t4.reshape(1040000, 32)
    out5 = _make_sc_lookup()(xf, t)
    return jnp.transpose(out5, (2, 4, 0, 1, 3)).reshape(x.shape + (32,))

# --- scband reference (transcript-rebuilt; emitter-appended) ---
"""Pipeline reference for scband-tensorized-embedding-27169963114596 (READ-ONLY COPY).

The authoritative reference and input builder live on the scoring server;
editing this copy changes nothing except your own understanding.
"""

import jax, jax.numpy as jnp
import numpy as np

SHAPE0 = (100, 100, 100)   # voc factorization, prod = 1_000_000
SHAPE1 = (4, 4, 2)         # emb factorization, prod = 32
MAX_RANK = 16


def setup_inputs(seed: int = 0) -> dict:
    key = jax.random.key(seed)
    k1, k2, k3, k4 = jax.random.split(key, 4)
    x = jax.random.randint(k1, (16384, 26), 0, 1000000, dtype=jnp.int32)
    # TT-matrix cores G_k of shape [r_{k-1}, m_k, n_k, r_k], ranks (1,16,16,1)
    target_stddev = float(np.sqrt(2.0 / (np.prod(SHAPE0) + np.prod(SHAPE1))))
    core_std = target_stddev ** (1.0 / 3.0)
    core0 = jax.random.normal(k2, (1, 100, 4, 16), dtype=jnp.float32) * core_std
    core1 = jax.random.normal(k3, (16, 100, 4, 16), dtype=jnp.float32) * core_std
    core2 = jax.random.normal(k4, (16, 100, 2, 1), dtype=jnp.float32) * core_std
    return {"x": x, "core0": core0, "core1": core1, "core2": core2}


def reference(x, core0, core1, core2):
    # tensorized_lookup for TensorTrainMatrix:
    # decompose flat index into mixed-radix digits over SHAPE0 (cum_prod = [10000, 100, 1]),
    # gather the matching slice of each TT core, and contract along ranks to
    # reconstruct the embedding row of size prod(SHAPE1) = 32.
    xshape = list(x.shape)
    xf = x.reshape(-1)
    d0 = (xf // 10000) % 100
    d1 = (xf // 100) % 100
    d2 = xf % 100
    g0 = jnp.take(core0, d0, axis=1)[0]                               # [B, 4, 16]
    g1 = jnp.transpose(jnp.take(core1, d1, axis=1), (1, 0, 2, 3))      # [B, 16, 4, 16]
    g2 = jnp.transpose(jnp.take(core2, d2, axis=1), (1, 0, 2, 3))[..., 0]  # [B, 16, 2]
    t = jnp.einsum('bar,brcs->bacs', g0, g1)                          # [B, 4, 4, 16]
    t = t.reshape(t.shape[0], 16, 16)                                 # [B, n1*n2, r2]
    rows = jnp.einsum('bms,bsn->bmn', t, g2)                          # [B, 16, 2]
    rows = rows.reshape(xshape + [32])
    return rows

if __name__ == "__main__":
    import jax
    _d = setup_inputs()
    print(jax.jit(kernel)(*tuple(_d.values())))

</pallas_src>

<mosaic_0001>
#map = affine_map<(d0, d1) -> (0)>
#map1 = affine_map<(d0, d1) -> (0, 0)>
#map2 = affine_map<(d0, d1) -> (0, 0, 0, 0, 0)>
module attributes {stable_mosaic.version = 14 : i64} {
  func.func @_sc_body(%arg0: i32, %arg1: i32, %arg2: memref<425984xi32, #tpu.memory_space<hbm>>, %arg3: memref<1040000x32xf32, #tpu.memory_space<hbm>>, %arg4: memref<26x4x128x8x128xf32, #tpu.memory_space<hbm>>, %arg5: memref<6656xi32, #tpu.memory_space<vmem>>, %arg6: memref<13312xi32, #tpu.memory_space<vmem>>, %arg7: memref<256x32xf32, #tpu.memory_space<vmem>>, %arg8: memref<256x32xf32, #tpu.memory_space<vmem>>, %arg9: memref<2x4x8x131xf32, #tpu.memory_space<vmem>>, %arg10: memref<2x4x8x131xf32, #tpu.memory_space<vmem>>, %arg11: memref<!tpu.dma_semaphore, #tpu.memory_space<semaphore_mem>>, %arg12: memref<!tpu.dma_semaphore, #tpu.memory_space<semaphore_mem>>, %arg13: memref<!tpu.dma_semaphore, #tpu.memory_space<semaphore_mem>>, %arg14: memref<!tpu.dma_semaphore, #tpu.memory_space<semaphore_mem>>) attributes {dimension_semantics = [#tpu.dimension_semantics<core_parallel>, #tpu.dimension_semantics<subcore_parallel>], iteration_bounds = array<i64: 2, 16>, scalar_prefetch = 0 : i64, scratch_operands = 10 : i64, tpu.core_type = #tpu.core_type<sc_vector_subcore>, window_params = [{transform_indices = #map}, {transform_indices = #map1}, {transform_indices = #map2}]} {
    %mul3A = arith.constant 2 : i32
    %mul3A_0 = arith.muli %arg1, %mul3A : i32
    %add3A = arith.addi %mul3A_0, %arg0 : i32
    %mul3A_1 = arith.constant 13312 : i32
    %mul3A_2 = arith.muli %add3A, %mul3A_1 : i32
    %mul3A_3 = arith.constant 4 : i32
    %mul3A_4 = arith.muli %add3A, %mul3A_3 : i32
    %iota3A = tpu.iota {dimensions = array<i32: 0>} : vector<16xi32>
    %mul3A_5 = arith.constant 26 : i32
    %mul3A_6 = vector.broadcast %mul3A_5 : i32 to vector<16xi32>
    %mul3A_7 = arith.muli %iota3A, %mul3A_6 : vector<16xi32>
    %add3A_8 = arith.constant 0 : i32
    %add3A_9 = arith.addi %mul3A_2, %add3A_8 : i32
    "tpu.region"() ({
      %run_scoped3A = tpu.sem_alloc : memref<!tpu.dma_semaphore, #tpu.memory_space<semaphore_mem>>
      %dma_start3A_662 = tpu.memref_slice %arg2[%add3A_9] : memref<425984xi32, #tpu.memory_space<hbm>> -> memref<6656xi32, #tpu.memory_space<hbm>>
      %dma_start3A_663 = tpu.memref_slice %arg2[%add3A_9] : memref<425984xi32, #tpu.memory_space<hbm>> -> memref<6656xi32, #tpu.memory_space<hbm>>
      tpu.enqueue_dma source(%dma_start3A_663 : memref<6656xi32, #tpu.memory_space<hbm>>) target(%arg5 : memref<6656xi32, #tpu.memory_space<vmem>>) target_semaphore(%run_scoped3A : memref<!tpu.dma_semaphore, #tpu.memory_space<semaphore_mem>>)
      %dma_wait3A_664 = tpu.memref_slice %arg2[%add3A_9] : memref<425984xi32, #tpu.memory_space<hbm>> -> memref<6656xi32, #tpu.memory_space<hbm>>
      %dma_wait3A_665 = tpu.memref_slice %arg2[%add3A_9] : memref<425984xi32, #tpu.memory_space<hbm>> -> memref<6656xi32, #tpu.memory_space<hbm>>
      tpu.wait_dma2 semaphore(%run_scoped3A : memref<!tpu.dma_semaphore, #tpu.memory_space<semaphore_mem>>) src(%dma_wait3A_665 : memref<6656xi32, #tpu.memory_space<hbm>>) dst(%arg5 : memref<6656xi32, #tpu.memory_space<vmem>>)
      tpu.yield
    }) : () -> ()
    %scan3A = arith.constant 0 : i32
    %scan3A_10 = arith.constant 0 : i32
    %scan3A_11 = arith.constant 416 : i32
    %scan3A_12 = arith.addi %scan3A_10, %scan3A_11 : i32
    %scan3A_13 = arith.constant 1 : i32
    scf.for %scan3A_662 = %scan3A_10 to %scan3A_12 step %scan3A_13  : i32 {
      %shift_right_arithmetic3A_663 = arith.constant 4 : i32
      %shift_right_arithmetic3A_664 = arith.shrsi %scan3A_662, %shift_right_arithmetic3A_663 : i32
      %and3A_665 = arith.constant 15 : i32
      %and3A_666 = arith.andi %scan3A_662, %and3A_665 : i32
      %mul3A_667 = arith.constant 416 : i32
      %mul3A_668 = arith.muli %and3A_666, %mul3A_667 : i32
      %add3A_669 = arith.addi %mul3A_668, %shift_right_arithmetic3A_664 : i32
      %add3A_670 = vector.broadcast %add3A_669 : i32 to vector<16xi32>
      %add3A_671 = arith.addi %mul3A_7, %add3A_670 : vector<16xi32>
      %gather3A = tpu.vector_load_idx %arg5[%add3A_671] : memref<6656xi32, #tpu.memory_space<vmem>>[vector<16xi32>], vector<16xi32>,
      %convert_element_type3A = arith.sitofp %gather3A : vector<16xi32> to vector<16xf32>
      %add3A_672 = arith.constant 5.000000e-01 : f32
      %add3A_673 = vector.broadcast %add3A_672 : f32 to vector<16xf32>
      %add3A_674 = arith.addf %convert_element_type3A, %add3A_673 : vector<16xf32>
      %mul3A_675 = arith.constant 9.99999974E-5 : f32
      %mul3A_676 = vector.broadcast %mul3A_675 : f32 to vector<16xf32>
      %mul3A_677 = arith.mulf %add3A_674, %mul3A_676 : vector<16xf32>
      %convert_element_type3A_678 = arith.fptosi %mul3A_677 : vector<16xf32> to vector<16xi32>
      %mul3A_679 = arith.constant 10000 : i32
      %mul3A_680 = vector.broadcast %mul3A_679 : i32 to vector<16xi32>
      %mul3A_681 = arith.muli %convert_element_type3A_678, %mul3A_680 : vector<16xi32>
      %sub3A = arith.subi %gather3A, %mul3A_681 : vector<16xi32>
      %convert_element_type3A_682 = arith.sitofp %sub3A : vector<16xi32> to vector<16xf32>
      %add3A_683 = arith.constant 5.000000e-01 : f32
      %add3A_684 = vector.broadcast %add3A_683 : f32 to vector<16xf32>
      %add3A_685 = arith.addf %convert_element_type3A_682, %add3A_684 : vector<16xf32>
      %mul3A_686 = arith.constant 0.00999999977 : f32
      %mul3A_687 = vector.broadcast %mul3A_686 : f32 to vector<16xf32>
      %mul3A_688 = arith.mulf %add3A_685, %mul3A_687 : vector<16xf32>
      %convert_element_type3A_689 = arith.fptosi %mul3A_688 : vector<16xf32> to vector<16xi32>
      %mul3A_690 = arith.constant 100 : i32
      %mul3A_691 = vector.broadcast %mul3A_690 : i32 to vector<16xi32>
      %mul3A_692 = arith.muli %convert_element_type3A_689, %mul3A_691 : vector<16xi32>
      %sub3A_693 = arith.subi %sub3A, %mul3A_692 : vector<16xi32>
      %shift_right_arithmetic3A_694 = arith.constant 2 : i32
      %shift_right_arithmetic3A_695 = vector.broadcast %shift_right_arithmetic3A_694 : i32 to vector<16xi32>
      %shift_right_arithmetic3A_696 = arith.shrsi %convert_element_type3A_678, %shift_right_arithmetic3A_695 : vector<16xi32>
      %mul3A_697 = arith.constant 40000 : i32
      %mul3A_698 = vector.broadcast %mul3A_697 : i32 to vector<16xi32>
      %mul3A_699 = arith.muli %shift_right_arithmetic3A_696, %mul3A_698 : vector<16xi32>
      %mul3A_700 = arith.constant 100 : i32
      %mul3A_701 = vector.broadcast %mul3A_700 : i32 to vector<16xi32>
      %mul3A_702 = arith.muli %sub3A_693, %mul3A_701 : vector<16xi32>
      %add3A_703 = arith.addi %mul3A_702, %convert_element_type3A_689 : vector<16xi32>
      %mul3A_704 = arith.constant 4 : i32
      %mul3A_705 = vector.broadcast %mul3A_704 : i32 to vector<16xi32>
      %mul3A_706 = arith.muli %add3A_703, %mul3A_705 : vector<16xi32>
      %add3A_707 = arith.addi %mul3A_699, %mul3A_706 : vector<16xi32>
      %and3A_708 = arith.constant 3 : i32
      %and3A_709 = vector.broadcast %and3A_708 : i32 to vector<16xi32>
      %and3A_710 = arith.andi %convert_element_type3A_678, %and3A_709 : vector<16xi32>
      %add3A_711 = arith.addi %add3A_707, %and3A_710 : vector<16xi32>
      %mul3A_712 = arith.constant 512 : i32
      %mul3A_713 = arith.muli %shift_right_arithmetic3A_664, %mul3A_712 : i32
      %add3A_714 = arith.constant 0 : i32
      %add3A_715 = arith.addi %mul3A_713, %add3A_714 : i32
      %mul3A_716 = arith.constant 16 : i32
      %mul3A_717 = arith.muli %and3A_666, %mul3A_716 : i32
      %add3A_718 = arith.addi %add3A_715, %mul3A_717 : i32
      %swap3A = arith.index_cast %add3A_718 : i32 to index
      %swap3A_719 = tpu.vector_load %arg6[%swap3A] {strides = array<i32>} : memref<13312xi32, #tpu.memory_space<vmem>>, vector<16xi32>,
      tpu.vector_store %arg6[%swap3A], %add3A_711 {strides = array<i32>} : memref<13312xi32, #tpu.memory_space<vmem>>, vector<16xi32>,
    }
    %scan3A_14 = arith.constant 416 : i32
    %add3A_15 = arith.constant 6656 : i32
    %add3A_16 = arith.addi %mul3A_2, %add3A_15 : i32
    "tpu.region"() ({
      %run_scoped3A = tpu.sem_alloc : memref<!tpu.dma_semaphore, #tpu.memory_space<semaphore_mem>>
      %dma_start3A_662 = tpu.memref_slice %arg2[%add3A_16] : memref<425984xi32, #tpu.memory_space<hbm>> -> memref<6656xi32, #tpu.memory_space<hbm>>
      %dma_start3A_663 = tpu.memref_slice %arg2[%add3A_16] : memref<425984xi32, #tpu.memory_space<hbm>> -> memref<6656xi32, #tpu.memory_space<hbm>>
      tpu.enqueue_dma source(%dma_start3A_663 : memref<6656xi32, #tpu.memory_space<hbm>>) target(%arg5 : memref<6656xi32, #tpu.memory_space<vmem>>) target_semaphore(%run_scoped3A : memref<!tpu.dma_semaphore, #tpu.memory_space<semaphore_mem>>)
      %dma_wait3A_664 = tpu.memref_slice %arg2[%add3A_16] : memref<425984xi32, #tpu.memory_space<hbm>> -> memref<6656xi32, #tpu.memory_space<hbm>>
      %dma_wait3A_665 = tpu.memref_slice %arg2[%add3A_16] : memref<425984xi32, #tpu.memory_space<hbm>> -> memref<6656xi32, #tpu.memory_space<hbm>>
      tpu.wait_dma2 semaphore(%run_scoped3A : memref<!tpu.dma_semaphore, #tpu.memory_space<semaphore_mem>>) src(%dma_wait3A_665 : memref<6656xi32, #tpu.memory_space<hbm>>) dst(%arg5 : memref<6656xi32, #tpu.memory_space<vmem>>)
      tpu.yield
    }) : () -> ()
    %scan3A_17 = arith.constant 0 : i32
    %scan3A_18 = arith.constant 0 : i32
    %scan3A_19 = arith.constant 416 : i32
    %scan3A_20 = arith.addi %scan3A_18, %scan3A_19 : i32
    %scan3A_21 = arith.constant 1 : i32
    scf.for %scan3A_662 = %scan3A_18 to %scan3A_20 step %scan3A_21  : i32 {
      %shift_right_arithmetic3A_663 = arith.constant 4 : i32
      %shift_right_arithmetic3A_664 = arith.shrsi %scan3A_662, %shift_right_arithmetic3A_663 : i32
      %and3A_665 = arith.constant 15 : i32
      %and3A_666 = arith.andi %scan3A_662, %and3A_665 : i32
      %mul3A_667 = arith.constant 416 : i32
      %mul3A_668 = arith.muli %and3A_666, %mul3A_667 : i32
      %add3A_669 = arith.addi %mul3A_668, %shift_right_arithmetic3A_664 : i32
      %add3A_670 = vector.broadcast %add3A_669 : i32 to vector<16xi32>
      %add3A_671 = arith.addi %mul3A_7, %add3A_670 : vector<16xi32>
      %gather3A = tpu.vector_load_idx %arg5[%add3A_671] : memref<6656xi32, #tpu.memory_space<vmem>>[vector<16xi32>], vector<16xi32>,
      %convert_element_type3A = arith.sitofp %gather3A : vector<16xi32> to vector<16xf32>
      %add3A_672 = arith.constant 5.000000e-01 : f32
      %add3A_673 = vector.broadcast %add3A_672 : f32 to vector<16xf32>
      %add3A_674 = arith.addf %convert_element_type3A, %add3A_673 : vector<16xf32>
      %mul3A_675 = arith.constant 9.99999974E-5 : f32
      %mul3A_676 = vector.broadcast %mul3A_675 : f32 to vector<16xf32>
      %mul3A_677 = arith.mulf %add3A_674, %mul3A_676 : vector<16xf32>
      %convert_element_type3A_678 = arith.fptosi %mul3A_677 : vector<16xf32> to vector<16xi32>
      %mul3A_679 = arith.constant 10000 : i32
      %mul3A_680 = vector.broadcast %mul3A_679 : i32 to vector<16xi32>
      %mul3A_681 = arith.muli %convert_element_type3A_678, %mul3A_680 : vector<16xi32>
      %sub3A = arith.subi %gather3A, %mul3A_681 : vector<16xi32>
      %convert_element_type3A_682 = arith.sitofp %sub3A : vector<16xi32> to vector<16xf32>
      %add3A_683 = arith.constant 5.000000e-01 : f32
      %add3A_684 = vector.broadcast %add3A_683 : f32 to vector<16xf32>
      %add3A_685 = arith.addf %convert_element_type3A_682, %add3A_684 : vector<16xf32>
      %mul3A_686 = arith.constant 0.00999999977 : f32
      %mul3A_687 = vector.broadcast %mul3A_686 : f32 to vector<16xf32>
      %mul3A_688 = arith.mulf %add3A_685, %mul3A_687 : vector<16xf32>
      %convert_element_type3A_689 = arith.fptosi %mul3A_688 : vector<16xf32> to vector<16xi32>
      %mul3A_690 = arith.constant 100 : i32
      %mul3A_691 = vector.broadcast %mul3A_690 : i32 to vector<16xi32>
      %mul3A_692 = arith.muli %convert_element_type3A_689, %mul3A_691 : vector<16xi32>
      %sub3A_693 = arith.subi %sub3A, %mul3A_692 : vector<16xi32>
      %shift_right_arithmetic3A_694 = arith.constant 2 : i32
      %shift_right_arithmetic3A_695 = vector.broadcast %shift_right_arithmetic3A_694 : i32 to vector<16xi32>
      %shift_right_arithmetic3A_696 = arith.shrsi %convert_element_type3A_678, %shift_right_arithmetic3A_695 : vector<16xi32>
      %mul3A_697 = arith.constant 40000 : i32
      %mul3A_698 = vector.broadcast %mul3A_697 : i32 to vector<16xi32>
      %mul3A_699 = arith.muli %shift_right_arithmetic3A_696, %mul3A_698 : vector<16xi32>
      %mul3A_700 = arith.constant 100 : i32
      %mul3A_701 = vector.broadcast %mul3A_700 : i32 to vector<16xi32>
      %mul3A_702 = arith.muli %sub3A_693, %mul3A_701 : vector<16xi32>
      %add3A_703 = arith.addi %mul3A_702, %convert_element_type3A_689 : vector<16xi32>
      %mul3A_704 = arith.constant 4 : i32
      %mul3A_705 = vector.broadcast %mul3A_704 : i32 to vector<16xi32>
      %mul3A_706 = arith.muli %add3A_703, %mul3A_705 : vector<16xi32>
      %add3A_707 = arith.addi %mul3A_699, %mul3A_706 : vector<16xi32>
      %and3A_708 = arith.constant 3 : i32
      %and3A_709 = vector.broadcast %and3A_708 : i32 to vector<16xi32>
      %and3A_710 = arith.andi %convert_element_type3A_678, %and3A_709 : vector<16xi32>
      %add3A_711 = arith.addi %add3A_707, %and3A_710 : vector<16xi32>
      %mul3A_712 = arith.constant 512 : i32
      %mul3A_713 = arith.muli %shift_right_arithmetic3A_664, %mul3A_712 : i32
      %add3A_714 = arith.constant 256 : i32
      %add3A_715 = arith.addi %mul3A_713, %add3A_714 : i32
      %mul3A_716 = arith.constant 16 : i32
      %mul3A_717 = arith.muli %and3A_666, %mul3A_716 : i32
      %add3A_718 = arith.addi %add3A_715, %mul3A_717 : i32
      %swap3A = arith.index_cast %add3A_718 : i32 to index
      %swap3A_719 = tpu.vector_load %arg6[%swap3A] {strides = array<i32>} : memref<13312xi32, #tpu.memory_space<vmem>>, vector<16xi32>,
      tpu.vector_store %arg6[%swap3A], %add3A_711 {strides = array<i32>} : memref<13312xi32, #tpu.memory_space<vmem>>, vector<16xi32>,
    }
    %scan3A_22 = arith.constant 416 : i32
    %shift_right_arithmetic3A = arith.constant 3 : i32
    %shift_right_arithmetic3A_23 = vector.broadcast %shift_right_arithmetic3A : i32 to vector<16xi32>
    %shift_right_arithmetic3A_24 = arith.shrsi %iota3A, %shift_right_arithmetic3A_23 : vector<16xi32>
    %add3A_25 = arith.constant 2 : i32
    %add3A_26 = vector.broadcast %add3A_25 : i32 to vector<16xi32>
    %add3A_27 = arith.addi %shift_right_arithmetic3A_24, %add3A_26 : vector<16xi32>
    %and3A = arith.constant 7 : i32
    %and3A_28 = vector.broadcast %and3A : i32 to vector<16xi32>
    %and3A_29 = arith.andi %iota3A, %and3A_28 : vector<16xi32>
    %dma_start3A = arith.constant 0 : i32
    %dma_start3A_30 = arith.constant 0 : i32
    %dma_start3A_31 = tpu.memref_slice %arg7[%dma_start3A, %dma_start3A_30] : memref<256x32xf32, #tpu.memory_space<vmem>> -> memref<128x32xf32, #tpu.memory_space<vmem>>
    %dma_start3A_32 = arith.constant 0 : i32
    %dma_start3A_33 = tpu.memref_slice %arg6[%dma_start3A_32] : memref<13312xi32, #tpu.memory_space<vmem>> -> memref<128xi32, #tpu.memory_space<vmem>>
    %dma_start3A_34 = arith.constant 0 : i32
    %dma_start3A_35 = arith.constant 0 : i32
    %dma_start3A_36 = tpu.memref_slice %arg3[%dma_start3A_34, %dma_start3A_35] : memref<1040000x32xf32, #tpu.memory_space<hbm>> -> memref<1040000x32xf32, #tpu.memory_space<hbm>>
    tpu.enqueue_indirect_dma source(%dma_start3A_36 : memref<1040000x32xf32, #tpu.memory_space<hbm>>) target(%dma_start3A_31 : memref<128x32xf32, #tpu.memory_space<vmem>>) offsets(%dma_start3A_33 : memref<128xi32, #tpu.memory_space<vmem>>) semaphore(%arg11 : memref<!tpu.dma_semaphore, #tpu.memory_space<semaphore_mem>>)
    %dma_start3A_37 = arith.constant 128 : i32
    %dma_start3A_38 = arith.constant 0 : i32
    %dma_start3A_39 = tpu.memref_slice %arg7[%dma_start3A_37, %dma_start3A_38] : memref<256x32xf32, #tpu.memory_space<vmem>> -> memref<128x32xf32, #tpu.memory_space<vmem>>
    %dma_start3A_40 = arith.constant 128 : i32
    %dma_start3A_41 = tpu.memref_slice %arg6[%dma_start3A_40] : memref<13312xi32, #tpu.memory_space<vmem>> -> memref<128xi32, #tpu.memory_space<vmem>>
    %dma_start3A_42 = arith.constant 0 : i32
    %dma_start3A_43 = arith.constant 0 : i32
    %dma_start3A_44 = tpu.memref_slice %arg3[%dma_start3A_42, %dma_start3A_43] : memref<1040000x32xf32, #tpu.memory_space<hbm>> -> memref<1040000x32xf32, #tpu.memory_space<hbm>>
    tpu.enqueue_indirect_dma source(%dma_start3A_44 : memref<1040000x32xf32, #tpu.memory_space<hbm>>) target(%dma_start3A_39 : memref<128x32xf32, #tpu.memory_space<vmem>>) offsets(%dma_start3A_41 : memref<128xi32, #tpu.memory_space<vmem>>) semaphore(%arg11 : memref<!tpu.dma_semaphore, #tpu.memory_space<semaphore_mem>>)
    %dma_start3A_45 = arith.constant 0 : i32
    %dma_start3A_46 = arith.constant 0 : i32
    %dma_start3A_47 = tpu.memref_slice %arg8[%dma_start3A_45, %dma_start3A_46] : memref<256x32xf32, #tpu.memory_space<vmem>> -> memref<128x32xf32, #tpu.memory_space<vmem>>
    %dma_start3A_48 = arith.constant 256 : i32
    %dma_start3A_49 = tpu.memref_slice %arg6[%dma_start3A_48] : memref<13312xi32, #tpu.memory_space<vmem>> -> memref<128xi32, #tpu.memory_space<vmem>>
    %dma_start3A_50 = arith.constant 0 : i32
    %dma_start3A_51 = arith.constant 0 : i32
    %dma_start3A_52 = tpu.memref_slice %arg3[%dma_start3A_50, %dma_start3A_51] : memref<1040000x32xf32, #tpu.memory_space<hbm>> -> memref<1040000x32xf32, #tpu.memory_space<hbm>>
    tpu.enqueue_indirect_dma source(%dma_start3A_52 : memref<1040000x32xf32, #tpu.memory_space<hbm>>) target(%dma_start3A_47 : memref<128x32xf32, #tpu.memory_space<vmem>>) offsets(%dma_start3A_49 : memref<128xi32, #tpu.memory_space<vmem>>) semaphore(%arg12 : memref<!tpu.dma_semaphore, #tpu.memory_space<semaphore_mem>>)
    %dma_start3A_53 = arith.constant 128 : i32
    %dma_start3A_54 = arith.constant 0 : i32
    %dma_start3A_55 = tpu.memref_slice %arg8[%dma_start3A_53, %dma_start3A_54] : memref<256x32xf32, #tpu.memory_space<vmem>> -> memref<128x32xf32, #tpu.memory_space<vmem>>
    %dma_start3A_56 = arith.constant 384 : i32
    %dma_start3A_57 = tpu.memref_slice %arg6[%dma_start3A_56] : memref<13312xi32, #tpu.memory_space<vmem>> -> memref<128xi32, #tpu.memory_space<vmem>>
    %dma_start3A_58 = arith.constant 0 : i32
    %dma_start3A_59 = arith.constant 0 : i32
    %dma_start3A_60 = tpu.memref_slice %arg3[%dma_start3A_58, %dma_start3A_59] : memref<1040000x32xf32, #tpu.memory_space<hbm>> -> memref<1040000x32xf32, #tpu.memory_space<hbm>>
    tpu.enqueue_indirect_dma source(%dma_start3A_60 : memref<1040000x32xf32, #tpu.memory_space<hbm>>) target(%dma_start3A_55 : memref<128x32xf32, #tpu.memory_space<vmem>>) offsets(%dma_start3A_57 : memref<128xi32, #tpu.memory_space<vmem>>) semaphore(%arg12 : memref<!tpu.dma_semaphore, #tpu.memory_space<semaphore_mem>>)
    %scan3A_61 = arith.constant 0 : i32
    %scan3A_62 = arith.constant 0 : i32
    %scan3A_63 = arith.constant 25 : i32
    %scan3A_64 = arith.addi %scan3A_62, %scan3A_63 : i32
    %scan3A_65 = arith.constant 1 : i32
    scf.for %scan3A_662 = %scan3A_62 to %scan3A_64 step %scan3A_65  : i32 {
      %dma_wait3A_663 = arith.constant 0 : i32
      %dma_wait3A_664 = arith.constant 0 : i32
      %dma_wait3A_665 = tpu.memref_slice %arg7[%dma_wait3A_663, %dma_wait3A_664] : memref<256x32xf32, #tpu.memory_space<vmem>> -> memref<128x32xf32, #tpu.memory_space<vmem>>
      %dma_wait3A_666 = arith.constant 0 : i32
      %dma_wait3A_667 = tpu.memref_slice %arg6[%dma_wait3A_666] : memref<13312xi32, #tpu.memory_space<vmem>> -> memref<128xi32, #tpu.memory_space<vmem>>
      %dma_wait3A_668 = arith.constant 0 : i32
      %dma_wait3A_669 = arith.constant 0 : i32
      %dma_wait3A_670 = tpu.memref_slice %arg3[%dma_wait3A_668, %dma_wait3A_669] : memref<1040000x32xf32, #tpu.memory_space<hbm>> -> memref<1040000x32xf32, #tpu.memory_space<hbm>>
      tpu.wait_indirect_dma semaphore(%arg11 : memref<!tpu.dma_semaphore, #tpu.memory_space<semaphore_mem>>) src(%dma_wait3A_670 : memref<1040000x32xf32, #tpu.memory_space<hbm>>) dst(%dma_wait3A_665 : memref<128x32xf32, #tpu.memory_space<vmem>>)
      %dma_wait3A_671 = arith.constant 128 : i32
      %dma_wait3A_672 = arith.constant 0 : i32
      %dma_wait3A_673 = tpu.memref_slice %arg7[%dma_wait3A_671, %dma_wait3A_672] : memref<256x32xf32, #tpu.memory_space<vmem>> -> memref<128x32xf32, #tpu.memory_space<vmem>>
      %dma_wait3A_674 = arith.constant 0 : i32
      %dma_wait3A_675 = tpu.memref_slice %arg6[%dma_wait3A_674] : memref<13312xi32, #tpu.memory_space<vmem>> -> memref<128xi32, #tpu.memory_space<vmem>>
      %dma_wait3A_676 = arith.constant 0 : i32
      %dma_wait3A_677 = arith.constant 0 : i32
      %dma_wait3A_678 = tpu.memref_slice %arg3[%dma_wait3A_676, %dma_wait3A_677] : memref<1040000x32xf32, #tpu.memory_space<hbm>> -> memref<1040000x32xf32, #tpu.memory_space<hbm>>
      tpu.wait_indirect_dma semaphore(%arg11 : memref<!tpu.dma_semaphore, #tpu.memory_space<semaphore_mem>>) src(%dma_wait3A_678 : memref<1040000x32xf32, #tpu.memory_space<hbm>>) dst(%dma_wait3A_673 : memref<128x32xf32, #tpu.memory_space<vmem>>)
      %ge3A = arith.constant 1 : i32
      %ge3A_679 = arith.cmpi sge, %scan3A_662, %ge3A : i32
      %convert_element_type3A = arith.extui %ge3A_679 : i1 to i32
      %cond3A = arith.constant 0 : i32
      %cond3A_680 = arith.cmpi ne, %convert_element_type3A, %cond3A : i32
      scf.if %cond3A_680 {
        %dma_wait3A_930 = arith.constant 0 : i32
        %dma_wait3A_931 = arith.constant 0 : i32
        %dma_wait3A_932 = arith.constant 0 : i32
        %dma_wait3A_933 = arith.constant 0 : i32
        %dma_wait3A_934 = arith.constant 0 : i32
        %dma_wait3A_935 = arith.constant 0 : i32
        %dma_wait3A_936 = tpu.memref_slice %arg9[%dma_wait3A_933, %dma_wait3A_930, %dma_wait3A_934, %dma_wait3A_935] : memref<2x4x8x131xf32, #tpu.memory_space<vmem>> -> memref<2x1x8x128xf32, #tpu.memory_space<vmem>>
        %dma_wait3A_937 = tpu.memref_squeeze %dma_wait3A_936 : memref<2x1x8x128xf32, #tpu.memory_space<vmem>> -> memref<2x8x128xf32, #tpu.memory_space<vmem>>
        %dma_wait3A_938 = arith.constant 0 : i32
        %dma_wait3A_939 = arith.constant 0 : i32
        %dma_wait3A_940 = arith.constant 0 : i32
        %dma_wait3A_941 = tpu.memref_slice %arg4[%dma_wait3A_931, %dma_wait3A_932, %dma_wait3A_938, %dma_wait3A_939, %dma_wait3A_940] : memref<26x4x128x8x128xf32, #tpu.memory_space<hbm>> -> memref<1x1x2x8x128xf32, #tpu.memory_space<hbm>>
        %dma_wait3A_942 = tpu.memref_squeeze %dma_wait3A_941 : memref<1x1x2x8x128xf32, #tpu.memory_space<hbm>> -> memref<2x8x128xf32, #tpu.memory_space<hbm>>
        %dma_wait3A_943 = arith.constant 0 : i32
        %dma_wait3A_944 = arith.constant 0 : i32
        %dma_wait3A_945 = arith.constant 0 : i32
        %dma_wait3A_946 = tpu.memref_slice %arg4[%dma_wait3A_931, %dma_wait3A_932, %dma_wait3A_943, %dma_wait3A_944, %dma_wait3A_945] : memref<26x4x128x8x128xf32, #tpu.memory_space<hbm>> -> memref<1x1x2x8x128xf32, #tpu.memory_space<hbm>>
        %dma_wait3A_947 = tpu.memref_squeeze %dma_wait3A_946 : memref<1x1x2x8x128xf32, #tpu.memory_space<hbm>> -> memref<2x8x128xf32, #tpu.memory_space<hbm>>
        %dma_wait3A_948 = arith.constant 0 : i32
        %dma_wait3A_949 = arith.constant 0 : i32
        %dma_wait3A_950 = arith.constant 0 : i32
        %dma_wait3A_951 = tpu.memref_slice %arg9[%dma_wait3A_948, %dma_wait3A_930, %dma_wait3A_949, %dma_wait3A_950] : memref<2x4x8x131xf32, #tpu.memory_space<vmem>> -> memref<2x1x8x128xf32, #tpu.memory_space<vmem>>
        %dma_wait3A_952 = tpu.memref_squeeze %dma_wait3A_951 : memref<2x1x8x128xf32, #tpu.memory_space<vmem>> -> memref<2x8x128xf32, #tpu.memory_space<vmem>>
        tpu.wait_dma2 semaphore(%arg13 : memref<!tpu.dma_semaphore, #tpu.memory_space<semaphore_mem>>) src(%dma_wait3A_952 : memref<2x8x128xf32, #tpu.memory_space<vmem>>) dst(%dma_wait3A_947 : memref<2x8x128xf32, #tpu.memory_space<hbm>>)
        %dma_wait3A_953 = arith.constant 1 : i32
        %dma_wait3A_954 = arith.constant 0 : i32
        %dma_wait3A_955 = arith.constant 1 : i32
        %dma_wait3A_956 = arith.constant 0 : i32
        %dma_wait3A_957 = arith.constant 0 : i32
        %dma_wait3A_958 = arith.constant 0 : i32
        %dma_wait3A_959 = tpu.memref_slice %arg9[%dma_wait3A_956, %dma_wait3A_953, %dma_wait3A_957, %dma_wait3A_958] : memref<2x4x8x131xf32, #tpu.memory_space<vmem>> -> memref<2x1x8x128xf32, #tpu.memory_space<vmem>>
        %dma_wait3A_960 = tpu.memref_squeeze %dma_wait3A_959 : memref<2x1x8x128xf32, #tpu.memory_space<vmem>> -> memref<2x8x128xf32, #tpu.memory_space<vmem>>
        %dma_wait3A_961 = arith.constant 0 : i32
        %dma_wait3A_962 = arith.constant 0 : i32
        %dma_wait3A_963 = arith.constant 0 : i32
        %dma_wait3A_964 = tpu.memref_slice %arg4[%dma_wait3A_954, %dma_wait3A_955, %dma_wait3A_961, %dma_wait3A_962, %dma_wait3A_963] : memref<26x4x128x8x128xf32, #tpu.memory_space<hbm>> -> memref<1x1x2x8x128xf32, #tpu.memory_space<hbm>>
        %dma_wait3A_965 = tpu.memref_squeeze %dma_wait3A_964 : memref<1x1x2x8x128xf32, #tpu.memory_space<hbm>> -> memref<2x8x128xf32, #tpu.memory_space<hbm>>
        %dma_wait3A_966 = arith.constant 0 : i32
        %dma_wait3A_967 = arith.constant 0 : i32
        %dma_wait3A_968 = arith.constant 0 : i32
        %dma_wait3A_969 = tpu.memref_slice %arg4[%dma_wait3A_954, %dma_wait3A_955, %dma_wait3A_966, %dma_wait3A_967, %dma_wait3A_968] : memref<26x4x128x8x128xf32, #tpu.memory_space<hbm>> -> memref<1x1x2x8x128xf32, #tpu.memory_space<hbm>>
        %dma_wait3A_970 = tpu.memref_squeeze %dma_wait3A_969 : memref<1x1x2x8x128xf32, #tpu.memory_space<hbm>> -> memref<2x8x128xf32, #tpu.memory_space<hbm>>
        %dma_wait3A_971 = arith.constant 0 : i32
        %dma_wait3A_972 = arith.constant 0 : i32
        %dma_wait3A_973 = arith.constant 0 : i32
        %dma_wait3A_974 = tpu.memref_slice %arg9[%dma_wait3A_971, %dma_wait3A_953, %dma_wait3A_972, %dma_wait3A_973] : memref<2x4x8x131xf32, #tpu.memory_space<vmem>> -> memref<2x1x8x128xf32, #tpu.memory_space<vmem>>
        %dma_wait3A_975 = tpu.memref_squeeze %dma_wait3A_974 : memref<2x1x8x128xf32, #tpu.memory_space<vmem>> -> memref<2x8x128xf32, #tpu.memory_space<vmem>>
        tpu.wait_dma2 semaphore(%arg13 : memref<!tpu.dma_semaphore, #tpu.memory_space<semaphore_mem>>) src(%dma_wait3A_975 : memref<2x8x128xf32, #tpu.memory_space<vmem>>) dst(%dma_wait3A_970 : memref<2x8x128xf32, #tpu.memory_space<hbm>>)
        %dma_wait3A_976 = arith.constant 2 : i32
        %dma_wait3A_977 = arith.constant 0 : i32
        %dma_wait3A_978 = arith.constant 2 : i32
        %dma_wait3A_979 = arith.constant 0 : i32
        %dma_wait3A_980 = arith.constant 0 : i32
        %dma_wait3A_981 = arith.constant 0 : i32
        %dma_wait3A_982 = tpu.memref_slice %arg9[%dma_wait3A_979, %dma_wait3A_976, %dma_wait3A_980, %dma_wait3A_981] : memref<2x4x8x131xf32, #tpu.memory_space<vmem>> -> memref<2x1x8x128xf32, #tpu.memory_space<vmem>>
        %dma_wait3A_983 = tpu.memref_squeeze %dma_wait3A_982 : memref<2x1x8x128xf32, #tpu.memory_space<vmem>> -> memref<2x8x128xf32, #tpu.memory_space<vmem>>
        %dma_wait3A_984 = arith.constant 0 : i32
        %dma_wait3A_985 = arith.constant 0 : i32
        %dma_wait3A_986 = arith.constant 0 : i32
        %dma_wait3A_987 = tpu.memref_slice %arg4[%dma_wait3A_977, %dma_wait3A_978, %dma_wait3A_984, %dma_wait3A_985, %dma_wait3A_986] : memref<26x4x128x8x128xf32, #tpu.memory_space<hbm>> -> memref<1x1x2x8x128xf32, #tpu.memory_space<hbm>>
        %dma_wait3A_988 = tpu.memref_squeeze %dma_wait3A_987 : memref<1x1x2x8x128xf32, #tpu.memory_space<hbm>> -> memref<2x8x128xf32, #tpu.memory_space<hbm>>
        %dma_wait3A_989 = arith.constant 0 : i32
        %dma_wait3A_990 = arith.constant 0 : i32
        %dma_wait3A_991 = arith.constant 0 : i32
        %dma_wait3A_992 = tpu.memref_slice %arg4[%dma_wait3A_977, %dma_wait3A_978, %dma_wait3A_989, %dma_wait3A_990, %dma_wait3A_991] : memref<26x4x128x8x128xf32, #tpu.memory_space<hbm>> -> memref<1x1x2x8x128xf32, #tpu.memory_space<hbm>>
        %dma_wait3A_993 = tpu.memref_squeeze %dma_wait3A_992 : memref<1x1x2x8x128xf32, #tpu.memory_space<hbm>> -> memref<2x8x128xf32, #tpu.memory_space<hbm>>
        %dma_wait3A_994 = arith.constant 0 : i32
        %dma_wait3A_995 = arith.constant 0 : i32
        %dma_wait3A_996 = arith.constant 0 : i32
        %dma_wait3A_997 = tpu.memref_slice %arg9[%dma_wait3A_994, %dma_wait3A_976, %dma_wait3A_995, %dma_wait3A_996] : memref<2x4x8x131xf32, #tpu.memory_space<vmem>> -> memref<2x1x8x128xf32, #tpu.memory_space<vmem>>
        %dma_wait3A_998 = tpu.memref_squeeze %dma_wait3A_997 : memref<2x1x8x128xf32, #tpu.memory_space<vmem>> -> memref<2x8x128xf32, #tpu.memory_space<vmem>>
        tpu.wait_dma2 semaphore(%arg13 : memref<!tpu.dma_semaphore, #tpu.memory_space<semaphore_mem>>) src(%dma_wait3A_998 : memref<2x8x128xf32, #tpu.memory_space<vmem>>) dst(%dma_wait3A_993 : memref<2x8x128xf32, #tpu.memory_space<hbm>>)
        %dma_wait3A_999 = arith.constant 3 : i32
        %dma_wait3A_1000 = arith.constant 0 : i32
        %dma_wait3A_1001 = arith.constant 3 : i32
        %dma_wait3A_1002 = arith.constant 0 : i32
        %dma_wait3A_1003 = arith.constant 0 : i32
        %dma_wait3A_1004 = arith.constant 0 : i32
        %dma_wait3A_1005 = tpu.memref_slice %arg9[%dma_wait3A_1002, %dma_wait3A_999, %dma_wait3A_1003, %dma_wait3A_1004] : memref<2x4x8x131xf32, #tpu.memory_space<vmem>> -> memref<2x1x8x128xf32, #tpu.memory_space<vmem>>
        %dma_wait3A_1006 = tpu.memref_squeeze %dma_wait3A_1005 : memref<2x1x8x128xf32, #tpu.memory_space<vmem>> -> memref<2x8x128xf32, #tpu.memory_space<vmem>>
        %dma_wait3A_1007 = arith.constant 0 : i32
        %dma_wait3A_1008 = arith.constant 0 : i32
        %dma_wait3A_1009 = arith.constant 0 : i32
        %dma_wait3A_1010 = tpu.memref_slice %arg4[%dma_wait3A_1000, %dma_wait3A_1001, %dma_wait3A_1007, %dma_wait3A_1008, %dma_wait3A_1009] : memref<26x4x128x8x128xf32, #tpu.memory_space<hbm>> -> memref<1x1x2x8x128xf32, #tpu.memory_space<hbm>>
        %dma_wait3A_1011 = tpu.memref_squeeze %dma_wait3A_1010 : memref<1x1x2x8x128xf32, #tpu.memory_space<hbm>> -> memref<2x8x128xf32, #tpu.memory_space<hbm>>
        %dma_wait3A_1012 = arith.constant 0 : i32
        %dma_wait3A_1013 = arith.constant 0 : i32
        %dma_wait3A_1014 = arith.constant 0 : i32
        %dma_wait3A_1015 = tpu.memref_slice %arg4[%dma_wait3A_1000, %dma_wait3A_1001, %dma_wait3A_1012, %dma_wait3A_1013, %dma_wait3A_1014] : memref<26x4x128x8x128xf32, #tpu.memory_space<hbm>> -> memref<1x1x2x8x128xf32, #tpu.memory_space<hbm>>
        %dma_wait3A_1016 = tpu.memref_squeeze %dma_wait3A_1015 : memref<1x1x2x8x128xf32, #tpu.memory_space<hbm>> -> memref<2x8x128xf32, #tpu.memory_space<hbm>>
        %dma_wait3A_1017 = arith.constant 0 : i32
        %dma_wait3A_1018 = arith.constant 0 : i32
        %dma_wait3A_1019 = arith.constant 0 : i32
        %dma_wait3A_1020 = tpu.memref_slice %arg9[%dma_wait3A_1017, %dma_wait3A_999, %dma_wait3A_1018, %dma_wait3A_1019] : memref<2x4x8x131xf32, #tpu.memory_space<vmem>> -> memref<2x1x8x128xf32, #tpu.memory_space<vmem>>
        %dma_wait3A_1021 = tpu.memref_squeeze %dma_wait3A_1020 : memref<2x1x8x128xf32, #tpu.memory_space<vmem>> -> memref<2x8x128xf32, #tpu.memory_space<vmem>>
        tpu.wait_dma2 semaphore(%arg13 : memref<!tpu.dma_semaphore, #tpu.memory_space<semaphore_mem>>) src(%dma_wait3A_1021 : memref<2x8x128xf32, #tpu.memory_space<vmem>>) dst(%dma_wait3A_1016 : memref<2x8x128xf32, #tpu.memory_space<hbm>>)
      } else {
      }
      %add3A_681 = arith.constant 0 : i32
      %add3A_682 = arith.addi %mul3A_4, %add3A_681 : i32
      %dma_start3A_683 = arith.constant 0 : i32
      %dma_start3A_684 = arith.constant 0 : i32
      %dma_start3A_685 = arith.constant 0 : i32
      %dma_start3A_686 = arith.constant 0 : i32
      %dma_start3A_687 = arith.constant 0 : i32
      %dma_start3A_688 = tpu.memref_slice %arg9[%dma_start3A_685, %dma_start3A_683, %dma_start3A_686, %dma_start3A_687] : memref<2x4x8x131xf32, #tpu.memory_space<vmem>> -> memref<2x1x8x128xf32, #tpu.memory_space<vmem>>
      %dma_start3A_689 = tpu.memref_squeeze %dma_start3A_688 : memref<2x1x8x128xf32, #tpu.memory_space<vmem>> -> memref<2x8x128xf32, #tpu.memory_space<vmem>>
      %dma_start3A_690 = arith.constant 0 : i32
      %dma_start3A_691 = arith.constant 0 : i32
      %dma_start3A_692 = tpu.memref_slice %arg4[%scan3A_662, %dma_start3A_684, %add3A_682, %dma_start3A_690, %dma_start3A_691] : memref<26x4x128x8x128xf32, #tpu.memory_space<hbm>> -> memref<1x1x2x8x128xf32, #tpu.memory_space<hbm>>
      %dma_start3A_693 = tpu.memref_squeeze %dma_start3A_692 : memref<1x1x2x8x128xf32, #tpu.memory_space<hbm>> -> memref<2x8x128xf32, #tpu.memory_space<hbm>>
      %dma_start3A_694 = arith.constant 0 : i32
      %dma_start3A_695 = arith.constant 0 : i32
      %dma_start3A_696 = tpu.memref_slice %arg4[%scan3A_662, %dma_start3A_684, %add3A_682, %dma_start3A_694, %dma_start3A_695] : memref<26x4x128x8x128xf32, #tpu.memory_space<hbm>> -> memref<1x1x2x8x128xf32, #tpu.memory_space<hbm>>
      %dma_start3A_697 = tpu.memref_squeeze %dma_start3A_696 : memref<1x1x2x8x128xf32, #tpu.memory_space<hbm>> -> memref<2x8x128xf32, #tpu.memory_space<hbm>>
      %dma_start3A_698 = arith.constant 0 : i32
      %dma_start3A_699 = arith.constant 0 : i32
      %dma_start3A_700 = arith.constant 0 : i32
      %dma_start3A_701 = tpu.memref_slice %arg9[%dma_start3A_698, %dma_start3A_683, %dma_start3A_699, %dma_start3A_700] : memref<2x4x8x131xf32, #tpu.memory_space<vmem>> -> memref<2x1x8x128xf32, #tpu.memory_space<vmem>>
      %dma_start3A_702 = tpu.memref_squeeze %dma_start3A_701 : memref<2x1x8x128xf32, #tpu.memory_space<vmem>> -> memref<2x8x128xf32, #tpu.memory_space<vmem>>
      tpu.enqueue_dma source(%dma_start3A_702 : memref<2x8x128xf32, #tpu.memory_space<vmem>>) target(%dma_start3A_697 : memref<2x8x128xf32, #tpu.memory_space<hbm>>) target_semaphore(%arg13 : memref<!tpu.dma_semaphore, #tpu.memory_space<semaphore_mem>>)
      %add3A_703 = arith.constant 0 : i32
      %add3A_704 = arith.addi %mul3A_4, %add3A_703 : i32
      %dma_start3A_705 = arith.constant 1 : i32
      %dma_start3A_706 = arith.constant 1 : i32
      %dma_start3A_707 = arith.constant 0 : i32
      %dma_start3A_708 = arith.constant 0 : i32
      %dma_start3A_709 = arith.constant 0 : i32
      %dma_start3A_710 = tpu.memref_slice %arg9[%dma_start3A_707, %dma_start3A_705, %dma_start3A_708, %dma_start3A_709] : memref<2x4x8x131xf32, #tpu.memory_space<vmem>> -> memref<2x1x8x128xf32, #tpu.memory_space<vmem>>
      %dma_start3A_711 = tpu.memref_squeeze %dma_start3A_710 : memref<2x1x8x128xf32, #tpu.memory_space<vmem>> -> memref<2x8x128xf32, #tpu.memory_space<vmem>>
      %dma_start3A_712 = arith.constant 0 : i32
      %dma_start3A_713 = arith.constant 0 : i32
      %dma_start3A_714 = tpu.memref_slice %arg4[%scan3A_662, %dma_start3A_706, %add3A_704, %dma_start3A_712, %dma_start3A_713] : memref<26x4x128x8x128xf32, #tpu.memory_space<hbm>> -> memref<1x1x2x8x128xf32, #tpu.memory_space<hbm>>
      %dma_start3A_715 = tpu.memref_squeeze %dma_start3A_714 : memref<1x1x2x8x128xf32, #tpu.memory_space<hbm>> -> memref<2x8x128xf32, #tpu.memory_space<hbm>>
      %dma_start3A_716 = arith.constant 0 : i32
      %dma_start3A_717 = arith.constant 0 : i32
      %dma_start3A_718 = tpu.memref_slice %arg4[%scan3A_662, %dma_start3A_706, %add3A_704, %dma_start3A_716, %dma_start3A_717] : memref<26x4x128x8x128xf32, #tpu.memory_space<hbm>> -> memref<1x1x2x8x128xf32, #tpu.memory_space<hbm>>
      %dma_start3A_719 = tpu.memref_squeeze %dma_start3A_718 : memref<1x1x2x8x128xf32, #tpu.memory_space<hbm>> -> memref<2x8x128xf32, #tpu.memory_space<hbm>>
      %dma_start3A_720 = arith.constant 0 : i32
      %dma_start3A_721 = arith.constant 0 : i32
      %dma_start3A_722 = arith.constant 0 : i32
      %dma_start3A_723 = tpu.memref_slice %arg9[%dma_start3A_720, %dma_start3A_705, %dma_start3A_721, %dma_start3A_722] : memref<2x4x8x131xf32, #tpu.memory_space<vmem>> -> memref<2x1x8x128xf32, #tpu.memory_space<vmem>>
      %dma_start3A_724 = tpu.memref_squeeze %dma_start3A_723 : memref<2x1x8x128xf32, #tpu.memory_space<vmem>> -> memref<2x8x128xf32, #tpu.memory_space<vmem>>
      tpu.enqueue_dma source(%dma_start3A_724 : memref<2x8x128xf32, #tpu.memory_space<vmem>>) target(%dma_start3A_719 : memref<2x8x128xf32, #tpu.memory_space<hbm>>) target_semaphore(%arg13 : memref<!tpu.dma_semaphore, #tpu.memory_space<semaphore_mem>>)
      %add3A_725 = arith.constant 0 : i32
      %add3A_726 = arith.addi %mul3A_4, %add3A_725 : i32
      %dma_start3A_727 = arith.constant 2 : i32
      %dma_start3A_728 = arith.constant 2 : i32
      %dma_start3A_729 = arith.constant 0 : i32
      %dma_start3A_730 = arith.constant 0 : i32
      %dma_start3A_731 = arith.constant 0 : i32
      %dma_start3A_732 = tpu.memref_slice %arg9[%dma_start3A_729, %dma_start3A_727, %dma_start3A_730, %dma_start3A_731] : memref<2x4x8x131xf32, #tpu.memory_space<vmem>> -> memref<2x1x8x128xf32, #tpu.memory_space<vmem>>
      %dma_start3A_733 = tpu.memref_squeeze %dma_start3A_732 : memref<2x1x8x128xf32, #tpu.memory_space<vmem>> -> memref<2x8x128xf32, #tpu.memory_space<vmem>>
      %dma_start3A_734 = arith.constant 0 : i32
      %dma_start3A_735 = arith.constant 0 : i32
      %dma_start3A_736 = tpu.memref_slice %arg4[%scan3A_662, %dma_start3A_728, %add3A_726, %dma_start3A_734, %dma_start3A_735] : memref<26x4x128x8x128xf32, #tpu.memory_space<hbm>> -> memref<1x1x2x8x128xf32, #tpu.memory_space<hbm>>
      %dma_start3A_737 = tpu.memref_squeeze %dma_start3A_736 : memref<1x1x2x8x128xf32, #tpu.memory_space<hbm>> -> memref<2x8x128xf32, #tpu.memory_space<hbm>>
      %dma_start3A_738 = arith.constant 0 : i32
      %dma_start3A_739 = arith.constant 0 : i32
      %dma_start3A_740 = tpu.memref_slice %arg4[%scan3A_662, %dma_start3A_728, %add3A_726, %dma_start3A_738, %dma_start3A_739] : memref<26x4x128x8x128xf32, #tpu.memory_space<hbm>> -> memref<1x1x2x8x128xf32, #tpu.memory_space<hbm>>
      %dma_start3A_741 = tpu.memref_squeeze %dma_start3A_740 : memref<1x1x2x8x128xf32, #tpu.memory_space<hbm>> -> memref<2x8x128xf32, #tpu.memory_space<hbm>>
      %dma_start3A_742 = arith.constant 0 : i32
      %dma_start3A_743 = arith.constant 0 : i32
      %dma_start3A_744 = arith.constant 0 : i32
      %dma_start3A_745 = tpu.memref_slice %arg9[%dma_start3A_742, %dma_start3A_727, %dma_start3A_743, %dma_start3A_744] : memref<2x4x8x131xf32, #tpu.memory_space<vmem>> -> memref<2x1x8x128xf32, #tpu.memory_space<vmem>>
      %dma_start3A_746 = tpu.memref_squeeze %dma_start3A_745 : memref<2x1x8x128xf32, #tpu.memory_space<vmem>> -> memref<2x8x128xf32, #tpu.memory_space<vmem>>
      tpu.enqueue_dma source(%dma_start3A_746 : memref<2x8x128xf32, #tpu.memory_space<vmem>>) target(%dma_start3A_741 : memref<2x8x128xf32, #tpu.memory_space<hbm>>) target_semaphore(%arg13 : memref<!tpu.dma_semaphore, #tpu.memory_space<semaphore_mem>>)
      %add3A_747 = arith.constant 0 : i32
      %add3A_748 = arith.addi %mul3A_4, %add3A_747 : i32
      %dma_start3A_749 = arith.constant 3 : i32
      %dma_start3A_750 = arith.constant 3 : i32
      %dma_start3A_751 = arith.constant 0 : i32
      %dma_start3A_752 = arith.constant 0 : i32
      %dma_start3A_753 = arith.constant 0 : i32
      %dma_start3A_754 = tpu.memref_slice %arg9[%dma_start3A_751, %dma_start3A_749, %dma_start3A_752, %dma_start3A_753] : memref<2x4x8x131xf32, #tpu.memory_space<vmem>> -> memref<2x1x8x128xf32, #tpu.memory_space<vmem>>
      %dma_start3A_755 = tpu.memref_squeeze %dma_start3A_754 : memref<2x1x8x128xf32, #tpu.memory_space<vmem>> -> memref<2x8x128xf32, #tpu.memory_space<vmem>>
      %dma_start3A_756 = arith.constant 0 : i32
      %dma_start3A_757 = arith.constant 0 : i32
      %dma_start3A_758 = tpu.memref_slice %arg4[%scan3A_662, %dma_start3A_750, %add3A_748, %dma_start3A_756, %dma_start3A_757] : memref<26x4x128x8x128xf32, #tpu.memory_space<hbm>> -> memref<1x1x2x8x128xf32, #tpu.memory_space<hbm>>
      %dma_start3A_759 = tpu.memref_squeeze %dma_start3A_758 : memref<1x1x2x8x128xf32, #tpu.memory_space<hbm>> -> memref<2x8x128xf32, #tpu.memory_space<hbm>>
      %dma_start3A_760 = arith.constant 0 : i32
      %dma_start3A_761 = arith.constant 0 : i32
      %dma_start3A_762 = tpu.memref_slice %arg4[%scan3A_662, %dma_start3A_750, %add3A_748, %dma_start3A_760, %dma_start3A_761] : memref<26x4x128x8x128xf32, #tpu.memory_space<hbm>> -> memref<1x1x2x8x128xf32, #tpu.memory_space<hbm>>
      %dma_start3A_763 = tpu.memref_squeeze %dma_start3A_762 : memref<1x1x2x8x128xf32, #tpu.memory_space<hbm>> -> memref<2x8x128xf32, #tpu.memory_space<hbm>>
      %dma_start3A_764 = arith.constant 0 : i32
      %dma_start3A_765 = arith.constant 0 : i32
      %dma_start3A_766 = arith.constant 0 : i32
      %dma_start3A_767 = tpu.memref_slice %arg9[%dma_start3A_764, %dma_start3A_749, %dma_start3A_765, %dma_start3A_766] : memref<2x4x8x131xf32, #tpu.memory_space<vmem>> -> memref<2x1x8x128xf32, #tpu.memory_space<vmem>>
      %dma_start3A_768 = tpu.memref_squeeze %dma_start3A_767 : memref<2x1x8x128xf32, #tpu.memory_space<vmem>> -> memref<2x8x128xf32, #tpu.memory_space<vmem>>
      tpu.enqueue_dma source(%dma_start3A_768 : memref<2x8x128xf32, #tpu.memory_space<vmem>>) target(%dma_start3A_763 : memref<2x8x128xf32, #tpu.memory_space<hbm>>) target_semaphore(%arg13 : memref<!tpu.dma_semaphore, #tpu.memory_space<semaphore_mem>>)
      %mul3A_769 = arith.constant 2 : i32
      %mul3A_770 = arith.muli %mul3A_769, %scan3A_662 : i32
      %add3A_771 = arith.constant 2 : i32
      %add3A_772 = arith.addi %mul3A_770, %add3A_771 : i32
      %mul3A_773 = arith.constant 256 : i32
      %mul3A_774 = arith.muli %add3A_772, %mul3A_773 : i32
      %add3A_775 = arith.constant 0 : i32
      %add3A_776 = arith.addi %mul3A_774, %add3A_775 : i32
      %dma_start3A_777 = arith.constant 0 : i32
      %dma_start3A_778 = arith.constant 0 : i32
      %dma_start3A_779 = tpu.memref_slice %arg7[%dma_start3A_777, %dma_start3A_778] : memref<256x32xf32, #tpu.memory_space<vmem>> -> memref<128x32xf32, #tpu.memory_space<vmem>>
      %dma_start3A_780 = tpu.memref_slice %arg6[%add3A_776] : memref<13312xi32, #tpu.memory_space<vmem>> -> memref<128xi32, #tpu.memory_space<vmem>>
      %dma_start3A_781 = arith.constant 0 : i32
      %dma_start3A_782 = arith.constant 0 : i32
      %dma_start3A_783 = tpu.memref_slice %arg3[%dma_start3A_781, %dma_start3A_782] : memref<1040000x32xf32, #tpu.memory_space<hbm>> -> memref<1040000x32xf32, #tpu.memory_space<hbm>>
      tpu.enqueue_indirect_dma source(%dma_start3A_783 : memref<1040000x32xf32, #tpu.memory_space<hbm>>) target(%dma_start3A_779 : memref<128x32xf32, #tpu.memory_space<vmem>>) offsets(%dma_start3A_780 : memref<128xi32, #tpu.memory_space<vmem>>) semaphore(%arg11 : memref<!tpu.dma_semaphore, #tpu.memory_space<semaphore_mem>>)
      %mul3A_784 = arith.constant 256 : i32
      %mul3A_785 = arith.muli %add3A_772, %mul3A_784 : i32
      %add3A_786 = arith.constant 128 : i32
      %add3A_787 = arith.addi %mul3A_785, %add3A_786 : i32
      %dma_start3A_788 = arith.constant 128 : i32
      %dma_start3A_789 = arith.constant 0 : i32
      %dma_start3A_790 = tpu.memref_slice %arg7[%dma_start3A_788, %dma_start3A_789] : memref<256x32xf32, #tpu.memory_space<vmem>> -> memref<128x32xf32, #tpu.memory_space<vmem>>
      %dma_start3A_791 = tpu.memref_slice %arg6[%add3A_787] : memref<13312xi32, #tpu.memory_space<vmem>> -> memref<128xi32, #tpu.memory_space<vmem>>
      %dma_start3A_792 = arith.constant 0 : i32
      %dma_start3A_793 = arith.constant 0 : i32
      %dma_start3A_794 = tpu.memref_slice %arg3[%dma_start3A_792, %dma_start3A_793] : memref<1040000x32xf32, #tpu.memory_space<hbm>> -> memref<1040000x32xf32, #tpu.memory_space<hbm>>
      tpu.enqueue_indirect_dma source(%dma_start3A_794 : memref<1040000x32xf32, #tpu.memory_space<hbm>>) target(%dma_start3A_790 : memref<128x32xf32, #tpu.memory_space<vmem>>) offsets(%dma_start3A_791 : memref<128xi32, #tpu.memory_space<vmem>>) semaphore(%arg11 : memref<!tpu.dma_semaphore, #tpu.memory_space<semaphore_mem>>)
      %dma_wait3A_795 = arith.constant 0 : i32
      %dma_wait3A_796 = arith.constant 0 : i32
      %dma_wait3A_797 = tpu.memref_slice %arg8[%dma_wait3A_795, %dma_wait3A_796] : memref<256x32xf32, #tpu.memory_space<vmem>> -> memref<128x32xf32, #tpu.memory_space<vmem>>
      %dma_wait3A_798 = arith.constant 0 : i32
      %dma_wait3A_799 = tpu.memref_slice %arg6[%dma_wait3A_798] : memref<13312xi32, #tpu.memory_space<vmem>> -> memref<128xi32, #tpu.memory_space<vmem>>
      %dma_wait3A_800 = arith.constant 0 : i32
      %dma_wait3A_801 = arith.constant 0 : i32
      %dma_wait3A_802 = tpu.memref_slice %arg3[%dma_wait3A_800, %dma_wait3A_801] : memref<1040000x32xf32, #tpu.memory_space<hbm>> -> memref<1040000x32xf32, #tpu.memory_space<hbm>>
      tpu.wait_indirect_dma semaphore(%arg12 : memref<!tpu.dma_semaphore, #tpu.memory_space<semaphore_mem>>) src(%dma_wait3A_802 : memref<1040000x32xf32, #tpu.memory_space<hbm>>) dst(%dma_wait3A_797 : memref<128x32xf32, #tpu.memory_space<vmem>>)
      %dma_wait3A_803 = arith.constant 128 : i32
      %dma_wait3A_804 = arith.constant 0 : i32
      %dma_wait3A_805 = tpu.memref_slice %arg8[%dma_wait3A_803, %dma_wait3A_804] : memref<256x32xf32, #tpu.memory_space<vmem>> -> memref<128x32xf32, #tpu.memory_space<vmem>>
      %dma_wait3A_806 = arith.constant 0 : i32
      %dma_wait3A_807 = tpu.memref_slice %arg6[%dma_wait3A_806] : memref<13312xi32, #tpu.memory_space<vmem>> -> memref<128xi32, #tpu.memory_space<vmem>>
      %dma_wait3A_808 = arith.constant 0 : i32
      %dma_wait3A_809 = arith.constant 0 : i32
      %dma_wait3A_810 = tpu.memref_slice %arg3[%dma_wait3A_808, %dma_wait3A_809] : memref<1040000x32xf32, #tpu.memory_space<hbm>> -> memref<1040000x32xf32, #tpu.memory_space<hbm>>
      tpu.wait_indirect_dma semaphore(%arg12 : memref<!tpu.dma_semaphore, #tpu.memory_space<semaphore_mem>>) src(%dma_wait3A_810 : memref<1040000x32xf32, #tpu.memory_space<hbm>>) dst(%dma_wait3A_805 : memref<128x32xf32, #tpu.memory_space<vmem>>)
      %ge3A_811 = arith.constant 1 : i32
      %ge3A_812 = arith.cmpi sge, %scan3A_662, %ge3A_811 : i32
      %convert_element_type3A_813 = arith.extui %ge3A_812 : i1 to i32
      %cond3A_814 = arith.constant 0 : i32
      %cond3A_815 = arith.cmpi ne, %convert_element_type3A_813, %cond3A_814 : i32
      scf.if %cond3A_815 {
        %dma_wait3A_930 = arith.constant 0 : i32
        %dma_wait3A_931 = arith.constant 0 : i32
        %dma_wait3A_932 = arith.constant 0 : i32
        %dma_wait3A_933 = arith.constant 0 : i32
        %dma_wait3A_934 = arith.constant 0 : i32
        %dma_wait3A_935 = arith.constant 0 : i32
        %dma_wait3A_936 = tpu.memref_slice %arg10[%dma_wait3A_933, %dma_wait3A_930, %dma_wait3A_934, %dma_wait3A_935] : memref<2x4x8x131xf32, #tpu.memory_space<vmem>> -> memref<2x1x8x128xf32, #tpu.memory_space<vmem>>
        %dma_wait3A_937 = tpu.memref_squeeze %dma_wait3A_936 : memref<2x1x8x128xf32, #tpu.memory_space<vmem>> -> memref<2x8x128xf32, #tpu.memory_space<vmem>>
        %dma_wait3A_938 = arith.constant 0 : i32
        %dma_wait3A_939 = arith.constant 0 : i32
        %dma_wait3A_940 = arith.constant 0 : i32
        %dma_wait3A_941 = tpu.memref_slice %arg4[%dma_wait3A_931, %dma_wait3A_932, %dma_wait3A_938, %dma_wait3A_939, %dma_wait3A_940] : memref<26x4x128x8x128xf32, #tpu.memory_space<hbm>> -> memref<1x1x2x8x128xf32, #tpu.memory_space<hbm>>
        %dma_wait3A_942 = tpu.memref_squeeze %dma_wait3A_941 : memref<1x1x2x8x128xf32, #tpu.memory_space<hbm>> -> memref<2x8x128xf32, #tpu.memory_space<hbm>>
        %dma_wait3A_943 = arith.constant 0 : i32
        %dma_wait3A_944 = arith.constant 0 : i32
        %dma_wait3A_945 = arith.constant 0 : i32
        %dma_wait3A_946 = tpu.memref_slice %arg4[%dma_wait3A_931, %dma_wait3A_932, %dma_wait3A_943, %dma_wait3A_944, %dma_wait3A_945] : memref<26x4x128x8x128xf32, #tpu.memory_space<hbm>> -> memref<1x1x2x8x128xf32, #tpu.memory_space<hbm>>
        %dma_wait3A_947 = tpu.memref_squeeze %dma_wait3A_946 : memref<1x1x2x8x128xf32, #tpu.memory_space<hbm>> -> memref<2x8x128xf32, #tpu.memory_space<hbm>>
        %dma_wait3A_948 = arith.constant 0 : i32
        %dma_wait3A_949 = arith.constant 0 : i32
        %dma_wait3A_950 = arith.constant 0 : i32
        %dma_wait3A_951 = tpu.memref_slice %arg10[%dma_wait3A_948, %dma_wait3A_930, %dma_wait3A_949, %dma_wait3A_950] : memref<2x4x8x131xf32, #tpu.memory_space<vmem>> -> memref<2x1x8x128xf32, #tpu.memory_space<vmem>>
        %dma_wait3A_952 = tpu.memref_squeeze %dma_wait3A_951 : memref<2x1x8x128xf32, #tpu.memory_space<vmem>> -> memref<2x8x128xf32, #tpu.memory_space<vmem>>
        tpu.wait_dma2 semaphore(%arg14 : memref<!tpu.dma_semaphore, #tpu.memory_space<semaphore_mem>>) src(%dma_wait3A_952 : memref<2x8x128xf32, #tpu.memory_space<vmem>>) dst(%dma_wait3A_947 : memref<2x8x128xf32, #tpu.memory_space<hbm>>)
        %dma_wait3A_953 = arith.constant 1 : i32
        %dma_wait3A_954 = arith.constant 0 : i32
        %dma_wait3A_955 = arith.constant 1 : i32
        %dma_wait3A_956 = arith.constant 0 : i32
        %dma_wait3A_957 = arith.constant 0 : i32
        %dma_wait3A_958 = arith.constant 0 : i32
        %dma_wait3A_959 = tpu.memref_slice %arg10[%dma_wait3A_956, %dma_wait3A_953, %dma_wait3A_957, %dma_wait3A_958] : memref<2x4x8x131xf32, #tpu.memory_space<vmem>> -> memref<2x1x8x128xf32, #tpu.memory_space<vmem>>
        %dma_wait3A_960 = tpu.memref_squeeze %dma_wait3A_959 : memref<2x1x8x128xf32, #tpu.memory_space<vmem>> -> memref<2x8x128xf32, #tpu.memory_space<vmem>>
        %dma_wait3A_961 = arith.constant 0 : i32
        %dma_wait3A_962 = arith.constant 0 : i32
        %dma_wait3A_963 = arith.constant 0 : i32
        %dma_wait3A_964 = tpu.memref_slice %arg4[%dma_wait3A_954, %dma_wait3A_955, %dma_wait3A_961, %dma_wait3A_962, %dma_wait3A_963] : memref<26x4x128x8x128xf32, #tpu.memory_space<hbm>> -> memref<1x1x2x8x128xf32, #tpu.memory_space<hbm>>
        %dma_wait3A_965 = tpu.memref_squeeze %dma_wait3A_964 : memref<1x1x2x8x128xf32, #tpu.memory_space<hbm>> -> memref<2x8x128xf32, #tpu.memory_space<hbm>>
        %dma_wait3A_966 = arith.constant 0 : i32
        %dma_wait3A_967 = arith.constant 0 : i32
        %dma_wait3A_968 = arith.constant 0 : i32
        %dma_wait3A_969 = tpu.memref_slice %arg4[%dma_wait3A_954, %dma_wait3A_955, %dma_wait3A_966, %dma_wait3A_967, %dma_wait3A_968] : memref<26x4x128x8x128xf32, #tpu.memory_space<hbm>> -> memref<1x1x2x8x128xf32, #tpu.memory_space<hbm>>
        %dma_wait3A_970 = tpu.memref_squeeze %dma_wait3A_969 : memref<1x1x2x8x128xf32, #tpu.memory_space<hbm>> -> memref<2x8x128xf32, #tpu.memory_space<hbm>>
        %dma_wait3A_971 = arith.constant 0 : i32
        %dma_wait3A_972 = arith.constant 0 : i32
        %dma_wait3A_973 = arith.constant 0 : i32
        %dma_wait3A_974 = tpu.memref_slice %arg10[%dma_wait3A_971, %dma_wait3A_953, %dma_wait3A_972, %dma_wait3A_973] : memref<2x4x8x131xf32, #tpu.memory_space<vmem>> -> memref<2x1x8x128xf32, #tpu.memory_space<vmem>>
        %dma_wait3A_975 = tpu.memref_squeeze %dma_wait3A_974 : memref<2x1x8x128xf32, #tpu.memory_space<vmem>> -> memref<2x8x128xf32, #tpu.memory_space<vmem>>
        tpu.wait_dma2 semaphore(%arg14 : memref<!tpu.dma_semaphore, #tpu.memory_space<semaphore_mem>>) src(%dma_wait3A_975 : memref<2x8x128xf32, #tpu.memory_space<vmem>>) dst(%dma_wait3A_970 : memref<2x8x128xf32, #tpu.memory_space<hbm>>)
        %dma_wait3A_976 = arith.constant 2 : i32
        %dma_wait3A_977 = arith.constant 0 : i32
        %dma_wait3A_978 = arith.constant 2 : i32
        %dma_wait3A_979 = arith.constant 0 : i32
        %dma_wait3A_980 = arith.constant 0 : i32
        %dma_wait3A_981 = arith.constant 0 : i32
        %dma_wait3A_982 = tpu.memref_slice %arg10[%dma_wait3A_979, %dma_wait3A_976, %dma_wait3A_980, %dma_wait3A_981] : memref<2x4x8x131xf32, #tpu.memory_space<vmem>> -> memref<2x1x8x128xf32, #tpu.memory_space<vmem>>
        %dma_wait3A_983 = tpu.memref_squeeze %dma_wait3A_982 : memref<2x1x8x128xf32, #tpu.memory_space<vmem>> -> memref<2x8x128xf32, #tpu.memory_space<vmem>>
        %dma_wait3A_984 = arith.constant 0 : i32
        %dma_wait3A_985 = arith.constant 0 : i32
        %dma_wait3A_986 = arith.constant 0 : i32
        %dma_wait3A_987 = tpu.memref_slice %arg4[%dma_wait3A_977, %dma_wait3A_978, %dma_wait3A_984, %dma_wait3A_985, %dma_wait3A_986] : memref<26x4x128x8x128xf32, #tpu.memory_space<hbm>> -> memref<1x1x2x8x128xf32, #tpu.memory_space<hbm>>
        %dma_wait3A_988 = tpu.memref_squeeze %dma_wait3A_987 : memref<1x1x2x8x128xf32, #tpu.memory_space<hbm>> -> memref<2x8x128xf32, #tpu.memory_space<hbm>>
        %dma_wait3A_989 = arith.constant 0 : i32
        %dma_wait3A_990 = arith.constant 0 : i32
        %dma_wait3A_991 = arith.constant 0 : i32
        %dma_wait3A_992 = tpu.memref_slice %arg4[%dma_wait3A_977, %dma_wait3A_978, %dma_wait3A_989, %dma_wait3A_990, %dma_wait3A_991] : memref<26x4x128x8x128xf32, #tpu.memory_space<hbm>> -> memref<1x1x2x8x128xf32, #tpu.memory_space<hbm>>
        %dma_wait3A_993 = tpu.memref_squeeze %dma_wait3A_992 : memref<1x1x2x8x128xf32, #tpu.memory_space<hbm>> -> memref<2x8x128xf32, #tpu.memory_space<hbm>>
        %dma_wait3A_994 = arith.constant 0 : i32
        %dma_wait3A_995 = arith.constant 0 : i32
        %dma_wait3A_996 = arith.constant 0 : i32
        %dma_wait3A_997 = tpu.memref_slice %arg10[%dma_wait3A_994, %dma_wait3A_976, %dma_wait3A_995, %dma_wait3A_996] : memref<2x4x8x131xf32, #tpu.memory_space<vmem>> -> memref<2x1x8x128xf32, #tpu.memory_space<vmem>>
        %dma_wait3A_998 = tpu.memref_squeeze %dma_wait3A_997 : memref<2x1x8x128xf32, #tpu.memory_space<vmem>> -> memref<2x8x128xf32, #tpu.memory_space<vmem>>
        tpu.wait_dma2 semaphore(%arg14 : memref<!tpu.dma_semaphore, #tpu.memory_space<semaphore_mem>>) src(%dma_wait3A_998 : memref<2x8x128xf32, #tpu.memory_space<vmem>>) dst(%dma_wait3A_993 : memref<2x8x128xf32, #tpu.memory_space<hbm>>)
        %dma_wait3A_999 = arith.constant 3 : i32
        %dma_wait3A_1000 = arith.constant 0 : i32
        %dma_wait3A_1001 = arith.constant 3 : i32
        %dma_wait3A_1002 = arith.constant 0 : i32
        %dma_wait3A_1003 = arith.constant 0 : i32
        %dma_wait3A_1004 = arith.constant 0 : i32
        %dma_wait3A_1005 = tpu.memref_slice %arg10[%dma_wait3A_1002, %dma_wait3A_999, %dma_wait3A_1003, %dma_wait3A_1004] : memref<2x4x8x131xf32, #tpu.memory_space<vmem>> -> memref<2x1x8x128xf32, #tpu.memory_space<vmem>>
        %dma_wait3A_1006 = tpu.memref_squeeze %dma_wait3A_1005 : memref<2x1x8x128xf32, #tpu.memory_space<vmem>> -> memref<2x8x128xf32, #tpu.memory_space<vmem>>
        %dma_wait3A_1007 = arith.constant 0 : i32
        %dma_wait3A_1008 = arith.constant 0 : i32
        %dma_wait3A_1009 = arith.constant 0 : i32
        %dma_wait3A_1010 = tpu.memref_slice %arg4[%dma_wait3A_1000, %dma_wait3A_1001, %dma_wait3A_1007, %dma_wait3A_1008, %dma_wait3A_1009] : memref<26x4x128x8x128xf32, #tpu.memory_space<hbm>> -> memref<1x1x2x8x128xf32, #tpu.memory_space<hbm>>
        %dma_wait3A_1011 = tpu.memref_squeeze %dma_wait3A_1010 : memref<1x1x2x8x128xf32, #tpu.memory_space<hbm>> -> memref<2x8x128xf32, #tpu.memory_space<hbm>>
        %dma_wait3A_1012 = arith.constant 0 : i32
        %dma_wait3A_1013 = arith.constant 0 : i32
        %dma_wait3A_1014 = arith.constant 0 : i32
        %dma_wait3A_1015 = tpu.memref_slice %arg4[%dma_wait3A_1000, %dma_wait3A_1001, %dma_wait3A_1012, %dma_wait3A_1013, %dma_wait3A_1014] : memref<26x4x128x8x128xf32, #tpu.memory_space<hbm>> -> memref<1x1x2x8x128xf32, #tpu.memory_space<hbm>>
        %dma_wait3A_1016 = tpu.memref_squeeze %dma_wait3A_1015 : memref<1x1x2x8x128xf32, #tpu.memory_space<hbm>> -> memref<2x8x128xf32, #tpu.memory_space<hbm>>
        %dma_wait3A_1017 = arith.constant 0 : i32
        %dma_wait3A_1018 = arith.constant 0 : i32
        %dma_wait3A_1019 = arith.constant 0 : i32
        %dma_wait3A_1020 = tpu.memref_slice %arg10[%dma_wait3A_1017, %dma_wait3A_999, %dma_wait3A_1018, %dma_wait3A_1019] : memref<2x4x8x131xf32, #tpu.memory_space<vmem>> -> memref<2x1x8x128xf32, #tpu.memory_space<vmem>>
        %dma_wait3A_1021 = tpu.memref_squeeze %dma_wait3A_1020 : memref<2x1x8x128xf32, #tpu.memory_space<vmem>> -> memref<2x8x128xf32, #tpu.memory_space<vmem>>
        tpu.wait_dma2 semaphore(%arg14 : memref<!tpu.dma_semaphore, #tpu.memory_space<semaphore_mem>>) src(%dma_wait3A_1021 : memref<2x8x128xf32, #tpu.memory_space<vmem>>) dst(%dma_wait3A_1016 : memref<2x8x128xf32, #tpu.memory_space<hbm>>)
      } else {
      }
      %add3A_816 = arith.constant 2 : i32
      %add3A_817 = arith.addi %mul3A_4, %add3A_816 : i32
      %dma_start3A_818 = arith.constant 0 : i32
      %dma_start3A_819 = arith.constant 0 : i32
      %dma_start3A_820 = arith.constant 0 : i32
      %dma_start3A_821 = arith.constant 0 : i32
      %dma_start3A_822 = arith.constant 0 : i32
      %dma_start3A_823 = tpu.memref_slice %arg10[%dma_start3A_820, %dma_start3A_818, %dma_start3A_821, %dma_start3A_822] : memref<2x4x8x131xf32, #tpu.memory_space<vmem>> -> memref<2x1x8x128xf32, #tpu.memory_space<vmem>>
      %dma_start3A_824 = tpu.memref_squeeze %dma_start3A_823 : memref<2x1x8x128xf32, #tpu.memory_space<vmem>> -> memref<2x8x128xf32, #tpu.memory_space<vmem>>
      %dma_start3A_825 = arith.constant 0 : i32
      %dma_start3A_826 = arith.constant 0 : i32
      %dma_start3A_827 = tpu.memref_slice %arg4[%scan3A_662, %dma_start3A_819, %add3A_817, %dma_start3A_825, %dma_start3A_826] : memref<26x4x128x8x128xf32, #tpu.memory_space<hbm>> -> memref<1x1x2x8x128xf32, #tpu.memory_space<hbm>>
      %dma_start3A_828 = tpu.memref_squeeze %dma_start3A_827 : memref<1x1x2x8x128xf32, #tpu.memory_space<hbm>> -> memref<2x8x128xf32, #tpu.memory_space<hbm>>
      %dma_start3A_829 = arith.constant 0 : i32
      %dma_start3A_830 = arith.constant 0 : i32
      %dma_start3A_831 = tpu.memref_slice %arg4[%scan3A_662, %dma_start3A_819, %add3A_817, %dma_start3A_829, %dma_start3A_830] : memref<26x4x128x8x128xf32, #tpu.memory_space<hbm>> -> memref<1x1x2x8x128xf32, #tpu.memory_space<hbm>>
      %dma_start3A_832 = tpu.memref_squeeze %dma_start3A_831 : memref<1x1x2x8x128xf32, #tpu.memory_space<hbm>> -> memref<2x8x128xf32, #tpu.memory_space<hbm>>
      %dma_start3A_833 = arith.constant 0 : i32
      %dma_start3A_834 = arith.constant 0 : i32
      %dma_start3A_835 = arith.constant 0 : i32
      %dma_start3A_836 = tpu.memref_slice %arg10[%dma_start3A_833, %dma_start3A_818, %dma_start3A_834, %dma_start3A_835] : memref<2x4x8x131xf32, #tpu.memory_space<vmem>> -> memref<2x1x8x128xf32, #tpu.memory_space<vmem>>
      %dma_start3A_837 = tpu.memref_squeeze %dma_start3A_836 : memref<2x1x8x128xf32, #tpu.memory_space<vmem>> -> memref<2x8x128xf32, #tpu.memory_space<vmem>>
      tpu.enqueue_dma source(%dma_start3A_837 : memref<2x8x128xf32, #tpu.memory_space<vmem>>) target(%dma_start3A_832 : memref<2x8x128xf32, #tpu.memory_space<hbm>>) target_semaphore(%arg14 : memref<!tpu.dma_semaphore, #tpu.memory_space<semaphore_mem>>)
      %add3A_838 = arith.constant 2 : i32
      %add3A_839 = arith.addi %mul3A_4, %add3A_838 : i32
      %dma_start3A_840 = arith.constant 1 : i32
      %dma_start3A_841 = arith.constant 1 : i32
      %dma_start3A_842 = arith.constant 0 : i32
      %dma_start3A_843 = arith.constant 0 : i32
      %dma_start3A_844 = arith.constant 0 : i32
      %dma_start3A_845 = tpu.memref_slice %arg10[%dma_start3A_842, %dma_start3A_840, %dma_start3A_843, %dma_start3A_844] : memref<2x4x8x131xf32, #tpu.memory_space<vmem>> -> memref<2x1x8x128xf32, #tpu.memory_space<vmem>>
      %dma_start3A_846 = tpu.memref_squeeze %dma_start3A_845 : memref<2x1x8x128xf32, #tpu.memory_space<vmem>> -> memref<2x8x128xf32, #tpu.memory_space<vmem>>
      %dma_start3A_847 = arith.constant 0 : i32
      %dma_start3A_848 = arith.constant 0 : i32
      %dma_start3A_849 = tpu.memref_slice %arg4[%scan3A_662, %dma_start3A_841, %add3A_839, %dma_start3A_847, %dma_start3A_848] : memref<26x4x128x8x128xf32, #tpu.memory_space<hbm>> -> memref<1x1x2x8x128xf32, #tpu.memory_space<hbm>>
      %dma_start3A_850 = tpu.memref_squeeze %dma_start3A_849 : memref<1x1x2x8x128xf32, #tpu.memory_space<hbm>> -> memref<2x8x128xf32, #tpu.memory_space<hbm>>
      %dma_start3A_851 = arith.constant 0 : i32
      %dma_start3A_852 = arith.constant 0 : i32
      %dma_start3A_853 = tpu.memref_slice %arg4[%scan3A_662, %dma_start3A_841, %add3A_839, %dma_start3A_851, %dma_start3A_852] : memref<26x4x128x8x128xf32, #tpu.memory_space<hbm>> -> memref<1x1x2x8x128xf32, #tpu.memory_space<hbm>>
      %dma_start3A_854 = tpu.memref_squeeze %dma_start3A_853 : memref<1x1x2x8x128xf32, #tpu.memory_space<hbm>> -> memref<2x8x128xf32, #tpu.memory_space<hbm>>
      %dma_start3A_855 = arith.constant 0 : i32
      %dma_start3A_856 = arith.constant 0 : i32
      %dma_start3A_857 = arith.constant 0 : i32
      %dma_start3A_858 = tpu.memref_slice %arg10[%dma_start3A_855, %dma_start3A_840, %dma_start3A_856, %dma_start3A_857] : memref<2x4x8x131xf32, #tpu.memory_space<vmem>> -> memref<2x1x8x128xf32, #tpu.memory_space<vmem>>
      %dma_start3A_859 = tpu.memref_squeeze %dma_start3A_858 : memref<2x1x8x128xf32, #tpu.memory_space<vmem>> -> memref<2x8x128xf32, #tpu.memory_space<vmem>>
      tpu.enqueue_dma source(%dma_start3A_859 : memref<2x8x128xf32, #tpu.memory_space<vmem>>) target(%dma_start3A_854 : memref<2x8x128xf32, #tpu.memory_space<hbm>>) target_semaphore(%arg14 : memref<!tpu.dma_semaphore, #tpu.memory_space<semaphore_mem>>)
      %add3A_860 = arith.constant 2 : i32
      %add3A_861 = arith.addi %mul3A_4, %add3A_860 : i32
      %dma_start3A_862 = arith.constant 2 : i32
      %dma_start3A_863 = arith.constant 2 : i32
      %dma_start3A_864 = arith.constant 0 : i32
      %dma_start3A_865 = arith.constant 0 : i32
      %dma_start3A_866 = arith.constant 0 : i32
      %dma_start3A_867 = tpu.memref_slice %arg10[%dma_start3A_864, %dma_start3A_862, %dma_start3A_865, %dma_start3A_866] : memref<2x4x8x131xf32, #tpu.memory_space<vmem>> -> memref<2x1x8x128xf32, #tpu.memory_space<vmem>>
      %dma_start3A_868 = tpu.memref_squeeze %dma_start3A_867 : memref<2x1x8x128xf32, #tpu.memory_space<vmem>> -> memref<2x8x128xf32, #tpu.memory_space<vmem>>
      %dma_start3A_869 = arith.constant 0 : i32
      %dma_start3A_870 = arith.constant 0 : i32
      %dma_start3A_871 = tpu.memref_slice %arg4[%scan3A_662, %dma_start3A_863, %add3A_861, %dma_start3A_869, %dma_start3A_870] : memref<26x4x128x8x128xf32, #tpu.memory_space<hbm>> -> memref<1x1x2x8x128xf32, #tpu.memory_space<hbm>>
      %dma_start3A_872 = tpu.memref_squeeze %dma_start3A_871 : memref<1x1x2x8x128xf32, #tpu.memory_space<hbm>> -> memref<2x8x128xf32, #tpu.memory_space<hbm>>
      %dma_start3A_873 = arith.constant 0 : i32
      %dma_start3A_874 = arith.constant 0 : i32
      %dma_start3A_875 = tpu.memref_slice %arg4[%scan3A_662, %dma_start3A_863, %add3A_861, %dma_start3A_873, %dma_start3A_874] : memref<26x4x128x8x128xf32, #tpu.memory_space<hbm>> -> memref<1x1x2x8x128xf32, #tpu.memory_space<hbm>>
      %dma_start3A_876 = tpu.memref_squeeze %dma_start3A_875 : memref<1x1x2x8x128xf32, #tpu.memory_space<hbm>> -> memref<2x8x128xf32, #tpu.memory_space<hbm>>
      %dma_start3A_877 = arith.constant 0 : i32
      %dma_start3A_878 = arith.constant 0 : i32
      %dma_start3A_879 = arith.constant 0 : i32
      %dma_start3A_880 = tpu.memref_slice %arg10[%dma_start3A_877, %dma_start3A_862, %dma_start3A_878, %dma_start3A_879] : memref<2x4x8x131xf32, #tpu.memory_space<vmem>> -> memref<2x1x8x128xf32, #tpu.memory_space<vmem>>
      %dma_start3A_881 = tpu.memref_squeeze %dma_start3A_880 : memref<2x1x8x128xf32, #tpu.memory_space<vmem>> -> memref<2x8x128xf32, #tpu.memory_space<vmem>>
      tpu.enqueue_dma source(%dma_start3A_881 : memref<2x8x128xf32, #tpu.memory_space<vmem>>) target(%dma_start3A_876 : memref<2x8x128xf32, #tpu.memory_space<hbm>>) target_semaphore(%arg14 : memref<!tpu.dma_semaphore, #tpu.memory_space<semaphore_mem>>)
      %add3A_882 = arith.constant 2 : i32
      %add3A_883 = arith.addi %mul3A_4, %add3A_882 : i32
      %dma_start3A_884 = arith.constant 3 : i32
      %dma_start3A_885 = arith.constant 3 : i32
      %dma_start3A_886 = arith.constant 0 : i32
      %dma_start3A_887 = arith.constant 0 : i32
      %dma_start3A_888 = arith.constant 0 : i32
      %dma_start3A_889 = tpu.memref_slice %arg10[%dma_start3A_886, %dma_start3A_884, %dma_start3A_887, %dma_start3A_888] : memref<2x4x8x131xf32, #tpu.memory_space<vmem>> -> memref<2x1x8x128xf32, #tpu.memory_space<vmem>>
      %dma_start3A_890 = tpu.memref_squeeze %dma_start3A_889 : memref<2x1x8x128xf32, #tpu.memory_space<vmem>> -> memref<2x8x128xf32, #tpu.memory_space<vmem>>
      %dma_start3A_891 = arith.constant 0 : i32
      %dma_start3A_892 = arith.constant 0 : i32
      %dma_start3A_893 = tpu.memref_slice %arg4[%scan3A_662, %dma_start3A_885, %add3A_883, %dma_start3A_891, %dma_start3A_892] : memref<26x4x128x8x128xf32, #tpu.memory_space<hbm>> -> memref<1x1x2x8x128xf32, #tpu.memory_space<hbm>>
      %dma_start3A_894 = tpu.memref_squeeze %dma_start3A_893 : memref<1x1x2x8x128xf32, #tpu.memory_space<hbm>> -> memref<2x8x128xf32, #tpu.memory_space<hbm>>
      %dma_start3A_895 = arith.constant 0 : i32
      %dma_start3A_896 = arith.constant 0 : i32
      %dma_start3A_897 = tpu.memref_slice %arg4[%scan3A_662, %dma_start3A_885, %add3A_883, %dma_start3A_895, %dma_start3A_896] : memref<26x4x128x8x128xf32, #tpu.memory_space<hbm>> -> memref<1x1x2x8x128xf32, #tpu.memory_space<hbm>>
      %dma_start3A_898 = tpu.memref_squeeze %dma_start3A_897 : memref<1x1x2x8x128xf32, #tpu.memory_space<hbm>> -> memref<2x8x128xf32, #tpu.memory_space<hbm>>
      %dma_start3A_899 = arith.constant 0 : i32
      %dma_start3A_900 = arith.constant 0 : i32
      %dma_start3A_901 = arith.constant 0 : i32
      %dma_start3A_902 = tpu.memref_slice %arg10[%dma_start3A_899, %dma_start3A_884, %dma_start3A_900, %dma_start3A_901] : memref<2x4x8x131xf32, #tpu.memory_space<vmem>> -> memref<2x1x8x128xf32, #tpu.memory_space<vmem>>
      %dma_start3A_903 = tpu.memref_squeeze %dma_start3A_902 : memref<2x1x8x128xf32, #tpu.memory_space<vmem>> -> memref<2x8x128xf32, #tpu.memory_space<vmem>>
      tpu.enqueue_dma source(%dma_start3A_903 : memref<2x8x128xf32, #tpu.memory_space<vmem>>) target(%dma_start3A_898 : memref<2x8x128xf32, #tpu.memory_space<hbm>>) target_semaphore(%arg14 : memref<!tpu.dma_semaphore, #tpu.memory_space<semaphore_mem>>)
      %mul3A_904 = arith.constant 2 : i32
      %mul3A_905 = arith.muli %mul3A_904, %scan3A_662 : i32
      %add3A_906 = arith.constant 3 : i32
      %add3A_907 = arith.addi %mul3A_905, %add3A_906 : i32
      %mul3A_908 = arith.constant 256 : i32
      %mul3A_909 = arith.muli %add3A_907, %mul3A_908 : i32
      %add3A_910 = arith.constant 0 : i32
      %add3A_911 = arith.addi %mul3A_909, %add3A_910 : i32
      %dma_start3A_912 = arith.constant 0 : i32
      %dma_start3A_913 = arith.constant 0 : i32
      %dma_start3A_914 = tpu.memref_slice %arg8[%dma_start3A_912, %dma_start3A_913] : memref<256x32xf32, #tpu.memory_space<vmem>> -> memref<128x32xf32, #tpu.memory_space<vmem>>
      %dma_start3A_915 = tpu.memref_slice %arg6[%add3A_911] : memref<13312xi32, #tpu.memory_space<vmem>> -> memref<128xi32, #tpu.memory_space<vmem>>
      %dma_start3A_916 = arith.constant 0 : i32
      %dma_start3A_917 = arith.constant 0 : i32
      %dma_start3A_918 = tpu.memref_slice %arg3[%dma_start3A_916, %dma_start3A_917] : memref<1040000x32xf32, #tpu.memory_space<hbm>> -> memref<1040000x32xf32, #tpu.memory_space<hbm>>
      tpu.enqueue_indirect_dma source(%dma_start3A_918 : memref<1040000x32xf32, #tpu.memory_space<hbm>>) target(%dma_start3A_914 : memref<128x32xf32, #tpu.memory_space<vmem>>) offsets(%dma_start3A_915 : memref<128xi32, #tpu.memory_space<vmem>>) semaphore(%arg12 : memref<!tpu.dma_semaphore, #tpu.memory_space<semaphore_mem>>)
      %mul3A_919 = arith.constant 256 : i32
      %mul3A_920 = arith.muli %add3A_907, %mul3A_919 : i32
      %add3A_921 = arith.constant 128 : i32
      %add3A_922 = arith.addi %mul3A_920, %add3A_921 : i32
      %dma_start3A_923 = arith.constant 128 : i32
      %dma_start3A_924 = arith.constant 0 : i32
      %dma_start3A_925 = tpu.memref_slice %arg8[%dma_start3A_923, %dma_start3A_924] : memref<256x32xf32, #tpu.memory_space<vmem>> -> memref<128x32xf32, #tpu.memory_space<vmem>>
      %dma_start3A_926 = tpu.memref_slice %arg6[%add3A_922] : memref<13312xi32, #tpu.memory_space<vmem>> -> memref<128xi32, #tpu.memory_space<vmem>>
      %dma_start3A_927 = arith.constant 0 : i32
      %dma_start3A_928 = arith.constant 0 : i32
      %dma_start3A_929 = tpu.memref_slice %arg3[%dma_start3A_927, %dma_start3A_928] : memref<1040000x32xf32, #tpu.memory_space<hbm>> -> memref<1040000x32xf32, #tpu.memory_space<hbm>>
      tpu.enqueue_indirect_dma source(%dma_start3A_929 : memref<1040000x32xf32, #tpu.memory_space<hbm>>) target(%dma_start3A_925 : memref<128x32xf32, #tpu.memory_space<vmem>>) offsets(%dma_start3A_926 : memref<128xi32, #tpu.memory_space<vmem>>) semaphore(%arg12 : memref<!tpu.dma_semaphore, #tpu.memory_space<semaphore_mem>>)
    }
    %scan3A_66 = arith.constant 25 : i32
    %dma_wait3A = arith.constant 0 : i32
    %dma_wait3A_67 = arith.constant 0 : i32
    %dma_wait3A_68 = tpu.memref_slice %arg7[%dma_wait3A, %dma_wait3A_67] : memref<256x32xf32, #tpu.memory_space<vmem>> -> memref<128x32xf32, #tpu.memory_space<vmem>>
    %dma_wait3A_69 = arith.constant 0 : i32
    %dma_wait3A_70 = tpu.memref_slice %arg6[%dma_wait3A_69] : memref<13312xi32, #tpu.memory_space<vmem>> -> memref<128xi32, #tpu.memory_space<vmem>>
    %dma_wait3A_71 = arith.constant 0 : i32
    %dma_wait3A_72 = arith.constant 0 : i32
    %dma_wait3A_73 = tpu.memref_slice %arg3[%dma_wait3A_71, %dma_wait3A_72] : memref<1040000x32xf32, #tpu.memory_space<hbm>> -> memref<1040000x32xf32, #tpu.memory_space<hbm>>
    tpu.wait_indirect_dma semaphore(%arg11 : memref<!tpu.dma_semaphore, #tpu.memory_space<semaphore_mem>>) src(%dma_wait3A_73 : memref<1040000x32xf32, #tpu.memory_space<hbm>>) dst(%dma_wait3A_68 : memref<128x32xf32, #tpu.memory_space<vmem>>)
    %dma_wait3A_74 = arith.constant 128 : i32
    %dma_wait3A_75 = arith.constant 0 : i32
    %dma_wait3A_76 = tpu.memref_slice %arg7[%dma_wait3A_74, %dma_wait3A_75] : memref<256x32xf32, #tpu.memory_space<vmem>> -> memref<128x32xf32, #tpu.memory_space<vmem>>
    %dma_wait3A_77 = arith.constant 0 : i32
    %dma_wait3A_78 = tpu.memref_slice %arg6[%dma_wait3A_77] : memref<13312xi32, #tpu.memory_space<vmem>> -> memref<128xi32, #tpu.memory_space<vmem>>
    %dma_wait3A_79 = arith.constant 0 : i32
    %dma_wait3A_80 = arith.constant 0 : i32
    %dma_wait3A_81 = tpu.memref_slice %arg3[%dma_wait3A_79, %dma_wait3A_80] : memref<1040000x32xf32, #tpu.memory_space<hbm>> -> memref<1040000x32xf32, #tpu.memory_space<hbm>>
    tpu.wait_indirect_dma semaphore(%arg11 : memref<!tpu.dma_semaphore, #tpu.memory_space<semaphore_mem>>) src(%dma_wait3A_81 : memref<1040000x32xf32, #tpu.memory_space<hbm>>) dst(%dma_wait3A_76 : memref<128x32xf32, #tpu.memory_space<vmem>>)
    %dma_wait3A_82 = arith.constant 0 : i32
    %dma_wait3A_83 = arith.constant 0 : i32
    %dma_wait3A_84 = arith.constant 0 : i32
    %dma_wait3A_85 = arith.constant 0 : i32
    %dma_wait3A_86 = arith.constant 0 : i32
    %dma_wait3A_87 = arith.constant 0 : i32
    %dma_wait3A_88 = tpu.memref_slice %arg9[%dma_wait3A_85, %dma_wait3A_82, %dma_wait3A_86, %dma_wait3A_87] : memref<2x4x8x131xf32, #tpu.memory_space<vmem>> -> memref<2x1x8x128xf32, #tpu.memory_space<vmem>>
    %dma_wait3A_89 = tpu.memref_squeeze %dma_wait3A_88 : memref<2x1x8x128xf32, #tpu.memory_space<vmem>> -> memref<2x8x128xf32, #tpu.memory_space<vmem>>
    %dma_wait3A_90 = arith.constant 0 : i32
    %dma_wait3A_91 = arith.constant 0 : i32
    %dma_wait3A_92 = arith.constant 0 : i32
    %dma_wait3A_93 = tpu.memref_slice %arg4[%dma_wait3A_83, %dma_wait3A_84, %dma_wait3A_90, %dma_wait3A_91, %dma_wait3A_92] : memref<26x4x128x8x128xf32, #tpu.memory_space<hbm>> -> memref<1x1x2x8x128xf32, #tpu.memory_space<hbm>>
    %dma_wait3A_94 = tpu.memref_squeeze %dma_wait3A_93 : memref<1x1x2x8x128xf32, #tpu.memory_space<hbm>> -> memref<2x8x128xf32, #tpu.memory_space<hbm>>
    %dma_wait3A_95 = arith.constant 0 : i32
    %dma_wait3A_96 = arith.constant 0 : i32
    %dma_wait3A_97 = arith.constant 0 : i32
    %dma_wait3A_98 = tpu.memref_slice %arg4[%dma_wait3A_83, %dma_wait3A_84, %dma_wait3A_95, %dma_wait3A_96, %dma_wait3A_97] : memref<26x4x128x8x128xf32, #tpu.memory_space<hbm>> -> memref<1x1x2x8x128xf32, #tpu.memory_space<hbm>>
    %dma_wait3A_99 = tpu.memref_squeeze %dma_wait3A_98 : memref<1x1x2x8x128xf32, #tpu.memory_space<hbm>> -> memref<2x8x128xf32, #tpu.memory_space<hbm>>
    %dma_wait3A_100 = arith.constant 0 : i32
    %dma_wait3A_101 = arith.constant 0 : i32
    %dma_wait3A_102 = arith.constant 0 : i32
    %dma_wait3A_103 = tpu.memref_slice %arg9[%dma_wait3A_100, %dma_wait3A_82, %dma_wait3A_101, %dma_wait3A_102] : memref<2x4x8x131xf32, #tpu.memory_space<vmem>> -> memref<2x1x8x128xf32, #tpu.memory_space<vmem>>
    %dma_wait3A_104 = tpu.memref_squeeze %dma_wait3A_103 : memref<2x1x8x128xf32, #tpu.memory_space<vmem>> -> memref<2x8x128xf32, #tpu.memory_space<vmem>>
    tpu.wait_dma2 semaphore(%arg13 : memref<!tpu.dma_semaphore, #tpu.memory_space<semaphore_mem>>) src(%dma_wait3A_104 : memref<2x8x128xf32, #tpu.memory_space<vmem>>) dst(%dma_wait3A_99 : memref<2x8x128xf32, #tpu.memory_space<hbm>>)
    %dma_wait3A_105 = arith.constant 1 : i32
    %dma_wait3A_106 = arith.constant 0 : i32
    %dma_wait3A_107 = arith.constant 1 : i32
    %dma_wait3A_108 = arith.constant 0 : i32
    %dma_wait3A_109 = arith.constant 0 : i32
    %dma_wait3A_110 = arith.constant 0 : i32
    %dma_wait3A_111 = tpu.memref_slice %arg9[%dma_wait3A_108, %dma_wait3A_105, %dma_wait3A_109, %dma_wait3A_110] : memref<2x4x8x131xf32, #tpu.memory_space<vmem>> -> memref<2x1x8x128xf32, #tpu.memory_space<vmem>>
    %dma_wait3A_112 = tpu.memref_squeeze %dma_wait3A_111 : memref<2x1x8x128xf32, #tpu.memory_space<vmem>> -> memref<2x8x128xf32, #tpu.memory_space<vmem>>
    %dma_wait3A_113 = arith.constant 0 : i32
    %dma_wait3A_114 = arith.constant 0 : i32
    %dma_wait3A_115 = arith.constant 0 : i32
    %dma_wait3A_116 = tpu.memref_slice %arg4[%dma_wait3A_106, %dma_wait3A_107, %dma_wait3A_113, %dma_wait3A_114, %dma_wait3A_115] : memref<26x4x128x8x128xf32, #tpu.memory_space<hbm>> -> memref<1x1x2x8x128xf32, #tpu.memory_space<hbm>>
    %dma_wait3A_117 = tpu.memref_squeeze %dma_wait3A_116 : memref<1x1x2x8x128xf32, #tpu.memory_space<hbm>> -> memref<2x8x128xf32, #tpu.memory_space<hbm>>
    %dma_wait3A_118 = arith.constant 0 : i32
    %dma_wait3A_119 = arith.constant 0 : i32
    %dma_wait3A_120 = arith.constant 0 : i32
    %dma_wait3A_121 = tpu.memref_slice %arg4[%dma_wait3A_106, %dma_wait3A_107, %dma_wait3A_118, %dma_wait3A_119, %dma_wait3A_120] : memref<26x4x128x8x128xf32, #tpu.memory_space<hbm>> -> memref<1x1x2x8x128xf32, #tpu.memory_space<hbm>>
    %dma_wait3A_122 = tpu.memref_squeeze %dma_wait3A_121 : memref<1x1x2x8x128xf32, #tpu.memory_space<hbm>> -> memref<2x8x128xf32, #tpu.memory_space<hbm>>
    %dma_wait3A_123 = arith.constant 0 : i32
    %dma_wait3A_124 = arith.constant 0 : i32
    %dma_wait3A_125 = arith.constant 0 : i32
    %dma_wait3A_126 = tpu.memref_slice %arg9[%dma_wait3A_123, %dma_wait3A_105, %dma_wait3A_124, %dma_wait3A_125] : memref<2x4x8x131xf32, #tpu.memory_space<vmem>> -> memref<2x1x8x128xf32, #tpu.memory_space<vmem>>
    %dma_wait3A_127 = tpu.memref_squeeze %dma_wait3A_126 : memref<2x1x8x128xf32, #tpu.memory_space<vmem>> -> memref<2x8x128xf32, #tpu.memory_space<vmem>>
    tpu.wait_dma2 semaphore(%arg13 : memref<!tpu.dma_semaphore, #tpu.memory_space<semaphore_mem>>) src(%dma_wait3A_127 : memref<2x8x128xf32, #tpu.memory_space<vmem>>) dst(%dma_wait3A_122 : memref<2x8x128xf32, #tpu.memory_space<hbm>>)
    %dma_wait3A_128 = arith.constant 2 : i32
    %dma_wait3A_129 = arith.constant 0 : i32
    %dma_wait3A_130 = arith.constant 2 : i32
    %dma_wait3A_131 = arith.constant 0 : i32
    %dma_wait3A_132 = arith.constant 0 : i32
    %dma_wait3A_133 = arith.constant 0 : i32
    %dma_wait3A_134 = tpu.memref_slice %arg9[%dma_wait3A_131, %dma_wait3A_128, %dma_wait3A_132, %dma_wait3A_133] : memref<2x4x8x131xf32, #tpu.memory_space<vmem>> -> memref<2x1x8x128xf32, #tpu.memory_space<vmem>>
    %dma_wait3A_135 = tpu.memref_squeeze %dma_wait3A_134 : memref<2x1x8x128xf32, #tpu.memory_space<vmem>> -> memref<2x8x128xf32, #tpu.memory_space<vmem>>
    %dma_wait3A_136 = arith.constant 0 : i32
    %dma_wait3A_137 = arith.constant 0 : i32
    %dma_wait3A_138 = arith.constant 0 : i32
    %dma_wait3A_139 = tpu.memref_slice %arg4[%dma_wait3A_129, %dma_wait3A_130, %dma_wait3A_136, %dma_wait3A_137, %dma_wait3A_138] : memref<26x4x128x8x128xf32, #tpu.memory_space<hbm>> -> memref<1x1x2x8x128xf32, #tpu.memory_space<hbm>>
    %dma_wait3A_140 = tpu.memref_squeeze %dma_wait3A_139 : memref<1x1x2x8x128xf32, #tpu.memory_space<hbm>> -> memref<2x8x128xf32, #tpu.memory_space<hbm>>
    %dma_wait3A_141 = arith.constant 0 : i32
    %dma_wait3A_142 = arith.constant 0 : i32
    %dma_wait3A_143 = arith.constant 0 : i32
    %dma_wait3A_144 = tpu.memref_slice %arg4[%dma_wait3A_129, %dma_wait3A_130, %dma_wait3A_141, %dma_wait3A_142, %dma_wait3A_143] : memref<26x4x128x8x128xf32, #tpu.memory_space<hbm>> -> memref<1x1x2x8x128xf32, #tpu.memory_space<hbm>>
    %dma_wait3A_145 = tpu.memref_squeeze %dma_wait3A_144 : memref<1x1x2x8x128xf32, #tpu.memory_space<hbm>> -> memref<2x8x128xf32, #tpu.memory_space<hbm>>
    %dma_wait3A_146 = arith.constant 0 : i32
    %dma_wait3A_147 = arith.constant 0 : i32
    %dma_wait3A_148 = arith.constant 0 : i32
    %dma_wait3A_149 = tpu.memref_slice %arg9[%dma_wait3A_146, %dma_wait3A_128, %dma_wait3A_147, %dma_wait3A_148] : memref<2x4x8x131xf32, #tpu.memory_space<vmem>> -> memref<2x1x8x128xf32, #tpu.memory_space<vmem>>
    %dma_wait3A_150 = tpu.memref_squeeze %dma_wait3A_149 : memref<2x1x8x128xf32, #tpu.memory_space<vmem>> -> memref<2x8x128xf32, #tpu.memory_space<vmem>>
    tpu.wait_dma2 semaphore(%arg13 : memref<!tpu.dma_semaphore, #tpu.memory_space<semaphore_mem>>) src(%dma_wait3A_150 : memref<2x8x128xf32, #tpu.memory_space<vmem>>) dst(%dma_wait3A_145 : memref<2x8x128xf32, #tpu.memory_space<hbm>>)
    %dma_wait3A_151 = arith.constant 3 : i32
    %dma_wait3A_152 = arith.constant 0 : i32
    %dma_wait3A_153 = arith.constant 3 : i32
    %dma_wait3A_154 = arith.constant 0 : i32
    %dma_wait3A_155 = arith.constant 0 : i32
    %dma_wait3A_156 = arith.constant 0 : i32
    %dma_wait3A_157 = tpu.memref_slice %arg9[%dma_wait3A_154, %dma_wait3A_151, %dma_wait3A_155, %dma_wait3A_156] : memref<2x4x8x131xf32, #tpu.memory_space<vmem>> -> memref<2x1x8x128xf32, #tpu.memory_space<vmem>>
    %dma_wait3A_158 = tpu.memref_squeeze %dma_wait3A_157 : memref<2x1x8x128xf32, #tpu.memory_space<vmem>> -> memref<2x8x128xf32, #tpu.memory_space<vmem>>
    %dma_wait3A_159 = arith.constant 0 : i32
    %dma_wait3A_160 = arith.constant 0 : i32
    %dma_wait3A_161 = arith.constant 0 : i32
    %dma_wait3A_162 = tpu.memref_slice %arg4[%dma_wait3A_152, %dma_wait3A_153, %dma_wait3A_159, %dma_wait3A_160, %dma_wait3A_161] : memref<26x4x128x8x128xf32, #tpu.memory_space<hbm>> -> memref<1x1x2x8x128xf32, #tpu.memory_space<hbm>>
    %dma_wait3A_163 = tpu.memref_squeeze %dma_wait3A_162 : memref<1x1x2x8x128xf32, #tpu.memory_space<hbm>> -> memref<2x8x128xf32, #tpu.memory_space<hbm>>
    %dma_wait3A_164 = arith.constant 0 : i32
    %dma_wait3A_165 = arith.constant 0 : i32
    %dma_wait3A_166 = arith.constant 0 : i32
    %dma_wait3A_167 = tpu.memref_slice %arg4[%dma_wait3A_152, %dma_wait3A_153, %dma_wait3A_164, %dma_wait3A_165, %dma_wait3A_166] : memref<26x4x128x8x128xf32, #tpu.memory_space<hbm>> -> memref<1x1x2x8x128xf32, #tpu.memory_space<hbm>>
    %dma_wait3A_168 = tpu.memref_squeeze %dma_wait3A_167 : memref<1x1x2x8x128xf32, #tpu.memory_space<hbm>> -> memref<2x8x128xf32, #tpu.memory_space<hbm>>
    %dma_wait3A_169 = arith.constant 0 : i32
    %dma_wait3A_170 = arith.constant 0 : i32
    %dma_wait3A_171 = arith.constant 0 : i32
    %dma_wait3A_172 = tpu.memref_slice %arg9[%dma_wait3A_169, %dma_wait3A_151, %dma_wait3A_170, %dma_wait3A_171] : memref<2x4x8x131xf32, #tpu.memory_space<vmem>> -> memref<2x1x8x128xf32, #tpu.memory_space<vmem>>
    %dma_wait3A_173 = tpu.memref_squeeze %dma_wait3A_172 : memref<2x1x8x128xf32, #tpu.memory_space<vmem>> -> memref<2x8x128xf32, #tpu.memory_space<vmem>>
    tpu.wait_dma2 semaphore(%arg13 : memref<!tpu.dma_semaphore, #tpu.memory_space<semaphore_mem>>) src(%dma_wait3A_173 : memref<2x8x128xf32, #tpu.memory_space<vmem>>) dst(%dma_wait3A_168 : memref<2x8x128xf32, #tpu.memory_space<hbm>>)
    %scan3A_174 = arith.constant 0 : i32
    %scan3A_175 = arith.constant 0 : i32
    %scan3A_176 = arith.constant 64 : i32
    %scan3A_177 = arith.addi %scan3A_175, %scan3A_176 : i32
    %scan3A_178 = arith.constant 1 : i32
    scf.for %scan3A_662 = %scan3A_175 to %scan3A_177 step %scan3A_178  : i32 {
      %mul3A_663 = arith.constant 4 : i32
      %mul3A_664 = arith.muli %scan3A_662, %mul3A_663 : i32
      %add3A_665 = arith.constant 0 : i32
      %add3A_666 = arith.addi %mul3A_664, %add3A_665 : i32
      %shift_right_arithmetic3A_667 = arith.constant 7 : i32
      %shift_right_arithmetic3A_668 = arith.shrsi %add3A_666, %shift_right_arithmetic3A_667 : i32
      %and3A_669 = arith.constant 127 : i32
      %and3A_670 = arith.andi %add3A_666, %and3A_669 : i32
      %broadcast_in_dim3A = vector.broadcast %shift_right_arithmetic3A_668 : i32 to vector<16xi32>
      %broadcast_in_dim3A_671 = vector.broadcast %and3A_670 : i32 to vector<16xi32>
      %get3A = arith.index_cast %add3A_666 : i32 to index
      %get3A_672 = arith.constant 0 : index
      %get3A_673 = tpu.vector_load %arg7[%get3A, %get3A_672] {strides = array<i32>} : memref<256x32xf32, #tpu.memory_space<vmem>>, vector<16xf32>,
      %get3A_674 = arith.index_cast %add3A_666 : i32 to index
      %get3A_675 = arith.constant 16 : index
      %get3A_676 = tpu.vector_load %arg7[%get3A_674, %get3A_675] {strides = array<i32>} : memref<256x32xf32, #tpu.memory_space<vmem>>, vector<16xf32>,
      tpu.vector_store_idx %arg9[%broadcast_in_dim3A, %shift_right_arithmetic3A_24, %and3A_29, %broadcast_in_dim3A_671], %get3A_673 : memref<2x4x8x131xf32, #tpu.memory_space<vmem>>[vector<16xi32>, vector<16xi32>, vector<16xi32>, vector<16xi32>], vector<16xf32>,
      tpu.vector_store_idx %arg9[%broadcast_in_dim3A, %add3A_27, %and3A_29, %broadcast_in_dim3A_671], %get3A_676 : memref<2x4x8x131xf32, #tpu.memory_space<vmem>>[vector<16xi32>, vector<16xi32>, vector<16xi32>, vector<16xi32>], vector<16xf32>,
      %mul3A_677 = arith.constant 4 : i32
      %mul3A_678 = arith.muli %scan3A_662, %mul3A_677 : i32
      %add3A_679 = arith.constant 1 : i32
      %add3A_680 = arith.addi %mul3A_678, %add3A_679 : i32
      %shift_right_arithmetic3A_681 = arith.constant 7 : i32
      %shift_right_arithmetic3A_682 = arith.shrsi %add3A_680, %shift_right_arithmetic3A_681 : i32
      %and3A_683 = arith.constant 127 : i32
      %and3A_684 = arith.andi %add3A_680, %and3A_683 : i32
      %broadcast_in_dim3A_685 = vector.broadcast %shift_right_arithmetic3A_682 : i32 to vector<16xi32>
      %broadcast_in_dim3A_686 = vector.broadcast %and3A_684 : i32 to vector<16xi32>
      %get3A_687 = arith.index_cast %add3A_680 : i32 to index
      %get3A_688 = arith.constant 0 : index
      %get3A_689 = tpu.vector_load %arg7[%get3A_687, %get3A_688] {strides = array<i32>} : memref<256x32xf32, #tpu.memory_space<vmem>>, vector<16xf32>,
      %get3A_690 = arith.index_cast %add3A_680 : i32 to index
      %get3A_691 = arith.constant 16 : index
      %get3A_692 = tpu.vector_load %arg7[%get3A_690, %get3A_691] {strides = array<i32>} : memref<256x32xf32, #tpu.memory_space<vmem>>, vector<16xf32>,
      tpu.vector_store_idx %arg9[%broadcast_in_dim3A_685, %shift_right_arithmetic3A_24, %and3A_29, %broadcast_in_dim3A_686], %get3A_689 : memref<2x4x8x131xf32, #tpu.memory_space<vmem>>[vector<16xi32>, vector<16xi32>, vector<16xi32>, vector<16xi32>], vector<16xf32>,
      tpu.vector_store_idx %arg9[%broadcast_in_dim3A_685, %add3A_27, %and3A_29, %broadcast_in_dim3A_686], %get3A_692 : memref<2x4x8x131xf32, #tpu.memory_space<vmem>>[vector<16xi32>, vector<16xi32>, vector<16xi32>, vector<16xi32>], vector<16xf32>,
      %mul3A_693 = arith.constant 4 : i32
      %mul3A_694 = arith.muli %scan3A_662, %mul3A_693 : i32
      %add3A_695 = arith.constant 2 : i32
      %add3A_696 = arith.addi %mul3A_694, %add3A_695 : i32
      %shift_right_arithmetic3A_697 = arith.constant 7 : i32
      %shift_right_arithmetic3A_698 = arith.shrsi %add3A_696, %shift_right_arithmetic3A_697 : i32
      %and3A_699 = arith.constant 127 : i32
      %and3A_700 = arith.andi %add3A_696, %and3A_699 : i32
      %broadcast_in_dim3A_701 = vector.broadcast %shift_right_arithmetic3A_698 : i32 to vector<16xi32>
      %broadcast_in_dim3A_702 = vector.broadcast %and3A_700 : i32 to vector<16xi32>
      %get3A_703 = arith.index_cast %add3A_696 : i32 to index
      %get3A_704 = arith.constant 0 : index
      %get3A_705 = tpu.vector_load %arg7[%get3A_703, %get3A_704] {strides = array<i32>} : memref<256x32xf32, #tpu.memory_space<vmem>>, vector<16xf32>,
      %get3A_706 = arith.index_cast %add3A_696 : i32 to index
      %get3A_707 = arith.constant 16 : index
      %get3A_708 = tpu.vector_load %arg7[%get3A_706, %get3A_707] {strides = array<i32>} : memref<256x32xf32, #tpu.memory_space<vmem>>, vector<16xf32>,
      tpu.vector_store_idx %arg9[%broadcast_in_dim3A_701, %shift_right_arithmetic3A_24, %and3A_29, %broadcast_in_dim3A_702], %get3A_705 : memref<2x4x8x131xf32, #tpu.memory_space<vmem>>[vector<16xi32>, vector<16xi32>, vector<16xi32>, vector<16xi32>], vector<16xf32>,
      tpu.vector_store_idx %arg9[%broadcast_in_dim3A_701, %add3A_27, %and3A_29, %broadcast_in_dim3A_702], %get3A_708 : memref<2x4x8x131xf32, #tpu.memory_space<vmem>>[vector<16xi32>, vector<16xi32>, vector<16xi32>, vector<16xi32>], vector<16xf32>,
      %mul3A_709 = arith.constant 4 : i32
      %mul3A_710 = arith.muli %scan3A_662, %mul3A_709 : i32
      %add3A_711 = arith.constant 3 : i32
      %add3A_712 = arith.addi %mul3A_710, %add3A_711 : i32
      %shift_right_arithmetic3A_713 = arith.constant 7 : i32
      %shift_right_arithmetic3A_714 = arith.shrsi %add3A_712, %shift_right_arithmetic3A_713 : i32
      %and3A_715 = arith.constant 127 : i32
      %and3A_716 = arith.andi %add3A_712, %and3A_715 : i32
      %broadcast_in_dim3A_717 = vector.broadcast %shift_right_arithmetic3A_714 : i32 to vector<16xi32>
      %broadcast_in_dim3A_718 = vector.broadcast %and3A_716 : i32 to vector<16xi32>
      %get3A_719 = arith.index_cast %add3A_712 : i32 to index
      %get3A_720 = arith.constant 0 : index
      %get3A_721 = tpu.vector_load %arg7[%get3A_719, %get3A_720] {strides = array<i32>} : memref<256x32xf32, #tpu.memory_space<vmem>>, vector<16xf32>,
      %get3A_722 = arith.index_cast %add3A_712 : i32 to index
      %get3A_723 = arith.constant 16 : index
      %get3A_724 = tpu.vector_load %arg7[%get3A_722, %get3A_723] {strides = array<i32>} : memref<256x32xf32, #tpu.memory_space<vmem>>, vector<16xf32>,
      tpu.vector_store_idx %arg9[%broadcast_in_dim3A_717, %shift_right_arithmetic3A_24, %and3A_29, %broadcast_in_dim3A_718], %get3A_721 : memref<2x4x8x131xf32, #tpu.memory_space<vmem>>[vector<16xi32>, vector<16xi32>, vector<16xi32>, vector<16xi32>], vector<16xf32>,
      tpu.vector_store_idx %arg9[%broadcast_in_dim3A_717, %add3A_27, %and3A_29, %broadcast_in_dim3A_718], %get3A_724 : memref<2x4x8x131xf32, #tpu.memory_space<vmem>>[vector<16xi32>, vector<16xi32>, vector<16xi32>, vector<16xi32>], vector<16xf32>,
    }
    %scan3A_179 = arith.constant 64 : i32
    %add3A_180 = arith.constant 0 : i32
    %add3A_181 = arith.addi %mul3A_4, %add3A_180 : i32
    %dma_start3A_182 = arith.constant 0 : i32
    %dma_start3A_183 = arith.constant 25 : i32
    %dma_start3A_184 = arith.constant 0 : i32
    %dma_start3A_185 = arith.constant 0 : i32
    %dma_start3A_186 = arith.constant 0 : i32
    %dma_start3A_187 = arith.constant 0 : i32
    %dma_start3A_188 = tpu.memref_slice %arg9[%dma_start3A_185, %dma_start3A_182, %dma_start3A_186, %dma_start3A_187] : memref<2x4x8x131xf32, #tpu.memory_space<vmem>> -> memref<2x1x8x128xf32, #tpu.memory_space<vmem>>
    %dma_start3A_189 = tpu.memref_squeeze %dma_start3A_188 : memref<2x1x8x128xf32, #tpu.memory_space<vmem>> -> memref<2x8x128xf32, #tpu.memory_space<vmem>>
    %dma_start3A_190 = arith.constant 0 : i32
    %dma_start3A_191 = arith.constant 0 : i32
    %dma_start3A_192 = tpu.memref_slice %arg4[%dma_start3A_183, %dma_start3A_184, %add3A_181, %dma_start3A_190, %dma_start3A_191] : memref<26x4x128x8x128xf32, #tpu.memory_space<hbm>> -> memref<1x1x2x8x128xf32, #tpu.memory_space<hbm>>
    %dma_start3A_193 = tpu.memref_squeeze %dma_start3A_192 : memref<1x1x2x8x128xf32, #tpu.memory_space<hbm>> -> memref<2x8x128xf32, #tpu.memory_space<hbm>>
    %dma_start3A_194 = arith.constant 0 : i32
    %dma_start3A_195 = arith.constant 0 : i32
    %dma_start3A_196 = tpu.memref_slice %arg4[%dma_start3A_183, %dma_start3A_184, %add3A_181, %dma_start3A_194, %dma_start3A_195] : memref<26x4x128x8x128xf32, #tpu.memory_space<hbm>> -> memref<1x1x2x8x128xf32, #tpu.memory_space<hbm>>
    %dma_start3A_197 = tpu.memref_squeeze %dma_start3A_196 : memref<1x1x2x8x128xf32, #tpu.memory_space<hbm>> -> memref<2x8x128xf32, #tpu.memory_space<hbm>>
    %dma_start3A_198 = arith.constant 0 : i32
    %dma_start3A_199 = arith.constant 0 : i32
    %dma_start3A_200 = arith.constant 0 : i32
    %dma_start3A_201 = tpu.memref_slice %arg9[%dma_start3A_198, %dma_start3A_182, %dma_start3A_199, %dma_start3A_200] : memref<2x4x8x131xf32, #tpu.memory_space<vmem>> -> memref<2x1x8x128xf32, #tpu.memory_space<vmem>>
    %dma_start3A_202 = tpu.memref_squeeze %dma_start3A_201 : memref<2x1x8x128xf32, #tpu.memory_space<vmem>> -> memref<2x8x128xf32, #tpu.memory_space<vmem>>
    tpu.enqueue_dma source(%dma_start3A_202 : memref<2x8x128xf32, #tpu.memory_space<vmem>>) target(%dma_start3A_197 : memref<2x8x128xf32, #tpu.memory_space<hbm>>) target_semaphore(%arg13 : memref<!tpu.dma_semaphore, #tpu.memory_space<semaphore_mem>>)
    %add3A_203 = arith.constant 0 : i32
    %add3A_204 = arith.addi %mul3A_4, %add3A_203 : i32
    %dma_start3A_205 = arith.constant 1 : i32
    %dma_start3A_206 = arith.constant 25 : i32
    %dma_start3A_207 = arith.constant 1 : i32
    %dma_start3A_208 = arith.constant 0 : i32
    %dma_start3A_209 = arith.constant 0 : i32
    %dma_start3A_210 = arith.constant 0 : i32
    %dma_start3A_211 = tpu.memref_slice %arg9[%dma_start3A_208, %dma_start3A_205, %dma_start3A_209, %dma_start3A_210] : memref<2x4x8x131xf32, #tpu.memory_space<vmem>> -> memref<2x1x8x128xf32, #tpu.memory_space<vmem>>
    %dma_start3A_212 = tpu.memref_squeeze %dma_start3A_211 : memref<2x1x8x128xf32, #tpu.memory_space<vmem>> -> memref<2x8x128xf32, #tpu.memory_space<vmem>>
    %dma_start3A_213 = arith.constant 0 : i32
    %dma_start3A_214 = arith.constant 0 : i32
    %dma_start3A_215 = tpu.memref_slice %arg4[%dma_start3A_206, %dma_start3A_207, %add3A_204, %dma_start3A_213, %dma_start3A_214] : memref<26x4x128x8x128xf32, #tpu.memory_space<hbm>> -> memref<1x1x2x8x128xf32, #tpu.memory_space<hbm>>
    %dma_start3A_216 = tpu.memref_squeeze %dma_start3A_215 : memref<1x1x2x8x128xf32, #tpu.memory_space<hbm>> -> memref<2x8x128xf32, #tpu.memory_space<hbm>>
    %dma_start3A_217 = arith.constant 0 : i32
    %dma_start3A_218 = arith.constant 0 : i32
    %dma_start3A_219 = tpu.memref_slice %arg4[%dma_start3A_206, %dma_start3A_207, %add3A_204, %dma_start3A_217, %dma_start3A_218] : memref<26x4x128x8x128xf32, #tpu.memory_space<hbm>> -> memref<1x1x2x8x128xf32, #tpu.memory_space<hbm>>
    %dma_start3A_220 = tpu.memref_squeeze %dma_start3A_219 : memref<1x1x2x8x128xf32, #tpu.memory_space<hbm>> -> memref<2x8x128xf32, #tpu.memory_space<hbm>>
    %dma_start3A_221 = arith.constant 0 : i32
    %dma_start3A_222 = arith.constant 0 : i32
    %dma_start3A_223 = arith.constant 0 : i32
    %dma_start3A_224 = tpu.memref_slice %arg9[%dma_start3A_221, %dma_start3A_205, %dma_start3A_222, %dma_start3A_223] : memref<2x4x8x131xf32, #tpu.memory_space<vmem>> -> memref<2x1x8x128xf32, #tpu.memory_space<vmem>>
    %dma_start3A_225 = tpu.memref_squeeze %dma_start3A_224 : memref<2x1x8x128xf32, #tpu.memory_space<vmem>> -> memref<2x8x128xf32, #tpu.memory_space<vmem>>
    tpu.enqueue_dma source(%dma_start3A_225 : memref<2x8x128xf32, #tpu.memory_space<vmem>>) target(%dma_start3A_220 : memref<2x8x128xf32, #tpu.memory_space<hbm>>) target_semaphore(%arg13 : memref<!tpu.dma_semaphore, #tpu.memory_space<semaphore_mem>>)
    %add3A_226 = arith.constant 0 : i32
    %add3A_227 = arith.addi %mul3A_4, %add3A_226 : i32
    %dma_start3A_228 = arith.constant 2 : i32
    %dma_start3A_229 = arith.constant 25 : i32
    %dma_start3A_230 = arith.constant 2 : i32
    %dma_start3A_231 = arith.constant 0 : i32
    %dma_start3A_232 = arith.constant 0 : i32
    %dma_start3A_233 = arith.constant 0 : i32
    %dma_start3A_234 = tpu.memref_slice %arg9[%dma_start3A_231, %dma_start3A_228, %dma_start3A_232, %dma_start3A_233] : memref<2x4x8x131xf32, #tpu.memory_space<vmem>> -> memref<2x1x8x128xf32, #tpu.memory_space<vmem>>
    %dma_start3A_235 = tpu.memref_squeeze %dma_start3A_234 : memref<2x1x8x128xf32, #tpu.memory_space<vmem>> -> memref<2x8x128xf32, #tpu.memory_space<vmem>>
    %dma_start3A_236 = arith.constant 0 : i32
    %dma_start3A_237 = arith.constant 0 : i32
    %dma_start3A_238 = tpu.memref_slice %arg4[%dma_start3A_229, %dma_start3A_230, %add3A_227, %dma_start3A_236, %dma_start3A_237] : memref<26x4x128x8x128xf32, #tpu.memory_space<hbm>> -> memref<1x1x2x8x128xf32, #tpu.memory_space<hbm>>
    %dma_start3A_239 = tpu.memref_squeeze %dma_start3A_238 : memref<1x1x2x8x128xf32, #tpu.memory_space<hbm>> -> memref<2x8x128xf32, #tpu.memory_space<hbm>>
    %dma_start3A_240 = arith.constant 0 : i32
    %dma_start3A_241 = arith.constant 0 : i32
    %dma_start3A_242 = tpu.memref_slice %arg4[%dma_start3A_229, %dma_start3A_230, %add3A_227, %dma_start3A_240, %dma_start3A_241] : memref<26x4x128x8x128xf32, #tpu.memory_space<hbm>> -> memref<1x1x2x8x128xf32, #tpu.memory_space<hbm>>
    %dma_start3A_243 = tpu.memref_squeeze %dma_start3A_242 : memref<1x1x2x8x128xf32, #tpu.memory_space<hbm>> -> memref<2x8x128xf32, #tpu.memory_space<hbm>>
    %dma_start3A_244 = arith.constant 0 : i32
    %dma_start3A_245 = arith.constant 0 : i32
    %dma_start3A_246 = arith.constant 0 : i32
    %dma_start3A_247 = tpu.memref_slice %arg9[%dma_start3A_244, %dma_start3A_228, %dma_start3A_245, %dma_start3A_246] : memref<2x4x8x131xf32, #tpu.memory_space<vmem>> -> memref<2x1x8x128xf32, #tpu.memory_space<vmem>>
    %dma_start3A_248 = tpu.memref_squeeze %dma_start3A_247 : memref<2x1x8x128xf32, #tpu.memory_space<vmem>> -> memref<2x8x128xf32, #tpu.memory_space<vmem>>
    tpu.enqueue_dma source(%dma_start3A_248 : memref<2x8x128xf32, #tpu.memory_space<vmem>>) target(%dma_start3A_243 : memref<2x8x128xf32, #tpu.memory_space<hbm>>) target_semaphore(%arg13 : memref<!tpu.dma_semaphore, #tpu.memory_space<semaphore_mem>>)
    %add3A_249 = arith.constant 0 : i32
    %add3A_250 = arith.addi %mul3A_4, %add3A_249 : i32
    %dma_start3A_251 = arith.constant 3 : i32
    %dma_start3A_252 = arith.constant 25 : i32
    %dma_start3A_253 = arith.constant 3 : i32
    %dma_start3A_254 = arith.constant 0 : i32
    %dma_start3A_255 = arith.constant 0 : i32
    %dma_start3A_256 = arith.constant 0 : i32
    %dma_start3A_257 = tpu.memref_slice %arg9[%dma_start3A_254, %dma_start3A_251, %dma_start3A_255, %dma_start3A_256] : memref<2x4x8x131xf32, #tpu.memory_space<vmem>> -> memref<2x1x8x128xf32, #tpu.memory_space<vmem>>
    %dma_start3A_258 = tpu.memref_squeeze %dma_start3A_257 : memref<2x1x8x128xf32, #tpu.memory_space<vmem>> -> memref<2x8x128xf32, #tpu.memory_space<vmem>>
    %dma_start3A_259 = arith.constant 0 : i32
    %dma_start3A_260 = arith.constant 0 : i32
    %dma_start3A_261 = tpu.memref_slice %arg4[%dma_start3A_252, %dma_start3A_253, %add3A_250, %dma_start3A_259, %dma_start3A_260] : memref<26x4x128x8x128xf32, #tpu.memory_space<hbm>> -> memref<1x1x2x8x128xf32, #tpu.memory_space<hbm>>
    %dma_start3A_262 = tpu.memref_squeeze %dma_start3A_261 : memref<1x1x2x8x128xf32, #tpu.memory_space<hbm>> -> memref<2x8x128xf32, #tpu.memory_space<hbm>>
    %dma_start3A_263 = arith.constant 0 : i32
    %dma_start3A_264 = arith.constant 0 : i32
    %dma_start3A_265 = tpu.memref_slice %arg4[%dma_start3A_252, %dma_start3A_253, %add3A_250, %dma_start3A_263, %dma_start3A_264] : memref<26x4x128x8x128xf32, #tpu.memory_space<hbm>> -> memref<1x1x2x8x128xf32, #tpu.memory_space<hbm>>
    %dma_start3A_266 = tpu.memref_squeeze %dma_start3A_265 : memref<1x1x2x8x128xf32, #tpu.memory_space<hbm>> -> memref<2x8x128xf32, #tpu.memory_space<hbm>>
    %dma_start3A_267 = arith.constant 0 : i32
    %dma_start3A_268 = arith.constant 0 : i32
    %dma_start3A_269 = arith.constant 0 : i32
    %dma_start3A_270 = tpu.memref_slice %arg9[%dma_start3A_267, %dma_start3A_251, %dma_start3A_268, %dma_start3A_269] : memref<2x4x8x131xf32, #tpu.memory_space<vmem>> -> memref<2x1x8x128xf32, #tpu.memory_space<vmem>>
    %dma_start3A_271 = tpu.memref_squeeze %dma_start3A_270 : memref<2x1x8x128xf32, #tpu.memory_space<vmem>> -> memref<2x8x128xf32, #tpu.memory_space<vmem>>
    tpu.enqueue_dma source(%dma_start3A_271 : memref<2x8x128xf32, #tpu.memory_space<vmem>>) target(%dma_start3A_266 : memref<2x8x128xf32, #tpu.memory_space<hbm>>) target_semaphore(%arg13 : memref<!tpu.dma_semaphore, #tpu.memory_space<semaphore_mem>>)
    %dma_wait3A_272 = arith.constant 0 : i32
    %dma_wait3A_273 = arith.constant 0 : i32
    %dma_wait3A_274 = tpu.memref_slice %arg8[%dma_wait3A_272, %dma_wait3A_273] : memref<256x32xf32, #tpu.memory_space<vmem>> -> memref<128x32xf32, #tpu.memory_space<vmem>>
    %dma_wait3A_275 = arith.constant 0 : i32
    %dma_wait3A_276 = tpu.memref_slice %arg6[%dma_wait3A_275] : memref<13312xi32, #tpu.memory_space<vmem>> -> memref<128xi32, #tpu.memory_space<vmem>>
    %dma_wait3A_277 = arith.constant 0 : i32
    %dma_wait3A_278 = arith.constant 0 : i32
    %dma_wait3A_279 = tpu.memref_slice %arg3[%dma_wait3A_277, %dma_wait3A_278] : memref<1040000x32xf32, #tpu.memory_space<hbm>> -> memref<1040000x32xf32, #tpu.memory_space<hbm>>
    tpu.wait_indirect_dma semaphore(%arg12 : memref<!tpu.dma_semaphore, #tpu.memory_space<semaphore_mem>>) src(%dma_wait3A_279 : memref<1040000x32xf32, #tpu.memory_space<hbm>>) dst(%dma_wait3A_274 : memref<128x32xf32, #tpu.memory_space<vmem>>)
    %dma_wait3A_280 = arith.constant 128 : i32
    %dma_wait3A_281 = arith.constant 0 : i32
    %dma_wait3A_282 = tpu.memref_slice %arg8[%dma_wait3A_280, %dma_wait3A_281] : memref<256x32xf32, #tpu.memory_space<vmem>> -> memref<128x32xf32, #tpu.memory_space<vmem>>
    %dma_wait3A_283 = arith.constant 0 : i32
    %dma_wait3A_284 = tpu.memref_slice %arg6[%dma_wait3A_283] : memref<13312xi32, #tpu.memory_space<vmem>> -> memref<128xi32, #tpu.memory_space<vmem>>
    %dma_wait3A_285 = arith.constant 0 : i32
    %dma_wait3A_286 = arith.constant 0 : i32
    %dma_wait3A_287 = tpu.memref_slice %arg3[%dma_wait3A_285, %dma_wait3A_286] : memref<1040000x32xf32, #tpu.memory_space<hbm>> -> memref<1040000x32xf32, #tpu.memory_space<hbm>>
    tpu.wait_indirect_dma semaphore(%arg12 : memref<!tpu.dma_semaphore, #tpu.memory_space<semaphore_mem>>) src(%dma_wait3A_287 : memref<1040000x32xf32, #tpu.memory_space<hbm>>) dst(%dma_wait3A_282 : memref<128x32xf32, #tpu.memory_space<vmem>>)
    %dma_wait3A_288 = arith.constant 0 : i32
    %dma_wait3A_289 = arith.constant 0 : i32
    %dma_wait3A_290 = arith.constant 0 : i32
    %dma_wait3A_291 = arith.constant 0 : i32
    %dma_wait3A_292 = arith.constant 0 : i32
    %dma_wait3A_293 = arith.constant 0 : i32
    %dma_wait3A_294 = tpu.memref_slice %arg10[%dma_wait3A_291, %dma_wait3A_288, %dma_wait3A_292, %dma_wait3A_293] : memref<2x4x8x131xf32, #tpu.memory_space<vmem>> -> memref<2x1x8x128xf32, #tpu.memory_space<vmem>>
    %dma_wait3A_295 = tpu.memref_squeeze %dma_wait3A_294 : memref<2x1x8x128xf32, #tpu.memory_space<vmem>> -> memref<2x8x128xf32, #tpu.memory_space<vmem>>
    %dma_wait3A_296 = arith.constant 0 : i32
    %dma_wait3A_297 = arith.constant 0 : i32
    %dma_wait3A_298 = arith.constant 0 : i32
    %dma_wait3A_299 = tpu.memref_slice %arg4[%dma_wait3A_289, %dma_wait3A_290, %dma_wait3A_296, %dma_wait3A_297, %dma_wait3A_298] : memref<26x4x128x8x128xf32, #tpu.memory_space<hbm>> -> memref<1x1x2x8x128xf32, #tpu.memory_space<hbm>>
    %dma_wait3A_300 = tpu.memref_squeeze %dma_wait3A_299 : memref<1x1x2x8x128xf32, #tpu.memory_space<hbm>> -> memref<2x8x128xf32, #tpu.memory_space<hbm>>
    %dma_wait3A_301 = arith.constant 0 : i32
    %dma_wait3A_302 = arith.constant 0 : i32
    %dma_wait3A_303 = arith.constant 0 : i32
    %dma_wait3A_304 = tpu.memref_slice %arg4[%dma_wait3A_289, %dma_wait3A_290, %dma_wait3A_301, %dma_wait3A_302, %dma_wait3A_303] : memref<26x4x128x8x128xf32, #tpu.memory_space<hbm>> -> memref<1x1x2x8x128xf32, #tpu.memory_space<hbm>>
    %dma_wait3A_305 = tpu.memref_squeeze %dma_wait3A_304 : memref<1x1x2x8x128xf32, #tpu.memory_space<hbm>> -> memref<2x8x128xf32, #tpu.memory_space<hbm>>
    %dma_wait3A_306 = arith.constant 0 : i32
    %dma_wait3A_307 = arith.constant 0 : i32
    %dma_wait3A_308 = arith.constant 0 : i32
    %dma_wait3A_309 = tpu.memref_slice %arg10[%dma_wait3A_306, %dma_wait3A_288, %dma_wait3A_307, %dma_wait3A_308] : memref<2x4x8x131xf32, #tpu.memory_space<vmem>> -> memref<2x1x8x128xf32, #tpu.memory_space<vmem>>
    %dma_wait3A_310 = tpu.memref_squeeze %dma_wait3A_309 : memref<2x1x8x128xf32, #tpu.memory_space<vmem>> -> memref<2x8x128xf32, #tpu.memory_space<vmem>>
    tpu.wait_dma2 semaphore(%arg14 : memref<!tpu.dma_semaphore, #tpu.memory_space<semaphore_mem>>) src(%dma_wait3A_310 : memref<2x8x128xf32, #tpu.memory_space<vmem>>) dst(%dma_wait3A_305 : memref<2x8x128xf32, #tpu.memory_space<hbm>>)
    %dma_wait3A_311 = arith.constant 1 : i32
    %dma_wait3A_312 = arith.constant 0 : i32
    %dma_wait3A_313 = arith.constant 1 : i32
    %dma_wait3A_314 = arith.constant 0 : i32
    %dma_wait3A_315 = arith.constant 0 : i32
    %dma_wait3A_316 = arith.constant 0 : i32
    %dma_wait3A_317 = tpu.memref_slice %arg10[%dma_wait3A_314, %dma_wait3A_311, %dma_wait3A_315, %dma_wait3A_316] : memref<2x4x8x131xf32, #tpu.memory_space<vmem>> -> memref<2x1x8x128xf32, #tpu.memory_space<vmem>>
    %dma_wait3A_318 = tpu.memref_squeeze %dma_wait3A_317 : memref<2x1x8x128xf32, #tpu.memory_space<vmem>> -> memref<2x8x128xf32, #tpu.memory_space<vmem>>
    %dma_wait3A_319 = arith.constant 0 : i32
    %dma_wait3A_320 = arith.constant 0 : i32
    %dma_wait3A_321 = arith.constant 0 : i32
    %dma_wait3A_322 = tpu.memref_slice %arg4[%dma_wait3A_312, %dma_wait3A_313, %dma_wait3A_319, %dma_wait3A_320, %dma_wait3A_321] : memref<26x4x128x8x128xf32, #tpu.memory_space<hbm>> -> memref<1x1x2x8x128xf32, #tpu.memory_space<hbm>>
    %dma_wait3A_323 = tpu.memref_squeeze %dma_wait3A_322 : memref<1x1x2x8x128xf32, #tpu.memory_space<hbm>> -> memref<2x8x128xf32, #tpu.memory_space<hbm>>
    %dma_wait3A_324 = arith.constant 0 : i32
    %dma_wait3A_325 = arith.constant 0 : i32
    %dma_wait3A_326 = arith.constant 0 : i32
    %dma_wait3A_327 = tpu.memref_slice %arg4[%dma_wait3A_312, %dma_wait3A_313, %dma_wait3A_324, %dma_wait3A_325, %dma_wait3A_326] : memref<26x4x128x8x128xf32, #tpu.memory_space<hbm>> -> memref<1x1x2x8x128xf32, #tpu.memory_space<hbm>>
    %dma_wait3A_328 = tpu.memref_squeeze %dma_wait3A_327 : memref<1x1x2x8x128xf32, #tpu.memory_space<hbm>> -> memref<2x8x128xf32, #tpu.memory_space<hbm>>
    %dma_wait3A_329 = arith.constant 0 : i32
    %dma_wait3A_330 = arith.constant 0 : i32
    %dma_wait3A_331 = arith.constant 0 : i32
    %dma_wait3A_332 = tpu.memref_slice %arg10[%dma_wait3A_329, %dma_wait3A_311, %dma_wait3A_330, %dma_wait3A_331] : memref<2x4x8x131xf32, #tpu.memory_space<vmem>> -> memref<2x1x8x128xf32, #tpu.memory_space<vmem>>
    %dma_wait3A_333 = tpu.memref_squeeze %dma_wait3A_332 : memref<2x1x8x128xf32, #tpu.memory_space<vmem>> -> memref<2x8x128xf32, #tpu.memory_space<vmem>>
    tpu.wait_dma2 semaphore(%arg14 : memref<!tpu.dma_semaphore, #tpu.memory_space<semaphore_mem>>) src(%dma_wait3A_333 : memref<2x8x128xf32, #tpu.memory_space<vmem>>) dst(%dma_wait3A_328 : memref<2x8x128xf32, #tpu.memory_space<hbm>>)
    %dma_wait3A_334 = arith.constant 2 : i32
    %dma_wait3A_335 = arith.constant 0 : i32
    %dma_wait3A_336 = arith.constant 2 : i32
    %dma_wait3A_337 = arith.constant 0 : i32
    %dma_wait3A_338 = arith.constant 0 : i32
    %dma_wait3A_339 = arith.constant 0 : i32
    %dma_wait3A_340 = tpu.memref_slice %arg10[%dma_wait3A_337, %dma_wait3A_334, %dma_wait3A_338, %dma_wait3A_339] : memref<2x4x8x131xf32, #tpu.memory_space<vmem>> -> memref<2x1x8x128xf32, #tpu.memory_space<vmem>>
    %dma_wait3A_341 = tpu.memref_squeeze %dma_wait3A_340 : memref<2x1x8x128xf32, #tpu.memory_space<vmem>> -> memref<2x8x128xf32, #tpu.memory_space<vmem>>
    %dma_wait3A_342 = arith.constant 0 : i32
    %dma_wait3A_343 = arith.constant 0 : i32
    %dma_wait3A_344 = arith.constant 0 : i32
    %dma_wait3A_345 = tpu.memref_slice %arg4[%dma_wait3A_335, %dma_wait3A_336, %dma_wait3A_342, %dma_wait3A_343, %dma_wait3A_344] : memref<26x4x128x8x128xf32, #tpu.memory_space<hbm>> -> memref<1x1x2x8x128xf32, #tpu.memory_space<hbm>>
    %dma_wait3A_346 = tpu.memref_squeeze %dma_wait3A_345 : memref<1x1x2x8x128xf32, #tpu.memory_space<hbm>> -> memref<2x8x128xf32, #tpu.memory_space<hbm>>
    %dma_wait3A_347 = arith.constant 0 : i32
    %dma_wait3A_348 = arith.constant 0 : i32
    %dma_wait3A_349 = arith.constant 0 : i32
    %dma_wait3A_350 = tpu.memref_slice %arg4[%dma_wait3A_335, %dma_wait3A_336, %dma_wait3A_347, %dma_wait3A_348, %dma_wait3A_349] : memref<26x4x128x8x128xf32, #tpu.memory_space<hbm>> -> memref<1x1x2x8x128xf32, #tpu.memory_space<hbm>>
    %dma_wait3A_351 = tpu.memref_squeeze %dma_wait3A_350 : memref<1x1x2x8x128xf32, #tpu.memory_space<hbm>> -> memref<2x8x128xf32, #tpu.memory_space<hbm>>
    %dma_wait3A_352 = arith.constant 0 : i32
    %dma_wait3A_353 = arith.constant 0 : i32
    %dma_wait3A_354 = arith.constant 0 : i32
    %dma_wait3A_355 = tpu.memref_slice %arg10[%dma_wait3A_352, %dma_wait3A_334, %dma_wait3A_353, %dma_wait3A_354] : memref<2x4x8x131xf32, #tpu.memory_space<vmem>> -> memref<2x1x8x128xf32, #tpu.memory_space<vmem>>
    %dma_wait3A_356 = tpu.memref_squeeze %dma_wait3A_355 : memref<2x1x8x128xf32, #tpu.memory_space<vmem>> -> memref<2x8x128xf32, #tpu.memory_space<vmem>>
    tpu.wait_dma2 semaphore(%arg14 : memref<!tpu.dma_semaphore, #tpu.memory_space<semaphore_mem>>) src(%dma_wait3A_356 : memref<2x8x128xf32, #tpu.memory_space<vmem>>) dst(%dma_wait3A_351 : memref<2x8x128xf32, #tpu.memory_space<hbm>>)
    %dma_wait3A_357 = arith.constant 3 : i32
    %dma_wait3A_358 = arith.constant 0 : i32
    %dma_wait3A_359 = arith.constant 3 : i32
    %dma_wait3A_360 = arith.constant 0 : i32
    %dma_wait3A_361 = arith.constant 0 : i32
    %dma_wait3A_362 = arith.constant 0 : i32
    %dma_wait3A_363 = tpu.memref_slice %arg10[%dma_wait3A_360, %dma_wait3A_357, %dma_wait3A_361, %dma_wait3A_362] : memref<2x4x8x131xf32, #tpu.memory_space<vmem>> -> memref<2x1x8x128xf32, #tpu.memory_space<vmem>>
    %dma_wait3A_364 = tpu.memref_squeeze %dma_wait3A_363 : memref<2x1x8x128xf32, #tpu.memory_space<vmem>> -> memref<2x8x128xf32, #tpu.memory_space<vmem>>
    %dma_wait3A_365 = arith.constant 0 : i32
    %dma_wait3A_366 = arith.constant 0 : i32
    %dma_wait3A_367 = arith.constant 0 : i32
    %dma_wait3A_368 = tpu.memref_slice %arg4[%dma_wait3A_358, %dma_wait3A_359, %dma_wait3A_365, %dma_wait3A_366, %dma_wait3A_367] : memref<26x4x128x8x128xf32, #tpu.memory_space<hbm>> -> memref<1x1x2x8x128xf32, #tpu.memory_space<hbm>>
    %dma_wait3A_369 = tpu.memref_squeeze %dma_wait3A_368 : memref<1x1x2x8x128xf32, #tpu.memory_space<hbm>> -> memref<2x8x128xf32, #tpu.memory_space<hbm>>
    %dma_wait3A_370 = arith.constant 0 : i32
    %dma_wait3A_371 = arith.constant 0 : i32
    %dma_wait3A_372 = arith.constant 0 : i32
    %dma_wait3A_373 = tpu.memref_slice %arg4[%dma_wait3A_358, %dma_wait3A_359, %dma_wait3A_370, %dma_wait3A_371, %dma_wait3A_372] : memref<26x4x128x8x128xf32, #tpu.memory_space<hbm>> -> memref<1x1x2x8x128xf32, #tpu.memory_space<hbm>>
    %dma_wait3A_374 = tpu.memref_squeeze %dma_wait3A_373 : memref<1x1x2x8x128xf32, #tpu.memory_space<hbm>> -> memref<2x8x128xf32, #tpu.memory_space<hbm>>
    %dma_wait3A_375 = arith.constant 0 : i32
    %dma_wait3A_376 = arith.constant 0 : i32
    %dma_wait3A_377 = arith.constant 0 : i32
    %dma_wait3A_378 = tpu.memref_slice %arg10[%dma_wait3A_375, %dma_wait3A_357, %dma_wait3A_376, %dma_wait3A_377] : memref<2x4x8x131xf32, #tpu.memory_space<vmem>> -> memref<2x1x8x128xf32, #tpu.memory_space<vmem>>
    %dma_wait3A_379 = tpu.memref_squeeze %dma_wait3A_378 : memref<2x1x8x128xf32, #tpu.memory_space<vmem>> -> memref<2x8x128xf32, #tpu.memory_space<vmem>>
    tpu.wait_dma2 semaphore(%arg14 : memref<!tpu.dma_semaphore, #tpu.memory_space<semaphore_mem>>) src(%dma_wait3A_379 : memref<2x8x128xf32, #tpu.memory_space<vmem>>) dst(%dma_wait3A_374 : memref<2x8x128xf32, #tpu.memory_space<hbm>>)
    %scan3A_380 = arith.constant 0 : i32
    %scan3A_381 = arith.constant 0 : i32
    %scan3A_382 = arith.constant 64 : i32
    %scan3A_383 = arith.addi %scan3A_381, %scan3A_382 : i32
    %scan3A_384 = arith.constant 1 : i32
    scf.for %scan3A_662 = %scan3A_381 to %scan3A_383 step %scan3A_384  : i32 {
      %mul3A_663 = arith.constant 4 : i32
      %mul3A_664 = arith.muli %scan3A_662, %mul3A_663 : i32
      %add3A_665 = arith.constant 0 : i32
      %add3A_666 = arith.addi %mul3A_664, %add3A_665 : i32
      %shift_right_arithmetic3A_667 = arith.constant 7 : i32
      %shift_right_arithmetic3A_668 = arith.shrsi %add3A_666, %shift_right_arithmetic3A_667 : i32
      %and3A_669 = arith.constant 127 : i32
      %and3A_670 = arith.andi %add3A_666, %and3A_669 : i32
      %broadcast_in_dim3A = vector.broadcast %shift_right_arithmetic3A_668 : i32 to vector<16xi32>
      %broadcast_in_dim3A_671 = vector.broadcast %and3A_670 : i32 to vector<16xi32>
      %get3A = arith.index_cast %add3A_666 : i32 to index
      %get3A_672 = arith.constant 0 : index
      %get3A_673 = tpu.vector_load %arg8[%get3A, %get3A_672] {strides = array<i32>} : memref<256x32xf32, #tpu.memory_space<vmem>>, vector<16xf32>,
      %get3A_674 = arith.index_cast %add3A_666 : i32 to index
      %get3A_675 = arith.constant 16 : index
      %get3A_676 = tpu.vector_load %arg8[%get3A_674, %get3A_675] {strides = array<i32>} : memref<256x32xf32, #tpu.memory_space<vmem>>, vector<16xf32>,
      tpu.vector_store_idx %arg10[%broadcast_in_dim3A, %shift_right_arithmetic3A_24, %and3A_29, %broadcast_in_dim3A_671], %get3A_673 : memref<2x4x8x131xf32, #tpu.memory_space<vmem>>[vector<16xi32>, vector<16xi32>, vector<16xi32>, vector<16xi32>], vector<16xf32>,
      tpu.vector_store_idx %arg10[%broadcast_in_dim3A, %add3A_27, %and3A_29, %broadcast_in_dim3A_671], %get3A_676 : memref<2x4x8x131xf32, #tpu.memory_space<vmem>>[vector<16xi32>, vector<16xi32>, vector<16xi32>, vector<16xi32>], vector<16xf32>,
      %mul3A_677 = arith.constant 4 : i32
      %mul3A_678 = arith.muli %scan3A_662, %mul3A_677 : i32
      %add3A_679 = arith.constant 1 : i32
      %add3A_680 = arith.addi %mul3A_678, %add3A_679 : i32
      %shift_right_arithmetic3A_681 = arith.constant 7 : i32
      %shift_right_arithmetic3A_682 = arith.shrsi %add3A_680, %shift_right_arithmetic3A_681 : i32
      %and3A_683 = arith.constant 127 : i32
      %and3A_684 = arith.andi %add3A_680, %and3A_683 : i32
      %broadcast_in_dim3A_685 = vector.broadcast %shift_right_arithmetic3A_682 : i32 to vector<16xi32>
      %broadcast_in_dim3A_686 = vector.broadcast %and3A_684 : i32 to vector<16xi32>
      %get3A_687 = arith.index_cast %add3A_680 : i32 to index
      %get3A_688 = arith.constant 0 : index
      %get3A_689 = tpu.vector_load %arg8[%get3A_687, %get3A_688] {strides = array<i32>} : memref<256x32xf32, #tpu.memory_space<vmem>>, vector<16xf32>,
      %get3A_690 = arith.index_cast %add3A_680 : i32 to index
      %get3A_691 = arith.constant 16 : index
      %get3A_692 = tpu.vector_load %arg8[%get3A_690, %get3A_691] {strides = array<i32>} : memref<256x32xf32, #tpu.memory_space<vmem>>, vector<16xf32>,
      tpu.vector_store_idx %arg10[%broadcast_in_dim3A_685, %shift_right_arithmetic3A_24, %and3A_29, %broadcast_in_dim3A_686], %get3A_689 : memref<2x4x8x131xf32, #tpu.memory_space<vmem>>[vector<16xi32>, vector<16xi32>, vector<16xi32>, vector<16xi32>], vector<16xf32>,
      tpu.vector_store_idx %arg10[%broadcast_in_dim3A_685, %add3A_27, %and3A_29, %broadcast_in_dim3A_686], %get3A_692 : memref<2x4x8x131xf32, #tpu.memory_space<vmem>>[vector<16xi32>, vector<16xi32>, vector<16xi32>, vector<16xi32>], vector<16xf32>,
      %mul3A_693 = arith.constant 4 : i32
      %mul3A_694 = arith.muli %scan3A_662, %mul3A_693 : i32
      %add3A_695 = arith.constant 2 : i32
      %add3A_696 = arith.addi %mul3A_694, %add3A_695 : i32
      %shift_right_arithmetic3A_697 = arith.constant 7 : i32
      %shift_right_arithmetic3A_698 = arith.shrsi %add3A_696, %shift_right_arithmetic3A_697 : i32
      %and3A_699 = arith.constant 127 : i32
      %and3A_700 = arith.andi %add3A_696, %and3A_699 : i32
      %broadcast_in_dim3A_701 = vector.broadcast %shift_right_arithmetic3A_698 : i32 to vector<16xi32>
      %broadcast_in_dim3A_702 = vector.broadcast %and3A_700 : i32 to vector<16xi32>
      %get3A_703 = arith.index_cast %add3A_696 : i32 to index
      %get3A_704 = arith.constant 0 : index
      %get3A_705 = tpu.vector_load %arg8[%get3A_703, %get3A_704] {strides = array<i32>} : memref<256x32xf32, #tpu.memory_space<vmem>>, vector<16xf32>,
      %get3A_706 = arith.index_cast %add3A_696 : i32 to index
      %get3A_707 = arith.constant 16 : index
      %get3A_708 = tpu.vector_load %arg8[%get3A_706, %get3A_707] {strides = array<i32>} : memref<256x32xf32, #tpu.memory_space<vmem>>, vector<16xf32>,
      tpu.vector_store_idx %arg10[%broadcast_in_dim3A_701, %shift_right_arithmetic3A_24, %and3A_29, %broadcast_in_dim3A_702], %get3A_705 : memref<2x4x8x131xf32, #tpu.memory_space<vmem>>[vector<16xi32>, vector<16xi32>, vector<16xi32>, vector<16xi32>], vector<16xf32>,
      tpu.vector_store_idx %arg10[%broadcast_in_dim3A_701, %add3A_27, %and3A_29, %broadcast_in_dim3A_702], %get3A_708 : memref<2x4x8x131xf32, #tpu.memory_space<vmem>>[vector<16xi32>, vector<16xi32>, vector<16xi32>, vector<16xi32>], vector<16xf32>,
      %mul3A_709 = arith.constant 4 : i32
      %mul3A_710 = arith.muli %scan3A_662, %mul3A_709 : i32
      %add3A_711 = arith.constant 3 : i32
      %add3A_712 = arith.addi %mul3A_710, %add3A_711 : i32
      %shift_right_arithmetic3A_713 = arith.constant 7 : i32
      %shift_right_arithmetic3A_714 = arith.shrsi %add3A_712, %shift_right_arithmetic3A_713 : i32
      %and3A_715 = arith.constant 127 : i32
      %and3A_716 = arith.andi %add3A_712, %and3A_715 : i32
      %broadcast_in_dim3A_717 = vector.broadcast %shift_right_arithmetic3A_714 : i32 to vector<16xi32>
      %broadcast_in_dim3A_718 = vector.broadcast %and3A_716 : i32 to vector<16xi32>
      %get3A_719 = arith.index_cast %add3A_712 : i32 to index
      %get3A_720 = arith.constant 0 : index
      %get3A_721 = tpu.vector_load %arg8[%get3A_719, %get3A_720] {strides = array<i32>} : memref<256x32xf32, #tpu.memory_space<vmem>>, vector<16xf32>,
      %get3A_722 = arith.index_cast %add3A_712 : i32 to index
      %get3A_723 = arith.constant 16 : index
      %get3A_724 = tpu.vector_load %arg8[%get3A_722, %get3A_723] {strides = array<i32>} : memref<256x32xf32, #tpu.memory_space<vmem>>, vector<16xf32>,
      tpu.vector_store_idx %arg10[%broadcast_in_dim3A_717, %shift_right_arithmetic3A_24, %and3A_29, %broadcast_in_dim3A_718], %get3A_721 : memref<2x4x8x131xf32, #tpu.memory_space<vmem>>[vector<16xi32>, vector<16xi32>, vector<16xi32>, vector<16xi32>], vector<16xf32>,
      tpu.vector_store_idx %arg10[%broadcast_in_dim3A_717, %add3A_27, %and3A_29, %broadcast_in_dim3A_718], %get3A_724 : memref<2x4x8x131xf32, #tpu.memory_space<vmem>>[vector<16xi32>, vector<16xi32>, vector<16xi32>, vector<16xi32>], vector<16xf32>,
    }
    %scan3A_385 = arith.constant 64 : i32
    %add3A_386 = arith.constant 2 : i32
    %add3A_387 = arith.addi %mul3A_4, %add3A_386 : i32
    %dma_start3A_388 = arith.constant 0 : i32
    %dma_start3A_389 = arith.constant 25 : i32
    %dma_start3A_390 = arith.constant 0 : i32
    %dma_start3A_391 = arith.constant 0 : i32
    %dma_start3A_392 = arith.constant 0 : i32
    %dma_start3A_393 = arith.constant 0 : i32
    %dma_start3A_394 = tpu.memref_slice %arg10[%dma_start3A_391, %dma_start3A_388, %dma_start3A_392, %dma_start3A_393] : memref<2x4x8x131xf32, #tpu.memory_space<vmem>> -> memref<2x1x8x128xf32, #tpu.memory_space<vmem>>
    %dma_start3A_395 = tpu.memref_squeeze %dma_start3A_394 : memref<2x1x8x128xf32, #tpu.memory_space<vmem>> -> memref<2x8x128xf32, #tpu.memory_space<vmem>>
    %dma_start3A_396 = arith.constant 0 : i32
    %dma_start3A_397 = arith.constant 0 : i32
    %dma_start3A_398 = tpu.memref_slice %arg4[%dma_start3A_389, %dma_start3A_390, %add3A_387, %dma_start3A_396, %dma_start3A_397] : memref<26x4x128x8x128xf32, #tpu.memory_space<hbm>> -> memref<1x1x2x8x128xf32, #tpu.memory_space<hbm>>
    %dma_start3A_399 = tpu.memref_squeeze %dma_start3A_398 : memref<1x1x2x8x128xf32, #tpu.memory_space<hbm>> -> memref<2x8x128xf32, #tpu.memory_space<hbm>>
    %dma_start3A_400 = arith.constant 0 : i32
    %dma_start3A_401 = arith.constant 0 : i32
    %dma_start3A_402 = tpu.memref_slice %arg4[%dma_start3A_389, %dma_start3A_390, %add3A_387, %dma_start3A_400, %dma_start3A_401] : memref<26x4x128x8x128xf32, #tpu.memory_space<hbm>> -> memref<1x1x2x8x128xf32, #tpu.memory_space<hbm>>
    %dma_start3A_403 = tpu.memref_squeeze %dma_start3A_402 : memref<1x1x2x8x128xf32, #tpu.memory_space<hbm>> -> memref<2x8x128xf32, #tpu.memory_space<hbm>>
    %dma_start3A_404 = arith.constant 0 : i32
    %dma_start3A_405 = arith.constant 0 : i32
    %dma_start3A_406 = arith.constant 0 : i32
    %dma_start3A_407 = tpu.memref_slice %arg10[%dma_start3A_404, %dma_start3A_388, %dma_start3A_405, %dma_start3A_406] : memref<2x4x8x131xf32, #tpu.memory_space<vmem>> -> memref<2x1x8x128xf32, #tpu.memory_space<vmem>>
    %dma_start3A_408 = tpu.memref_squeeze %dma_start3A_407 : memref<2x1x8x128xf32, #tpu.memory_space<vmem>> -> memref<2x8x128xf32, #tpu.memory_space<vmem>>
    tpu.enqueue_dma source(%dma_start3A_408 : memref<2x8x128xf32, #tpu.memory_space<vmem>>) target(%dma_start3A_403 : memref<2x8x128xf32, #tpu.memory_space<hbm>>) target_semaphore(%arg14 : memref<!tpu.dma_semaphore, #tpu.memory_space<semaphore_mem>>)
    %add3A_409 = arith.constant 2 : i32
    %add3A_410 = arith.addi %mul3A_4, %add3A_409 : i32
    %dma_start3A_411 = arith.constant 1 : i32
    %dma_start3A_412 = arith.constant 25 : i32
    %dma_start3A_413 = arith.constant 1 : i32
    %dma_start3A_414 = arith.constant 0 : i32
    %dma_start3A_415 = arith.constant 0 : i32
    %dma_start3A_416 = arith.constant 0 : i32
    %dma_start3A_417 = tpu.memref_slice %arg10[%dma_start3A_414, %dma_start3A_411, %dma_start3A_415, %dma_start3A_416] : memref<2x4x8x131xf32, #tpu.memory_space<vmem>> -> memref<2x1x8x128xf32, #tpu.memory_space<vmem>>
    %dma_start3A_418 = tpu.memref_squeeze %dma_start3A_417 : memref<2x1x8x128xf32, #tpu.memory_space<vmem>> -> memref<2x8x128xf32, #tpu.memory_space<vmem>>
    %dma_start3A_419 = arith.constant 0 : i32
    %dma_start3A_420 = arith.constant 0 : i32
    %dma_start3A_421 = tpu.memref_slice %arg4[%dma_start3A_412, %dma_start3A_413, %add3A_410, %dma_start3A_419, %dma_start3A_420] : memref<26x4x128x8x128xf32, #tpu.memory_space<hbm>> -> memref<1x1x2x8x128xf32, #tpu.memory_space<hbm>>
    %dma_start3A_422 = tpu.memref_squeeze %dma_start3A_421 : memref<1x1x2x8x128xf32, #tpu.memory_space<hbm>> -> memref<2x8x128xf32, #tpu.memory_space<hbm>>
    %dma_start3A_423 = arith.constant 0 : i32
    %dma_start3A_424 = arith.constant 0 : i32
    %dma_start3A_425 = tpu.memref_slice %arg4[%dma_start3A_412, %dma_start3A_413, %add3A_410, %dma_start3A_423, %dma_start3A_424] : memref<26x4x128x8x128xf32, #tpu.memory_space<hbm>> -> memref<1x1x2x8x128xf32, #tpu.memory_space<hbm>>
    %dma_start3A_426 = tpu.memref_squeeze %dma_start3A_425 : memref<1x1x2x8x128xf32, #tpu.memory_space<hbm>> -> memref<2x8x128xf32, #tpu.memory_space<hbm>>
    %dma_start3A_427 = arith.constant 0 : i32
    %dma_start3A_428 = arith.constant 0 : i32
    %dma_start3A_429 = arith.constant 0 : i32
    %dma_start3A_430 = tpu.memref_slice %arg10[%dma_start3A_427, %dma_start3A_411, %dma_start3A_428, %dma_start3A_429] : memref<2x4x8x131xf32, #tpu.memory_space<vmem>> -> memref<2x1x8x128xf32, #tpu.memory_space<vmem>>
    %dma_start3A_431 = tpu.memref_squeeze %dma_start3A_430 : memref<2x1x8x128xf32, #tpu.memory_space<vmem>> -> memref<2x8x128xf32, #tpu.memory_space<vmem>>
    tpu.enqueue_dma source(%dma_start3A_431 : memref<2x8x128xf32, #tpu.memory_space<vmem>>) target(%dma_start3A_426 : memref<2x8x128xf32, #tpu.memory_space<hbm>>) target_semaphore(%arg14 : memref<!tpu.dma_semaphore, #tpu.memory_space<semaphore_mem>>)
    %add3A_432 = arith.constant 2 : i32
    %add3A_433 = arith.addi %mul3A_4, %add3A_432 : i32
    %dma_start3A_434 = arith.constant 2 : i32
    %dma_start3A_435 = arith.constant 25 : i32
    %dma_start3A_436 = arith.constant 2 : i32
    %dma_start3A_437 = arith.constant 0 : i32
    %dma_start3A_438 = arith.constant 0 : i32
    %dma_start3A_439 = arith.constant 0 : i32
    %dma_start3A_440 = tpu.memref_slice %arg10[%dma_start3A_437, %dma_start3A_434, %dma_start3A_438, %dma_start3A_439] : memref<2x4x8x131xf32, #tpu.memory_space<vmem>> -> memref<2x1x8x128xf32, #tpu.memory_space<vmem>>
    %dma_start3A_441 = tpu.memref_squeeze %dma_start3A_440 : memref<2x1x8x128xf32, #tpu.memory_space<vmem>> -> memref<2x8x128xf32, #tpu.memory_space<vmem>>
    %dma_start3A_442 = arith.constant 0 : i32
    %dma_start3A_443 = arith.constant 0 : i32
    %dma_start3A_444 = tpu.memref_slice %arg4[%dma_start3A_435, %dma_start3A_436, %add3A_433, %dma_start3A_442, %dma_start3A_443] : memref<26x4x128x8x128xf32, #tpu.memory_space<hbm>> -> memref<1x1x2x8x128xf32, #tpu.memory_space<hbm>>
    %dma_start3A_445 = tpu.memref_squeeze %dma_start3A_444 : memref<1x1x2x8x128xf32, #tpu.memory_space<hbm>> -> memref<2x8x128xf32, #tpu.memory_space<hbm>>
    %dma_start3A_446 = arith.constant 0 : i32
    %dma_start3A_447 = arith.constant 0 : i32
    %dma_start3A_448 = tpu.memref_slice %arg4[%dma_start3A_435, %dma_start3A_436, %add3A_433, %dma_start3A_446, %dma_start3A_447] : memref<26x4x128x8x128xf32, #tpu.memory_space<hbm>> -> memref<1x1x2x8x128xf32, #tpu.memory_space<hbm>>
    %dma_start3A_449 = tpu.memref_squeeze %dma_start3A_448 : memref<1x1x2x8x128xf32, #tpu.memory_space<hbm>> -> memref<2x8x128xf32, #tpu.memory_space<hbm>>
    %dma_start3A_450 = arith.constant 0 : i32
    %dma_start3A_451 = arith.constant 0 : i32
    %dma_start3A_452 = arith.constant 0 : i32
    %dma_start3A_453 = tpu.memref_slice %arg10[%dma_start3A_450, %dma_start3A_434, %dma_start3A_451, %dma_start3A_452] : memref<2x4x8x131xf32, #tpu.memory_space<vmem>> -> memref<2x1x8x128xf32, #tpu.memory_space<vmem>>
    %dma_start3A_454 = tpu.memref_squeeze %dma_start3A_453 : memref<2x1x8x128xf32, #tpu.memory_space<vmem>> -> memref<2x8x128xf32, #tpu.memory_space<vmem>>
    tpu.enqueue_dma source(%dma_start3A_454 : memref<2x8x128xf32, #tpu.memory_space<vmem>>) target(%dma_start3A_449 : memref<2x8x128xf32, #tpu.memory_space<hbm>>) target_semaphore(%arg14 : memref<!tpu.dma_semaphore, #tpu.memory_space<semaphore_mem>>)
    %add3A_455 = arith.constant 2 : i32
    %add3A_456 = arith.addi %mul3A_4, %add3A_455 : i32
    %dma_start3A_457 = arith.constant 3 : i32
    %dma_start3A_458 = arith.constant 25 : i32
    %dma_start3A_459 = arith.constant 3 : i32
    %dma_start3A_460 = arith.constant 0 : i32
    %dma_start3A_461 = arith.constant 0 : i32
    %dma_start3A_462 = arith.constant 0 : i32
    %dma_start3A_463 = tpu.memref_slice %arg10[%dma_start3A_460, %dma_start3A_457, %dma_start3A_461, %dma_start3A_462] : memref<2x4x8x131xf32, #tpu.memory_space<vmem>> -> memref<2x1x8x128xf32, #tpu.memory_space<vmem>>
    %dma_start3A_464 = tpu.memref_squeeze %dma_start3A_463 : memref<2x1x8x128xf32, #tpu.memory_space<vmem>> -> memref<2x8x128xf32, #tpu.memory_space<vmem>>
    %dma_start3A_465 = arith.constant 0 : i32
    %dma_start3A_466 = arith.constant 0 : i32
    %dma_start3A_467 = tpu.memref_slice %arg4[%dma_start3A_458, %dma_start3A_459, %add3A_456, %dma_start3A_465, %dma_start3A_466] : memref<26x4x128x8x128xf32, #tpu.memory_space<hbm>> -> memref<1x1x2x8x128xf32, #tpu.memory_space<hbm>>
    %dma_start3A_468 = tpu.memref_squeeze %dma_start3A_467 : memref<1x1x2x8x128xf32, #tpu.memory_space<hbm>> -> memref<2x8x128xf32, #tpu.memory_space<hbm>>
    %dma_start3A_469 = arith.constant 0 : i32
    %dma_start3A_470 = arith.constant 0 : i32
    %dma_start3A_471 = tpu.memref_slice %arg4[%dma_start3A_458, %dma_start3A_459, %add3A_456, %dma_start3A_469, %dma_start3A_470] : memref<26x4x128x8x128xf32, #tpu.memory_space<hbm>> -> memref<1x1x2x8x128xf32, #tpu.memory_space<hbm>>
    %dma_start3A_472 = tpu.memref_squeeze %dma_start3A_471 : memref<1x1x2x8x128xf32, #tpu.memory_space<hbm>> -> memref<2x8x128xf32, #tpu.memory_space<hbm>>
    %dma_start3A_473 = arith.constant 0 : i32
    %dma_start3A_474 = arith.constant 0 : i32
    %dma_start3A_475 = arith.constant 0 : i32
    %dma_start3A_476 = tpu.memref_slice %arg10[%dma_start3A_473, %dma_start3A_457, %dma_start3A_474, %dma_start3A_475] : memref<2x4x8x131xf32, #tpu.memory_space<vmem>> -> memref<2x1x8x128xf32, #tpu.memory_space<vmem>>
    %dma_start3A_477 = tpu.memref_squeeze %dma_start3A_476 : memref<2x1x8x128xf32, #tpu.memory_space<vmem>> -> memref<2x8x128xf32, #tpu.memory_space<vmem>>
    tpu.enqueue_dma source(%dma_start3A_477 : memref<2x8x128xf32, #tpu.memory_space<vmem>>) target(%dma_start3A_472 : memref<2x8x128xf32, #tpu.memory_space<hbm>>) target_semaphore(%arg14 : memref<!tpu.dma_semaphore, #tpu.memory_space<semaphore_mem>>)
    %dma_wait3A_478 = arith.constant 0 : i32
    %dma_wait3A_479 = arith.constant 0 : i32
    %dma_wait3A_480 = arith.constant 0 : i32
    %dma_wait3A_481 = arith.constant 0 : i32
    %dma_wait3A_482 = arith.constant 0 : i32
    %dma_wait3A_483 = arith.constant 0 : i32
    %dma_wait3A_484 = tpu.memref_slice %arg9[%dma_wait3A_481, %dma_wait3A_478, %dma_wait3A_482, %dma_wait3A_483] : memref<2x4x8x131xf32, #tpu.memory_space<vmem>> -> memref<2x1x8x128xf32, #tpu.memory_space<vmem>>
    %dma_wait3A_485 = tpu.memref_squeeze %dma_wait3A_484 : memref<2x1x8x128xf32, #tpu.memory_space<vmem>> -> memref<2x8x128xf32, #tpu.memory_space<vmem>>
    %dma_wait3A_486 = arith.constant 0 : i32
    %dma_wait3A_487 = arith.constant 0 : i32
    %dma_wait3A_488 = arith.constant 0 : i32
    %dma_wait3A_489 = tpu.memref_slice %arg4[%dma_wait3A_479, %dma_wait3A_480, %dma_wait3A_486, %dma_wait3A_487, %dma_wait3A_488] : memref<26x4x128x8x128xf32, #tpu.memory_space<hbm>> -> memref<1x1x2x8x128xf32, #tpu.memory_space<hbm>>
    %dma_wait3A_490 = tpu.memref_squeeze %dma_wait3A_489 : memref<1x1x2x8x128xf32, #tpu.memory_space<hbm>> -> memref<2x8x128xf32, #tpu.memory_space<hbm>>
    %dma_wait3A_491 = arith.constant 0 : i32
    %dma_wait3A_492 = arith.constant 0 : i32
    %dma_wait3A_493 = arith.constant 0 : i32
    %dma_wait3A_494 = tpu.memref_slice %arg4[%dma_wait3A_479, %dma_wait3A_480, %dma_wait3A_491, %dma_wait3A_492, %dma_wait3A_493] : memref<26x4x128x8x128xf32, #tpu.memory_space<hbm>> -> memref<1x1x2x8x128xf32, #tpu.memory_space<hbm>>
    %dma_wait3A_495 = tpu.memref_squeeze %dma_wait3A_494 : memref<1x1x2x8x128xf32, #tpu.memory_space<hbm>> -> memref<2x8x128xf32, #tpu.memory_space<hbm>>
    %dma_wait3A_496 = arith.constant 0 : i32
    %dma_wait3A_497 = arith.constant 0 : i32
    %dma_wait3A_498 = arith.constant 0 : i32
    %dma_wait3A_499 = tpu.memref_slice %arg9[%dma_wait3A_496, %dma_wait3A_478, %dma_wait3A_497, %dma_wait3A_498] : memref<2x4x8x131xf32, #tpu.memory_space<vmem>> -> memref<2x1x8x128xf32, #tpu.memory_space<vmem>>
    %dma_wait3A_500 = tpu.memref_squeeze %dma_wait3A_499 : memref<2x1x8x128xf32, #tpu.memory_space<vmem>> -> memref<2x8x128xf32, #tpu.memory_space<vmem>>
    tpu.wait_dma2 semaphore(%arg13 : memref<!tpu.dma_semaphore, #tpu.memory_space<semaphore_mem>>) src(%dma_wait3A_500 : memref<2x8x128xf32, #tpu.memory_space<vmem>>) dst(%dma_wait3A_495 : memref<2x8x128xf32, #tpu.memory_space<hbm>>)
    %dma_wait3A_501 = arith.constant 1 : i32
    %dma_wait3A_502 = arith.constant 0 : i32
    %dma_wait3A_503 = arith.constant 1 : i32
    %dma_wait3A_504 = arith.constant 0 : i32
    %dma_wait3A_505 = arith.constant 0 : i32
    %dma_wait3A_506 = arith.constant 0 : i32
    %dma_wait3A_507 = tpu.memref_slice %arg9[%dma_wait3A_504, %dma_wait3A_501, %dma_wait3A_505, %dma_wait3A_506] : memref<2x4x8x131xf32, #tpu.memory_space<vmem>> -> memref<2x1x8x128xf32, #tpu.memory_space<vmem>>
    %dma_wait3A_508 = tpu.memref_squeeze %dma_wait3A_507 : memref<2x1x8x128xf32, #tpu.memory_space<vmem>> -> memref<2x8x128xf32, #tpu.memory_space<vmem>>
    %dma_wait3A_509 = arith.constant 0 : i32
    %dma_wait3A_510 = arith.constant 0 : i32
    %dma_wait3A_511 = arith.constant 0 : i32
    %dma_wait3A_512 = tpu.memref_slice %arg4[%dma_wait3A_502, %dma_wait3A_503, %dma_wait3A_509, %dma_wait3A_510, %dma_wait3A_511] : memref<26x4x128x8x128xf32, #tpu.memory_space<hbm>> -> memref<1x1x2x8x128xf32, #tpu.memory_space<hbm>>
    %dma_wait3A_513 = tpu.memref_squeeze %dma_wait3A_512 : memref<1x1x2x8x128xf32, #tpu.memory_space<hbm>> -> memref<2x8x128xf32, #tpu.memory_space<hbm>>
    %dma_wait3A_514 = arith.constant 0 : i32
    %dma_wait3A_515 = arith.constant 0 : i32
    %dma_wait3A_516 = arith.constant 0 : i32
    %dma_wait3A_517 = tpu.memref_slice %arg4[%dma_wait3A_502, %dma_wait3A_503, %dma_wait3A_514, %dma_wait3A_515, %dma_wait3A_516] : memref<26x4x128x8x128xf32, #tpu.memory_space<hbm>> -> memref<1x1x2x8x128xf32, #tpu.memory_space<hbm>>
    %dma_wait3A_518 = tpu.memref_squeeze %dma_wait3A_517 : memref<1x1x2x8x128xf32, #tpu.memory_space<hbm>> -> memref<2x8x128xf32, #tpu.memory_space<hbm>>
    %dma_wait3A_519 = arith.constant 0 : i32
    %dma_wait3A_520 = arith.constant 0 : i32
    %dma_wait3A_521 = arith.constant 0 : i32
    %dma_wait3A_522 = tpu.memref_slice %arg9[%dma_wait3A_519, %dma_wait3A_501, %dma_wait3A_520, %dma_wait3A_521] : memref<2x4x8x131xf32, #tpu.memory_space<vmem>> -> memref<2x1x8x128xf32, #tpu.memory_space<vmem>>
    %dma_wait3A_523 = tpu.memref_squeeze %dma_wait3A_522 : memref<2x1x8x128xf32, #tpu.memory_space<vmem>> -> memref<2x8x128xf32, #tpu.memory_space<vmem>>
    tpu.wait_dma2 semaphore(%arg13 : memref<!tpu.dma_semaphore, #tpu.memory_space<semaphore_mem>>) src(%dma_wait3A_523 : memref<2x8x128xf32, #tpu.memory_space<vmem>>) dst(%dma_wait3A_518 : memref<2x8x128xf32, #tpu.memory_space<hbm>>)
    %dma_wait3A_524 = arith.constant 2 : i32
    %dma_wait3A_525 = arith.constant 0 : i32
    %dma_wait3A_526 = arith.constant 2 : i32
    %dma_wait3A_527 = arith.constant 0 : i32
    %dma_wait3A_528 = arith.constant 0 : i32
    %dma_wait3A_529 = arith.constant 0 : i32
    %dma_wait3A_530 = tpu.memref_slice %arg9[%dma_wait3A_527, %dma_wait3A_524, %dma_wait3A_528, %dma_wait3A_529] : memref<2x4x8x131xf32, #tpu.memory_space<vmem>> -> memref<2x1x8x128xf32, #tpu.memory_space<vmem>>
    %dma_wait3A_531 = tpu.memref_squeeze %dma_wait3A_530 : memref<2x1x8x128xf32, #tpu.memory_space<vmem>> -> memref<2x8x128xf32, #tpu.memory_space<vmem>>
    %dma_wait3A_532 = arith.constant 0 : i32
    %dma_wait3A_533 = arith.constant 0 : i32
    %dma_wait3A_534 = arith.constant 0 : i32
    %dma_wait3A_535 = tpu.memref_slice %arg4[%dma_wait3A_525, %dma_wait3A_526, %dma_wait3A_532, %dma_wait3A_533, %dma_wait3A_534] : memref<26x4x128x8x128xf32, #tpu.memory_space<hbm>> -> memref<1x1x2x8x128xf32, #tpu.memory_space<hbm>>
    %dma_wait3A_536 = tpu.memref_squeeze %dma_wait3A_535 : memref<1x1x2x8x128xf32, #tpu.memory_space<hbm>> -> memref<2x8x128xf32, #tpu.memory_space<hbm>>
    %dma_wait3A_537 = arith.constant 0 : i32
    %dma_wait3A_538 = arith.constant 0 : i32
    %dma_wait3A_539 = arith.constant 0 : i32
    %dma_wait3A_540 = tpu.memref_slice %arg4[%dma_wait3A_525, %dma_wait3A_526, %dma_wait3A_537, %dma_wait3A_538, %dma_wait3A_539] : memref<26x4x128x8x128xf32, #tpu.memory_space<hbm>> -> memref<1x1x2x8x128xf32, #tpu.memory_space<hbm>>
    %dma_wait3A_541 = tpu.memref_squeeze %dma_wait3A_540 : memref<1x1x2x8x128xf32, #tpu.memory_space<hbm>> -> memref<2x8x128xf32, #tpu.memory_space<hbm>>
    %dma_wait3A_542 = arith.constant 0 : i32
    %dma_wait3A_543 = arith.constant 0 : i32
    %dma_wait3A_544 = arith.constant 0 : i32
    %dma_wait3A_545 = tpu.memref_slice %arg9[%dma_wait3A_542, %dma_wait3A_524, %dma_wait3A_543, %dma_wait3A_544] : memref<2x4x8x131xf32, #tpu.memory_space<vmem>> -> memref<2x1x8x128xf32, #tpu.memory_space<vmem>>
    %dma_wait3A_546 = tpu.memref_squeeze %dma_wait3A_545 : memref<2x1x8x128xf32, #tpu.memory_space<vmem>> -> memref<2x8x128xf32, #tpu.memory_space<vmem>>
    tpu.wait_dma2 semaphore(%arg13 : memref<!tpu.dma_semaphore, #tpu.memory_space<semaphore_mem>>) src(%dma_wait3A_546 : memref<2x8x128xf32, #tpu.memory_space<vmem>>) dst(%dma_wait3A_541 : memref<2x8x128xf32, #tpu.memory_space<hbm>>)
    %dma_wait3A_547 = arith.constant 3 : i32
    %dma_wait3A_548 = arith.constant 0 : i32
    %dma_wait3A_549 = arith.constant 3 : i32
    %dma_wait3A_550 = arith.constant 0 : i32
    %dma_wait3A_551 = arith.constant 0 : i32
    %dma_wait3A_552 = arith.constant 0 : i32
    %dma_wait3A_553 = tpu.memref_slice %arg9[%dma_wait3A_550, %dma_wait3A_547, %dma_wait3A_551, %dma_wait3A_552] : memref<2x4x8x131xf32, #tpu.memory_space<vmem>> -> memref<2x1x8x128xf32, #tpu.memory_space<vmem>>
    %dma_wait3A_554 = tpu.memref_squeeze %dma_wait3A_553 : memref<2x1x8x128xf32, #tpu.memory_space<vmem>> -> memref<2x8x128xf32, #tpu.memory_space<vmem>>
    %dma_wait3A_555 = arith.constant 0 : i32
    %dma_wait3A_556 = arith.constant 0 : i32
    %dma_wait3A_557 = arith.constant 0 : i32
    %dma_wait3A_558 = tpu.memref_slice %arg4[%dma_wait3A_548, %dma_wait3A_549, %dma_wait3A_555, %dma_wait3A_556, %dma_wait3A_557] : memref<26x4x128x8x128xf32, #tpu.memory_space<hbm>> -> memref<1x1x2x8x128xf32, #tpu.memory_space<hbm>>
    %dma_wait3A_559 = tpu.memref_squeeze %dma_wait3A_558 : memref<1x1x2x8x128xf32, #tpu.memory_space<hbm>> -> memref<2x8x128xf32, #tpu.memory_space<hbm>>
    %dma_wait3A_560 = arith.constant 0 : i32
    %dma_wait3A_561 = arith.constant 0 : i32
    %dma_wait3A_562 = arith.constant 0 : i32
    %dma_wait3A_563 = tpu.memref_slice %arg4[%dma_wait3A_548, %dma_wait3A_549, %dma_wait3A_560, %dma_wait3A_561, %dma_wait3A_562] : memref<26x4x128x8x128xf32, #tpu.memory_space<hbm>> -> memref<1x1x2x8x128xf32, #tpu.memory_space<hbm>>
    %dma_wait3A_564 = tpu.memref_squeeze %dma_wait3A_563 : memref<1x1x2x8x128xf32, #tpu.memory_space<hbm>> -> memref<2x8x128xf32, #tpu.memory_space<hbm>>
    %dma_wait3A_565 = arith.constant 0 : i32
    %dma_wait3A_566 = arith.constant 0 : i32
    %dma_wait3A_567 = arith.constant 0 : i32
    %dma_wait3A_568 = tpu.memref_slice %arg9[%dma_wait3A_565, %dma_wait3A_547, %dma_wait3A_566, %dma_wait3A_567] : memref<2x4x8x131xf32, #tpu.memory_space<vmem>> -> memref<2x1x8x128xf32, #tpu.memory_space<vmem>>
    %dma_wait3A_569 = tpu.memref_squeeze %dma_wait3A_568 : memref<2x1x8x128xf32, #tpu.memory_space<vmem>> -> memref<2x8x128xf32, #tpu.memory_space<vmem>>
    tpu.wait_dma2 semaphore(%arg13 : memref<!tpu.dma_semaphore, #tpu.memory_space<semaphore_mem>>) src(%dma_wait3A_569 : memref<2x8x128xf32, #tpu.memory_space<vmem>>) dst(%dma_wait3A_564 : memref<2x8x128xf32, #tpu.memory_space<hbm>>)
    %dma_wait3A_570 = arith.constant 0 : i32
    %dma_wait3A_571 = arith.constant 0 : i32
    %dma_wait3A_572 = arith.constant 0 : i32
    %dma_wait3A_573 = arith.constant 0 : i32
    %dma_wait3A_574 = arith.constant 0 : i32
    %dma_wait3A_575 = arith.constant 0 : i32
    %dma_wait3A_576 = tpu.memref_slice %arg10[%dma_wait3A_573, %dma_wait3A_570, %dma_wait3A_574, %dma_wait3A_575] : memref<2x4x8x131xf32, #tpu.memory_space<vmem>> -> memref<2x1x8x128xf32, #tpu.memory_space<vmem>>
    %dma_wait3A_577 = tpu.memref_squeeze %dma_wait3A_576 : memref<2x1x8x128xf32, #tpu.memory_space<vmem>> -> memref<2x8x128xf32, #tpu.memory_space<vmem>>
    %dma_wait3A_578 = arith.constant 0 : i32
    %dma_wait3A_579 = arith.constant 0 : i32
    %dma_wait3A_580 = arith.constant 0 : i32
    %dma_wait3A_581 = tpu.memref_slice %arg4[%dma_wait3A_571, %dma_wait3A_572, %dma_wait3A_578, %dma_wait3A_579, %dma_wait3A_580] : memref<26x4x128x8x128xf32, #tpu.memory_space<hbm>> -> memref<1x1x2x8x128xf32, #tpu.memory_space<hbm>>
    %dma_wait3A_582 = tpu.memref_squeeze %dma_wait3A_581 : memref<1x1x2x8x128xf32, #tpu.memory_space<hbm>> -> memref<2x8x128xf32, #tpu.memory_space<hbm>>
    %dma_wait3A_583 = arith.constant 0 : i32
    %dma_wait3A_584 = arith.constant 0 : i32
    %dma_wait3A_585 = arith.constant 0 : i32
    %dma_wait3A_586 = tpu.memref_slice %arg4[%dma_wait3A_571, %dma_wait3A_572, %dma_wait3A_583, %dma_wait3A_584, %dma_wait3A_585] : memref<26x4x128x8x128xf32, #tpu.memory_space<hbm>> -> memref<1x1x2x8x128xf32, #tpu.memory_space<hbm>>
    %dma_wait3A_587 = tpu.memref_squeeze %dma_wait3A_586 : memref<1x1x2x8x128xf32, #tpu.memory_space<hbm>> -> memref<2x8x128xf32, #tpu.memory_space<hbm>>
    %dma_wait3A_588 = arith.constant 0 : i32
    %dma_wait3A_589 = arith.constant 0 : i32
    %dma_wait3A_590 = arith.constant 0 : i32
    %dma_wait3A_591 = tpu.memref_slice %arg10[%dma_wait3A_588, %dma_wait3A_570, %dma_wait3A_589, %dma_wait3A_590] : memref<2x4x8x131xf32, #tpu.memory_space<vmem>> -> memref<2x1x8x128xf32, #tpu.memory_space<vmem>>
    %dma_wait3A_592 = tpu.memref_squeeze %dma_wait3A_591 : memref<2x1x8x128xf32, #tpu.memory_space<vmem>> -> memref<2x8x128xf32, #tpu.memory_space<vmem>>
    tpu.wait_dma2 semaphore(%arg14 : memref<!tpu.dma_semaphore, #tpu.memory_space<semaphore_mem>>) src(%dma_wait3A_592 : memref<2x8x128xf32, #tpu.memory_space<vmem>>) dst(%dma_wait3A_587 : memref<2x8x128xf32, #tpu.memory_space<hbm>>)
    %dma_wait3A_593 = arith.constant 1 : i32
    %dma_wait3A_594 = arith.constant 0 : i32
    %dma_wait3A_595 = arith.constant 1 : i32
    %dma_wait3A_596 = arith.constant 0 : i32
    %dma_wait3A_597 = arith.constant 0 : i32
    %dma_wait3A_598 = arith.constant 0 : i32
    %dma_wait3A_599 = tpu.memref_slice %arg10[%dma_wait3A_596, %dma_wait3A_593, %dma_wait3A_597, %dma_wait3A_598] : memref<2x4x8x131xf32, #tpu.memory_space<vmem>> -> memref<2x1x8x128xf32, #tpu.memory_space<vmem>>
    %dma_wait3A_600 = tpu.memref_squeeze %dma_wait3A_599 : memref<2x1x8x128xf32, #tpu.memory_space<vmem>> -> memref<2x8x128xf32, #tpu.memory_space<vmem>>
    %dma_wait3A_601 = arith.constant 0 : i32
    %dma_wait3A_602 = arith.constant 0 : i32
    %dma_wait3A_603 = arith.constant 0 : i32
    %dma_wait3A_604 = tpu.memref_slice %arg4[%dma_wait3A_594, %dma_wait3A_595, %dma_wait3A_601, %dma_wait3A_602, %dma_wait3A_603] : memref<26x4x128x8x128xf32, #tpu.memory_space<hbm>> -> memref<1x1x2x8x128xf32, #tpu.memory_space<hbm>>
    %dma_wait3A_605 = tpu.memref_squeeze %dma_wait3A_604 : memref<1x1x2x8x128xf32, #tpu.memory_space<hbm>> -> memref<2x8x128xf32, #tpu.memory_space<hbm>>
    %dma_wait3A_606 = arith.constant 0 : i32
    %dma_wait3A_607 = arith.constant 0 : i32
    %dma_wait3A_608 = arith.constant 0 : i32
    %dma_wait3A_609 = tpu.memref_slice %arg4[%dma_wait3A_594, %dma_wait3A_595, %dma_wait3A_606, %dma_wait3A_607, %dma_wait3A_608] : memref<26x4x128x8x128xf32, #tpu.memory_space<hbm>> -> memref<1x1x2x8x128xf32, #tpu.memory_space<hbm>>
    %dma_wait3A_610 = tpu.memref_squeeze %dma_wait3A_609 : memref<1x1x2x8x128xf32, #tpu.memory_space<hbm>> -> memref<2x8x128xf32, #tpu.memory_space<hbm>>
    %dma_wait3A_611 = arith.constant 0 : i32
    %dma_wait3A_612 = arith.constant 0 : i32
    %dma_wait3A_613 = arith.constant 0 : i32
    %dma_wait3A_614 = tpu.memref_slice %arg10[%dma_wait3A_611, %dma_wait3A_593, %dma_wait3A_612, %dma_wait3A_613] : memref<2x4x8x131xf32, #tpu.memory_space<vmem>> -> memref<2x1x8x128xf32, #tpu.memory_space<vmem>>
    %dma_wait3A_615 = tpu.memref_squeeze %dma_wait3A_614 : memref<2x1x8x128xf32, #tpu.memory_space<vmem>> -> memref<2x8x128xf32, #tpu.memory_space<vmem>>
    tpu.wait_dma2 semaphore(%arg14 : memref<!tpu.dma_semaphore, #tpu.memory_space<semaphore_mem>>) src(%dma_wait3A_615 : memref<2x8x128xf32, #tpu.memory_space<vmem>>) dst(%dma_wait3A_610 : memref<2x8x128xf32, #tpu.memory_space<hbm>>)
    %dma_wait3A_616 = arith.constant 2 : i32
    %dma_wait3A_617 = arith.constant 0 : i32
    %dma_wait3A_618 = arith.constant 2 : i32
    %dma_wait3A_619 = arith.constant 0 : i32
    %dma_wait3A_620 = arith.constant 0 : i32
    %dma_wait3A_621 = arith.constant 0 : i32
    %dma_wait3A_622 = tpu.memref_slice %arg10[%dma_wait3A_619, %dma_wait3A_616, %dma_wait3A_620, %dma_wait3A_621] : memref<2x4x8x131xf32, #tpu.memory_space<vmem>> -> memref<2x1x8x128xf32, #tpu.memory_space<vmem>>
    %dma_wait3A_623 = tpu.memref_squeeze %dma_wait3A_622 : memref<2x1x8x128xf32, #tpu.memory_space<vmem>> -> memref<2x8x128xf32, #tpu.memory_space<vmem>>
    %dma_wait3A_624 = arith.constant 0 : i32
    %dma_wait3A_625 = arith.constant 0 : i32
    %dma_wait3A_626 = arith.constant 0 : i32
    %dma_wait3A_627 = tpu.memref_slice %arg4[%dma_wait3A_617, %dma_wait3A_618, %dma_wait3A_624, %dma_wait3A_625, %dma_wait3A_626] : memref<26x4x128x8x128xf32, #tpu.memory_space<hbm>> -> memref<1x1x2x8x128xf32, #tpu.memory_space<hbm>>
    %dma_wait3A_628 = tpu.memref_squeeze %dma_wait3A_627 : memref<1x1x2x8x128xf32, #tpu.memory_space<hbm>> -> memref<2x8x128xf32, #tpu.memory_space<hbm>>
    %dma_wait3A_629 = arith.constant 0 : i32
    %dma_wait3A_630 = arith.constant 0 : i32
    %dma_wait3A_631 = arith.constant 0 : i32
    %dma_wait3A_632 = tpu.memref_slice %arg4[%dma_wait3A_617, %dma_wait3A_618, %dma_wait3A_629, %dma_wait3A_630, %dma_wait3A_631] : memref<26x4x128x8x128xf32, #tpu.memory_space<hbm>> -> memref<1x1x2x8x128xf32, #tpu.memory_space<hbm>>
    %dma_wait3A_633 = tpu.memref_squeeze %dma_wait3A_632 : memref<1x1x2x8x128xf32, #tpu.memory_space<hbm>> -> memref<2x8x128xf32, #tpu.memory_space<hbm>>
    %dma_wait3A_634 = arith.constant 0 : i32
    %dma_wait3A_635 = arith.constant 0 : i32
    %dma_wait3A_636 = arith.constant 0 : i32
    %dma_wait3A_637 = tpu.memref_slice %arg10[%dma_wait3A_634, %dma_wait3A_616, %dma_wait3A_635, %dma_wait3A_636] : memref<2x4x8x131xf32, #tpu.memory_space<vmem>> -> memref<2x1x8x128xf32, #tpu.memory_space<vmem>>
    %dma_wait3A_638 = tpu.memref_squeeze %dma_wait3A_637 : memref<2x1x8x128xf32, #tpu.memory_space<vmem>> -> memref<2x8x128xf32, #tpu.memory_space<vmem>>
    tpu.wait_dma2 semaphore(%arg14 : memref<!tpu.dma_semaphore, #tpu.memory_space<semaphore_mem>>) src(%dma_wait3A_638 : memref<2x8x128xf32, #tpu.memory_space<vmem>>) dst(%dma_wait3A_633 : memref<2x8x128xf32, #tpu.memory_space<hbm>>)
    %dma_wait3A_639 = arith.constant 3 : i32
    %dma_wait3A_640 = arith.constant 0 : i32
    %dma_wait3A_641 = arith.constant 3 : i32
    %dma_wait3A_642 = arith.constant 0 : i32
    %dma_wait3A_643 = arith.constant 0 : i32
    %dma_wait3A_644 = arith.constant 0 : i32
    %dma_wait3A_645 = tpu.memref_slice %arg10[%dma_wait3A_642, %dma_wait3A_639, %dma_wait3A_643, %dma_wait3A_644] : memref<2x4x8x131xf32, #tpu.memory_space<vmem>> -> memref<2x1x8x128xf32, #tpu.memory_space<vmem>>
    %dma_wait3A_646 = tpu.memref_squeeze %dma_wait3A_645 : memref<2x1x8x128xf32, #tpu.memory_space<vmem>> -> memref<2x8x128xf32, #tpu.memory_space<vmem>>
    %dma_wait3A_647 = arith.constant 0 : i32
    %dma_wait3A_648 = arith.constant 0 : i32
    %dma_wait3A_649 = arith.constant 0 : i32
    %dma_wait3A_650 = tpu.memref_slice %arg4[%dma_wait3A_640, %dma_wait3A_641, %dma_wait3A_647, %dma_wait3A_648, %dma_wait3A_649] : memref<26x4x128x8x128xf32, #tpu.memory_space<hbm>> -> memref<1x1x2x8x128xf32, #tpu.memory_space<hbm>>
    %dma_wait3A_651 = tpu.memref_squeeze %dma_wait3A_650 : memref<1x1x2x8x128xf32, #tpu.memory_space<hbm>> -> memref<2x8x128xf32, #tpu.memory_space<hbm>>
    %dma_wait3A_652 = arith.constant 0 : i32
    %dma_wait3A_653 = arith.constant 0 : i32
    %dma_wait3A_654 = arith.constant 0 : i32
    %dma_wait3A_655 = tpu.memref_slice %arg4[%dma_wait3A_640, %dma_wait3A_641, %dma_wait3A_652, %dma_wait3A_653, %dma_wait3A_654] : memref<26x4x128x8x128xf32, #tpu.memory_space<hbm>> -> memref<1x1x2x8x128xf32, #tpu.memory_space<hbm>>
    %dma_wait3A_656 = tpu.memref_squeeze %dma_wait3A_655 : memref<1x1x2x8x128xf32, #tpu.memory_space<hbm>> -> memref<2x8x128xf32, #tpu.memory_space<hbm>>
    %dma_wait3A_657 = arith.constant 0 : i32
    %dma_wait3A_658 = arith.constant 0 : i32
    %dma_wait3A_659 = arith.constant 0 : i32
    %dma_wait3A_660 = tpu.memref_slice %arg10[%dma_wait3A_657, %dma_wait3A_639, %dma_wait3A_658, %dma_wait3A_659] : memref<2x4x8x131xf32, #tpu.memory_space<vmem>> -> memref<2x1x8x128xf32, #tpu.memory_space<vmem>>
    %dma_wait3A_661 = tpu.memref_squeeze %dma_wait3A_660 : memref<2x1x8x128xf32, #tpu.memory_space<vmem>> -> memref<2x8x128xf32, #tpu.memory_space<vmem>>
    tpu.wait_dma2 semaphore(%arg14 : memref<!tpu.dma_semaphore, #tpu.memory_space<semaphore_mem>>) src(%dma_wait3A_661 : memref<2x8x128xf32, #tpu.memory_space<vmem>>) dst(%dma_wait3A_656 : memref<2x8x128xf32, #tpu.memory_space<hbm>>)
    return
  }
}

module attributes {stable_mosaic.version = 14 : i64} {
  func.func @_m12_body(%arg0: memref<100x16xf32, #tpu.memory_space<vmem>>, %arg1: memref<100x16xf32, #tpu.memory_space<vmem>>, %arg2: memref<16x6400xf32, #tpu.memory_space<vmem>>, %arg3: memref<100x6400xf32, #tpu.memory_space<vmem>>, %arg4: memref<100x6400xf32, #tpu.memory_space<vmem>>) attributes {dimension_semantics = [], scalar_prefetch = 0 : i64, scratch_operands = 0 : i64, tpu.core_type = #tpu.core_type<tc>} {
    %get3A = arith.constant 0 : index
    %get3A_0 = arith.constant 0 : index
    %get3A_1 = vector.load %arg2[%get3A, %get3A_0] : memref<16x6400xf32, #tpu.memory_space<vmem>>, vector<16x6400xf32>
    %get3A_2 = arith.constant 0 : index
    %get3A_3 = arith.constant 0 : index
    %get3A_4 = vector.load %arg0[%get3A_2, %get3A_3] : memref<100x16xf32, #tpu.memory_space<vmem>>, vector<100x16xf32>
    %dot_general3A = arith.constant dense<0.000000e+00> : vector<100x6400xf32>
    %dot_general3A_5 = tpu.matmul %get3A_4, %get3A_1, %dot_general3A {dimension_numbers = #tpu.dot_dimension_numbers<[1], [0], [0], [1], [0, 0, 1, 1], [], []>, transpose_lhs_hint = false} : vector<100x16xf32>, vector<16x6400xf32>, vector<100x6400xf32> -> vector<100x6400xf32>
    %swap3A = arith.constant 0 : index
    %swap3A_6 = arith.constant 0 : index
    %swap3A_7 = vector.load %arg3[%swap3A, %swap3A_6] : memref<100x6400xf32, #tpu.memory_space<vmem>>, vector<100x6400xf32>
    tpu.vector_store %arg3[%swap3A, %swap3A_6], %dot_general3A_5 {strides = array<i32>} : memref<100x6400xf32, #tpu.memory_space<vmem>>, vector<100x6400xf32>,
    %get3A_8 = arith.constant 0 : index
    %get3A_9 = arith.constant 0 : index
    %get3A_10 = vector.load %arg1[%get3A_8, %get3A_9] : memref<100x16xf32, #tpu.memory_space<vmem>>, vector<100x16xf32>
    %dot_general3A_11 = arith.constant dense<0.000000e+00> : vector<100x6400xf32>
    %dot_general3A_12 = tpu.matmul %get3A_10, %get3A_1, %dot_general3A_11 {dimension_numbers = #tpu.dot_dimension_numbers<[1], [0], [0], [1], [0, 0, 1, 1], [], []>, transpose_lhs_hint = false} : vector<100x16xf32>, vector<16x6400xf32>, vector<100x6400xf32> -> vector<100x6400xf32>
    %swap3A_13 = arith.constant 0 : index
    %swap3A_14 = arith.constant 0 : index
    %swap3A_15 = vector.load %arg4[%swap3A_13, %swap3A_14] : memref<100x6400xf32, #tpu.memory_space<vmem>>, vector<100x6400xf32>
    tpu.vector_store %arg4[%swap3A_13, %swap3A_14], %dot_general3A_12 {strides = array<i32>} : memref<100x6400xf32, #tpu.memory_space<vmem>>, vector<100x6400xf32>,
    return
  }
}

module attributes {stable_mosaic.version = 14 : i64} {
  func.func @_table_body(%arg0: i32, %arg1: memref<10000x128xf32, #tpu.memory_space<vmem>>, %arg2: memref<1x128x256xf32, #tpu.memory_space<vmem>>, %arg3: memref<20000x128xf32, #tpu.memory_space<vmem>>) attributes {dimension_semantics = [#tpu.dimension_semantics<arbitrary>], iteration_bounds = array<i64: 13>, scalar_prefetch = 0 : i64, scratch_operands = 0 : i64, tpu.core_type = #tpu.core_type<tc>, window_params = [{pipeline_mode = #tpu.pipeline_mode<synchronous>, transform_indices = @transform_0, window_bounds = array<i64: 10000, 128>}, {transform_indices = @transform_1, window_bounds = array<i64: 1, 128, 256>}, {transform_indices = @transform_2, window_bounds = array<i64: 20000, 128>}]} {
    %get3A = arith.constant 0 : index
    %get3A_0 = arith.constant 0 : index
    %get3A_1 = vector.load %arg1[%get3A, %get3A_0] : memref<10000x128xf32, #tpu.memory_space<vmem>>, vector<10000x128xf32>
    %get3A_2 = arith.constant 0 : index
    %get3A_3 = arith.constant 0 : index
    %get3A_4 = arith.constant 0 : index
    %get3A_5 = vector.load %arg2[%get3A_2, %get3A_3, %get3A_4] : memref<1x128x256xf32, #tpu.memory_space<vmem>>, vector<1x128x256xf32>
    %get3A_6 = vector.shape_cast %get3A_5 : vector<1x128x256xf32> to vector<128x256xf32>
    %dot_general3A = arith.constant dense<0.000000e+00> : vector<10000x256xf32>
    %dot_general3A_7 = tpu.matmul %get3A_1, %get3A_6, %dot_general3A {dimension_numbers = #tpu.dot_dimension_numbers<[1], [0], [0], [1], [0, 0, 1, 1], [], []>, transpose_lhs_hint = false} : vector<10000x128xf32>, vector<128x256xf32>, vector<10000x256xf32> -> vector<10000x256xf32>
    %slice3A = vector.extract_strided_slice %dot_general3A_7 {offsets = [0, 0], sizes = [10000, 128], strides = [1, 1]} : vector<10000x256xf32> to vector<10000x128xf32>
    %swap3A = arith.constant 0 : index
    %swap3A_8 = arith.constant 0 : index
    %swap3A_9 = vector.load %arg3[%swap3A, %swap3A_8] : memref<20000x128xf32, #tpu.memory_space<vmem>>, vector<10000x128xf32>
    tpu.vector_store %arg3[%swap3A, %swap3A_8], %slice3A {strides = array<i32>} : memref<20000x128xf32, #tpu.memory_space<vmem>>, vector<10000x128xf32>,
    %slice3A_10 = vector.extract_strided_slice %dot_general3A_7 {offsets = [0, 128], sizes = [10000, 128], strides = [1, 1]} : vector<10000x256xf32> to vector<10000x128xf32>
    %swap3A_11 = arith.constant 10000 : index
    %swap3A_12 = arith.constant 0 : index
    %swap3A_13 = vector.load %arg3[%swap3A_11, %swap3A_12] : memref<20000x128xf32, #tpu.memory_space<vmem>>, vector<10000x128xf32>
    tpu.vector_store %arg3[%swap3A_11, %swap3A_12], %slice3A_10 {strides = array<i32>} : memref<20000x128xf32, #tpu.memory_space<vmem>>, vector<10000x128xf32>,
    return
  }
  func.func @transform_0(%arg0: i32) -> (i32, i32) {
    %c0_i32 = arith.constant 0 : i32
    %c0_i32_0 = arith.constant 0 : i32
    %c0_i32_1 = arith.constant 0 : i32
    return %c0_i32, %c0_i32_0 : i32, i32
  }
  func.func @transform_1(%arg0: i32) -> (i32, i32, i32) {
    %c0_i32 = arith.constant 0 : i32
    %c0_i32_0 = arith.constant 0 : i32
    %c0_i32_1 = arith.constant 0 : i32
    return %arg0, %c0_i32, %c0_i32_0 : i32, i32, i32
  }
  func.func @transform_2(%arg0: i32) -> (i32, i32) {
    %c0_i32 = arith.constant 0 : i32
    %c0_i32_0 = arith.constant 0 : i32
    return %arg0, %c0_i32 : i32, i32
  }
}

</mosaic_0001>

<sc_bundles>
// kernel: kernel.5.cloned.1.call-start
scs
__scs_entry_jumppad:
0x0: {  	(pc) =	sbr.rel $0x88, $3  }
0x1: {  	(tag) =	ssettag $0x0;
	lr =	simm.s32 $0x1  }
0x2: {  	[smem:$0x3F9D] =	sst lr;
	_ =	strace $0xD0000000  }
0x3: {  	_ = 	snop  }
0x4: {  	_ = 	snop  }
0x5: {  	_ = 	snop  }
0x6: {  	_ = 	snop  }
0x7: {  	_ = 	snop  }
__scs_overlays_trampoline_lowered:
0x8: {  	[smem:$0x3FAC] =	sst s0  }
0x9: {  	[smem:$0x3FAD] =	sst s1  }
0xa: {  	[smem:$0x3FAE] =	sst s2  }
0xb: {  	[smem:$0x3FAF] =	sst s3  }
0xc: {  	[smem:$0x3FB0] =	sst s4  }
0xd: {  	[smem:$0x3FB1] =	sst s5  }
0xe: {  	[smem:$0x3FB2] =	sst s6  }
0xf: {  	[smem:$0x3FB3] =	sst s7  }
0x10: {  	[smem:$0x3FB4] =	sst s8  }
0x11: {  	[smem:$0x3FB5] =	sst s9;
	s0 =	simm.s32 @!p0 $0x0  }
0x12: {  	s1 =	sld [smem:$0x3F9B];
	s0 =	simm.s32 @p0 $0x1  }
0x13: {  	[smem:$0x3FB6] =	sst s0;
	s0 =	simm.s32 @!p1 $0x0  }
0x14: {  	s2 =	sld [smem:$0x3F9A];
	s0 =	simm.s32 @p1 $0x1  }
0x15: {  	[smem:$0x3FB7] =	sst s0;
	s0 =	simm.s32 @!p2 $0x0  }
0x16: {  	s3 =	sld [smem:$0x3FDB];
	s0 =	simm.s32 @p2 $0x1  }
0x17: {  	s4 =	simm.s32 $0x1BF5;
	[smem:$0x3FB9] =	sst s0  }
0x18: {  	s0 =	sld [smem:$0x3F9C];
	_ =	swait.ge [sflag:s4], $0x0  }
0x19: {  	s7 =	sld [smem:$0x3F9D]  }
0x1a: {  	s8 =	sadd.s32 $0xFFFFE003, lr  }
0x1b: {  	s9 =	sadd.s32 $0xFFFFFEF7, lr;
	s5 =	simm.s32 $0xFFFFFFFF;
	p2 =	slt.u32 s8, $0xFFFFF086  }
0x1c: {  	p1 =	slt.u32 s9, $0xF7A;
	s5 =	simm.s32 @!p2 $0x0  }
0x1d: {  	s5 =	simm.s32 @p1 $0x1;
	p0 =	seq.s32 s7, s2  }
0x1e: {  	s7 =	smul.u32 @!p0 $0xF7A, s2;
	p2 =	seq.s32 @!p0 s5, $0x0  }
0x1f: {  	s9 =	smul.u32 $0xF7A, s1;
	s8 =	simm.s32 @!p0 $0x1BF5;
	p2 =	por !p2, p0  }
0x20: {  	[sflag:s8] =	ssyncset.s32 @!p0 $0xFFFFF086;
	s6 =	sadd.s32 @!p0 s3, s7;
	s7 =	simm.s32 @!p0 $0x108  }
0x21: {  	s3 =	sadd.s32 s3, s9;
	s6 =	sadd.s32 @!p0 $0x88, s6;
	s7 =	simm.s32 @p2 $0x1082  }
0x22: {  	[simem:s7], [sflag:s8] =	dma.local @!p0 [hbm:s6], $0xF7A  }
0x23: {  	s9 =	sor.u32 $0xD0000000, s2;
	s6 =	simm.s32 $0x108;
	_ =	swait.ge @!p0 [sflag:s8], $0x0  }
0x24: {  	s3 =	sadd.s32 $0x88, s3;
	s6 =	simm.s32 @!p1 $0x1082;
	[sflag:s4] =	ssyncset.s32 $0xFFFFF086  }
0x25: {  	[simem:s6], [sflag:s4] =	dma.local [hbm:s3], $0xF7A  }
0x26: {  	[smem:$0x3F9D] =	sst s1;
	(tag) =	ssettag s2;
	_ =	strace s9  }
0x27: {  	s1 =	sld [smem:$0x3FAD]  }
0x28: {  	s2 =	sld [smem:$0x3FAE]  }
0x29: {  	s4 =	sld [smem:$0x3FB0]  }
0x2a: {  	p0 =	seq.s32 s5, $0x0;
	s5 =	sld [smem:$0x3FB1]  }
0x2b: {  	s6 =	sld [smem:$0x3FB2]  }
0x2c: {  	s7 =	sld [smem:$0x3FB3]  }
0x2d: {  	s3 =	simm.s32 $0x108;
	s8 =	sld [smem:$0x3FB4]  }
0x2e: {  	s3 =	simm.s32 @!p0 $0x1082;
	s9 =	sld [smem:$0x3FB5]  }
0x2f: {  	lr =	sadd.s32 s0, s3;
	s0 =	sld [smem:$0x3FAC]  }
0x30: {  	s3 =	sld [smem:$0x3FAF]  }
0x31: {  	[smem:$0x3FB8] =	sst s10  }
0x32: {  	s10 =	sld [smem:$0x3FB6];
	_ =	sdelay $0x3  }
0x33: {  	p0 =	seq.s32 s10, $0x1;
	s10 =	sld [smem:$0x3FB8];
	_ =	sdelay $0x3  }
0x34: {  	[smem:$0x3FB8] =	sst s10  }
0x35: {  	s10 =	sld [smem:$0x3FB7];
	_ =	sdelay $0x3  }
0x36: {  	p1 =	seq.s32 s10, $0x1;
	s10 =	sld [smem:$0x3FB8];
	_ =	sdelay $0x3  }
0x37: {  	[smem:$0x3FB8] =	sst s10  }
0x38: {  	s10 =	sld [smem:$0x3FB9]  }
0x39: {  	_ = 	snop;
	(pc) =	sbr.ind lr, $3  }
0x3a: {  	_ = 	snop  }
0x3b: {  	_ = 	snop  }
0x3c: {  	p2 =	seq.s32 s10, $0x1;
	s10 =	sld [smem:$0x3FB8]  }
0x3d: {  	_ =	shalt  }
0x3e: {  	_ =	shalt  }
0x3f: {  	_ =	shalt  }
0x40: {  	_ =	shalt  }
0x41: {  	_ =	shalt  }
0x42: {  	_ =	shalt  }
0x43: {  	_ =	shalt  }
0x44: {  	_ =	shalt  }
0x45: {  	_ =	shalt  }
0x46: {  	_ =	shalt  }
0x47: {  	_ =	shalt  }
0x48: {  	_ =	shalt  }
0x49: {  	_ =	shalt  }
0x4a: {  	_ =	shalt  }
0x4b: {  	_ =	shalt  }
0x4c: {  	_ =	shalt  }
0x4d: {  	_ =	shalt  }
0x4e: {  	_ =	shalt  }
0x4f: {  	_ =	shalt  }
0x50: {  	_ =	shalt  }
0x51: {  	_ =	shalt  }
0x52: {  	_ =	shalt  }
0x53: {  	_ =	shalt  }
0x54: {  	_ =	shalt  }
0x55: {  	_ =	shalt  }
0x56: {  	_ =	shalt  }
0x57: {  	_ =	shalt  }
0x58: {  	_ =	shalt  }
0x59: {  	_ =	shalt  }
0x5a: {  	_ =	shalt  }
0x5b: {  	_ =	shalt  }
0x5c: {  	_ =	shalt  }
0x5d: {  	_ =	shalt  }
0x5e: {  	_ =	shalt  }
0x5f: {  	_ =	shalt  }
0x60: {  	_ =	shalt  }
0x61: {  	_ =	shalt  }
0x62: {  	_ =	shalt  }
0x63: {  	_ =	shalt  }
0x64: {  	_ =	shalt  }
0x65: {  	_ =	shalt  }
0x66: {  	_ =	shalt  }
0x67: {  	_ =	shalt  }
0x68: {  	_ =	shalt  }
0x69: {  	_ =	shalt  }
0x6a: {  	_ =	shalt  }
0x6b: {  	_ =	shalt  }
0x6c: {  	_ =	shalt  }
0x6d: {  	_ =	shalt  }
0x6e: {  	_ =	shalt  }
0x6f: {  	_ =	shalt  }
0x70: {  	_ =	shalt  }
0x71: {  	_ =	shalt  }
0x72: {  	_ =	shalt  }
0x73: {  	_ =	shalt  }
0x74: {  	_ =	shalt  }
0x75: {  	_ =	shalt  }
0x76: {  	_ =	shalt  }
0x77: {  	_ =	shalt  }
0x78: {  	_ =	shalt  }
0x79: {  	_ =	shalt  }
0x7a: {  	_ =	shalt  }
0x7b: {  	_ =	shalt  }
0x7c: {  	_ =	shalt  }
0x7d: {  	_ =	shalt  }
0x7e: {  	_ =	shalt  }
0x7f: {  	_ =	shalt  }
0x80: {  	_ =	shalt  }
0x81: {  	_ =	shalt  }
0x82: {  	_ =	shalt  }
0x83: {  	_ =	shalt  }
0x84: {  	_ =	shalt  }
0x85: {  	_ =	shalt  }
0x86: {  	_ =	shalt  }
0x87: {  	_ =	shalt  }
.Lfunc_end0:
.L_simem_size_0:
called_computation_lowered:
.L_overlay_start_0:
0x88: {  	s2 =	sld [smem:$0x3FD9]  }
0x89: {  	s3 =	sld [smem:$0x3FFE];
	_ =	sdelay $0x1  }
0x8a: {  	s1 =	srdreg.scid  }
0x8b: {  	s0 =	sand.u32 $0x1, s1  }
0x8c: {  	s17 =	sshll.u32 s0, $0xA;
	s2 =	sadd.s32 s3, s2  }
0x8d: {  	s2 =	sadd.s32 s2, s17  }
0x8e: {  	[smem:$0x3FC4] =	sst s2  }
0x8f: {  	_ = 	snop  }
0x90: {  	s2 =	sld [smem:$0x3FD0];
	(tm) =	ssettm $0x1  }
0x91: {  	s18 =	sld [smem:$0x3FFB];
	_ =	sdelay $0x3  }
0x92: {  	_ =	strace s18  }
0x93: {  	s3 =	sld [smem:$0x3FFC];
	_ =	sdelay $0x3  }
0x94: {  	_ =	strace s3  }
0x95: {  	s3 =	sld [smem:$0x3FFD];
	_ =	sdelay $0x3  }
0x96: {  	_ =	strace s3  }
0x97: {  	_ =	strace $0x8FFFFFFF  }
0x98: {  	s19 =	sld [smem:$0x3FDB];
	_ =	sdelay $0x1  }
0x99: {  	s4 =	simm.s32 $_scs_section_size  }
0x9a: {  	s5 =	simm.s32 $_size__tile_overlayer_lowered;
	s6 =	simm.s32 $_tile_overlayer_lowered  }
0x9b: {  	s22 =	simm.s32 $0x1BFF;
	s21 =	sshll.u32 s6, $0x1;
	s3 =	sadd.s32 s4, s19  }
0x9c: {  	s7 =	simm.s32 $0x0;
	s20 =	sshll.u32 s5, $0x1;
	s5 =	sadd.s32 s21, s3  }
0x9d: {  	[timem:s7], [sflag:s22] =	dma.local [hbm:s5], s20  }
0x9e: {  	_ =	swait.ge [sflag:s22], s20  }
0x9f: {  	s4 =	ssub.s32 $0x0, s20;
	[sflag:s22] =	ssyncset.done $0x0  }
0xa0: {  	[sflag:s22] =	ssyncadd.s32 s4;
	_ =	sdelay $0x1  }
0xa1: {  	s23 =	simm.s32 $0x1B8B  }
0xa2: {  	_ =	swait.ge [sflag:s23], $0x1  }
0xa3: {  	[sflag:s23] =	ssyncset.done $0x0  }
0xa4: {  	s25 =	simm.s32 $0x1B8E;
	s24 =	sld [smem:$0x3FFE];
	[sflag:s23] =	ssyncadd.s32 $0xFFFFFFFF  }
0xa5: {  	s26 =	simm.s32 $execute0_lowered;
	[smem:$0x3FD2] =	sst s25  }
0xa6: {  	s5 =	sshll.u32 s26, $0x1;
	_ =	strace $0x80000046;
	[dreg:$0x1] =	wrdreg $0xFFFFFFFF  }
0xa7: {  	s28 =	simm.s32 $_size_execute0_lowered;
	s3 =	sadd.s32 s3, s5;
	[dreg:$0x0] =	wrdreg $0x0  }
0xa8: {  	s5 =	sshll.u32 s28, $0x1;
	[dreg:$0x2] =	wrdreg s3  }
0xa9: {  	[dreg:$0x3] =	wrdreg s5  }
0xaa: {  	[dreg:$0x4] =	wrdreg $0xC0  }
0xab: {  	_ =	task [dreg:s7], $0x5FFFF  }
0xac: {  	[dreg:$0x1] =	wrdreg $0xFFFFFFFF  }
0xad: {  	[dreg:$0x0] =	wrdreg $0x60  }
0xae: {  	[dreg:$0x2] =	wrdreg s24  }
0xaf: {  	[dreg:$0x3] =	wrdreg s2  }
0xb0: {  	[dreg:$0x4] =	wrdreg $0x9  }
0xb1: {  	_ =	task.clear_ibuf [dreg:s7], $0x5FFFF;
	_ =	strace $0x90000046  }
0xb2: {  	s29 =	simm.s32 $0x9;
	_ =	strace $0x80000048  }
0xb3: {  	_ =	swait.ge [sflag:s29], $0x1  }
0xb4: {  	[sflag:s29] =	ssyncadd.s32 $0xFFFFFFFF  }
0xb5: {  	_ =	strace $0x90000048  }
0xb6: {  	_ =	sfence  }
0xb7: {  	s30 =	sld [smem:$0x0];
	_ =	sdelay $0x2  }
0xb8: {  	s31 =	sshll.u32 s1, $0xD;
	s1 =	sshrl.u32 s1, $0x2  }
0xb9: {  	s3 =	sand.u32 $0x4000, s31;
	s1 =	sadd.s32 s1, s30  }
0xba: {  	s0 =	sor.u32 s3, s0;
	s1 =	sshll.u32 s1, $0x11  }
0xbb: {  	s0 =	sor.u32 s1, s0  }
0xbc: {  	s0 =	sadd.s32 $0x8F2B, s0  }
0xbd: {  	[sflag:s0] =	ssyncadd.remote.s32 $0x1  }
0xbe: {  	_ =	sfence.sel $0xFFFF  }
0xbf: {  	[dreg:$0x0] =	wrdreg $0xFFFFFFFF;
	(pc) =	sbr.abs _section_cstart, $3  }
0xc0: {  	[dreg:$0x1] =	wrdreg $0xFFFFFFFF  }
0xc1: {  	_ =	task.clear_ibuf [dreg:s7], $0x2FFFF;
	_ =	strace $0x9FFFFFFF  }
0xc2: {  	(tm) =	ssettm $0x7FFFFFFF  }
0xc3: {  	_ =	shalt  }
tec
execute0_lowered:
.L_overlay_start_1:
0x0: {  	(tag) =	ssettag $0x1  }
0x1: {  	s0 =	srdreg.scid  }
0x2: {  	s8 =	stileid.u32;
	s4 =	rddreg [dreg:$0x0]  }
0x3: {  	s14 =	rddreg [dreg:$0x1];
	s3 =	simm.s32 $0x0;
	s28 =	simm.s32 $0x1  }
0x4: {  	s29 =	simm.s32 $0x8E00;
	s22 =	simm.s32 $0x9240;
	s30 =	simm.s32 $0x93D8  }
0x5: {  	s0 =	sand.u32 $0x1, s0;
	s1 =	sshll.u32 s8, $0x1;
	s15 =	sshll.u32 s8, $0xD  }
0x6: {  	s1 =	sor.u32 s0, s1;
	s6 =	ssub.s32 $0x2, s0;
	s0 =	sshll.u32 s0, $0xC  }
0x7: {  	s5 =	smul.u32 $0x3400, s1;
	s1 =	sshll.u32 s1, $0x9;
	s0 =	sor.u32 s0, s15  }
0x8: {  	[smem:$0x7FF] =	sst s3;
	s1 =	sadd.s32 s1, s14;
	s20 =	sshrl.u32 s0, $0x3  }
0x9: {  	_ =	strace $0x80000047;
	s11 =	sadd.s32 $0x190000, s1;
	[dreg:$0xf] =	wrdreg s20  }
0xa: {  	s31 =	simm.s32 $0x9460;
	s12 =	sadd.s32 $0x194000, s1;
	[dreg:$0x6] =	wrdreg s11  }
0xb: {  	s21 =	simm.s32 $0xA340;
	s13 =	sadd.s32 $0x198000, s1;
	[dreg:$0x7] =	wrdreg s12  }
0xc: {  	s23 =	simm.s32 $0xA3C8;
	s16 =	sadd.s32 $0x19C000, s1;
	[dreg:$0x8] =	wrdreg s13  }
0xd: {  	s7 =	sshrl.u32 s6, $0x1;
	s17 =	sadd.s32 $0x190100, s1;
	[dreg:$0x9] =	wrdreg s16  }
0xe: {  	s6 =	ssub.s32 s6, s7;
	s18 =	sadd.s32 $0x194100, s1;
	[dreg:$0xa] =	wrdreg s17  }
0xf: {  	s0 =	simm.s32 $0x9570;
	s19 =	sadd.s32 $0x198100, s1;
	[dreg:$0xb] =	wrdreg s18  }
0x10: {  	s5 =	sshrl.u32 s5, $0x3;
	s24 =	sadd.s32 $0x19C100, s1;
	[dreg:$0xc] =	wrdreg s19  }
0x11: {  	s25 =	smax.u32 s6, $0x1;
	s26 =	sadd.s32 s20, s14;
	[dreg:$0xd] =	wrdreg s24  }
0x12: {  	s1 =	simm.s32 $0x94E8;
	s6 =	simm.s32 $0x0;
	[dreg:$0xe] =	wrdreg s25  }
0x13: {  	s5 =	sadd.s32 s5, s4;
	s4 =	sadd.s32 $0xDA00, s4;
	[dreg:$0x3] =	wrdreg s26  }
0x14: {  	v1 =	vlaneseq.u32;
	s18 =	simm.s32 $0x80;
	s24 =	simm.s32 $0x92C8;
	s26 =	simm.s32 $0x9350  }
0x15: {  	v0 =	vmul.u32 $0x88, v1;
	s19 =	simm.s32 $0x95F8;
	s25 =	simm.s32 $0xA450;
	s10 =	sadd.s32 $0xA00, s5  }
0x16: {  	s11 =	simm.s32 $0xB000;
	s5 =	sadd.s32 $0xD40, s5;
	[dreg:$0x4] =	wrdreg s10  }
0x17: {  	v1 =	vmul.u32 $0x1A, v1;
	v2 =	vadd.s32 $0x880, v0;
	s17 =	simm.s32 $0xD178;
	[dreg:$0x5] =	wrdreg s5;
	s10 =	simm.s32 $0x2  }
.LBB2_1:
0x18: {  	s7 =	sand.u32 $0xF, s3  }
0x19: {  	s8 =	smul.u32 $0x1A0, s7;
	_ =	sdelay $0x1  }
0x1a: {  	s8 =	sadd.s32 $0x0, s8  }
0x1b: {  	s16 =	rddreg [dreg:$0x4];
	s20 =	simm.s32 $0x5;
	v3 =	vadd.s32 s8, v1  }
0x1c: {  	[tilespmem:s3], [sflag:$0x5] =	stream.linear.gather [hbm4b:s16+s3], $0x1A00, $0x38;
	[tilespmem:$0xD200] =	vst v63  }
0x1d: {  	_ =	swait.ge [sflag:s20], $0x1A00  }
0x1e: {  	[sflag:s20] =	ssyncset.done $0x0  }
0x1f: {  	[sflag:s20] =	ssyncadd.s32 $0xFFFFE600  }
0x20: {  	v4 =	vld.idx.msk [tilespmem:v3+s3+$0x0], $0xffff;
	_ =	sdelay $0x4  }
0x21: {  	v3 =	vcvt.s32.f32 v4;
	_ =	sdelay $0x1  }
0x22: {  	v3 =	vadd.f32 $5.000000000e-01, v3;
	_ =	sdelay $0x1  }
0x23: {  	v3 =	vmul.f32 $9.999999740e-05, v3;
	_ =	sdelay $0x1  }
0x24: {  	v3 =	vtrunc.f32 v3  }
0x25: {  	v3 =	vcvt.f32.s32 v3;
	_ =	sdelay $0x1  }
0x26: {  	v5 =	vmul.u32 $0xFFFFD8F0, v3;
	_ =	sdelay $0x1  }
0x27: {  	v4 =	vadd.s32 v4, v5  }
0x28: {  	v5 =	vcvt.s32.f32 v4;
	_ =	sdelay $0x1  }
0x29: {  	v5 =	vadd.f32 $5.000000000e-01, v5;
	_ =	sdelay $0x1  }
0x2a: {  	v5 =	vmul.f32 $9.999999770e-03, v5;
	_ =	sdelay $0x1  }
0x2b: {  	v5 =	vtrunc.f32 v5  }
0x2c: {  	v5 =	vcvt.f32.s32 v5;
	_ =	sdelay $0x1  }
0x2d: {  	s9 =	simm.s32 $0x1;
	v6 =	vmul.u32 $0x3FFFFF9C, v5  }
0x2e: {  	s12 =	simm.s32 $0x2;
	s13 =	sand.u32 $0xF, s9;
	s8 =	simm.s32 $0x0  }
.LBB2_2:
0x2f: {  	p0 =	sne.s32 s12, $0x19F;
	s15 =	smul.u32 $0x1A0, s13;
	v4 =	vadd.s32 v4, v6  }
0x30: {  	s20 =	sshrl.u32 s9, $0x4;
	v4 =	vmul.u32 $0x64, v4  }
0x31: {  	v6 =	vshrl.u32 v3, $0x2;
	s15 =	sadd.s32 s20, s15  }
0x32: {  	v6 =	vmul.u32 $0x9C40, v6;
	v7 =	vadd.s32 s15, v1;
	v4 =	vadd.s32 v5, v4  }
0x33: {  	s15 =	sshll.u32 s8, $0x5;
	s8 =	smov.u32 s9;
	s9 =	smov.u32 s12;
	v4 =	vshll.u32 v4, $0x2  }
0x34: {  	v3 =	vand.u32 $0x3, v3;
	s20 =	sshll.u32 s7, $0x4;
	s7 =	smov.u32 s13;
	s15 =	sand.u32 $0x3FFFFE00, s15;
	v4 =	vadd.s32 v6, v4  }
0x35: {  	s13 =	sor.u32 s20, s15;
	v3 =	vor.u32 v3, v4  }
0x36: {  	[tilespmem:s13+$0x1A00] =	vst v3  }
0x37: {  	v4 =	vld.idx.msk [tilespmem:v7+s3+$0x0], $0xffff;
	_ =	sdelay $0x5  }
0x38: {  	v3 =	vcvt.s32.f32 v4;
	_ =	sdelay $0x1  }
0x39: {  	v3 =	vadd.f32 $5.000000000e-01, v3;
	_ =	sdelay $0x1  }
0x3a: {  	v3 =	vmul.f32 $9.999999740e-05, v3;
	_ =	sdelay $0x1  }
0x3b: {  	v3 =	vtrunc.f32 v3  }
0x3c: {  	v3 =	vcvt.f32.s32 v3;
	_ =	sdelay $0x1  }
0x3d: {  	v5 =	vmul.u32 $0xFFFFD8F0, v3;
	_ =	sdelay $0x1  }
0x3e: {  	v4 =	vadd.s32 v4, v5  }
0x3f: {  	v5 =	vcvt.s32.f32 v4;
	_ =	sdelay $0x1  }
0x40: {  	v5 =	vadd.f32 $5.000000000e-01, v5;
	_ =	sdelay $0x1  }
0x41: {  	v5 =	vmul.f32 $9.999999770e-03, v5;
	_ =	sdelay $0x1  }
.Ltmp0:
0x42: {  	v5 =	vtrunc.f32 v5;
	(pc) =	sbr.rel @p0 .LBB2_2-.Ltmp0, $3  }
0x43: {  	v5 =	vcvt.f32.s32 v5;
	_ =	sdelay $0x1  }
0x44: {  	v6 =	vmul.u32 $0x3FFFFF9C, v5  }
0x45: {  	s12 =	sadd.s32 $0x1, s12;
	s13 =	sand.u32 $0xF, s9  }
0x46: {  	s12 =	smul.u32 $0x1A0, s13;
	v4 =	vadd.s32 v4, v6  }
0x47: {  	s15 =	sshrl.u32 s9, $0x4;
	v4 =	vmul.u32 $0x64, v4  }
0x48: {  	v6 =	vshrl.u32 v3, $0x2;
	s12 =	sadd.s32 s15, s12  }
0x49: {  	v6 =	vmul.u32 $0x9C40, v6;
	v7 =	vadd.s32 s12, v1;
	v4 =	vadd.s32 v5, v4  }
0x4a: {  	s8 =	sshll.u32 s8, $0x5;
	v4 =	vshll.u32 v4, $0x2  }
0x4b: {  	v3 =	vand.u32 $0x3, v3;
	s7 =	sshll.u32 s7, $0x4;
	s8 =	sand.u32 $0x3FFFFE00, s8;
	v4 =	vadd.s32 v6, v4  }
0x4c: {  	s7 =	sor.u32 s7, s8;
	v3 =	vor.u32 v3, v4  }
0x4d: {  	[tilespmem:s7+$0x1A00] =	vst v3  }
0x4e: {  	v3 =	vld.idx.msk [tilespmem:v7+s3+$0x0], $0xffff;
	_ =	sdelay $0x4  }
0x4f: {  	v4 =	vcvt.s32.f32 v3;
	_ =	sdelay $0x1  }
0x50: {  	v4 =	vadd.f32 $5.000000000e-01, v4;
	_ =	sdelay $0x1  }
0x51: {  	v4 =	vmul.f32 $9.999999740e-05, v4;
	_ =	sdelay $0x1  }
0x52: {  	v4 =	vtrunc.f32 v4  }
0x53: {  	v4 =	vcvt.f32.s32 v4;
	_ =	sdelay $0x1  }
0x54: {  	v5 =	vmul.u32 $0xFFFFD8F0, v4;
	_ =	sdelay $0x1  }
0x55: {  	v3 =	vadd.s32 v3, v5  }
0x56: {  	v5 =	vcvt.s32.f32 v3;
	_ =	sdelay $0x1  }
0x57: {  	v5 =	vadd.f32 $5.000000000e-01, v5;
	_ =	sdelay $0x1  }
0x58: {  	v5 =	vmul.f32 $9.999999770e-03, v5;
	_ =	sdelay $0x1  }
0x59: {  	v5 =	vtrunc.f32 v5  }
0x5a: {  	v5 =	vcvt.f32.s32 v5;
	_ =	sdelay $0x1  }
0x5b: {  	v6 =	vmul.u32 $0x3FFFFF9C, v5;
	_ =	sdelay $0x1  }
0x5c: {  	v3 =	vadd.s32 v3, v6  }
0x5d: {  	v3 =	vmul.u32 $0x64, v3  }
0x5e: {  	s8 =	simm.s32 $0x0;
	v6 =	vshrl.u32 v4, $0x2  }
0x5f: {  	s7 =	sand.u32 $0xF, s8;
	v6 =	vmul.u32 $0x9C40, v6;
	v3 =	vadd.s32 v5, v3  }
0x60: {  	[dreg:$0x10] =	wrdreg s6;
	s5 =	sshll.u32 s9, $0x5;
	s6 =	smul.u32 $0x1A0, s7;
	v3 =	vshll.u32 v3, $0x2  }
0x61: {  	s9 =	sand.u32 $0x3FFFFE00, s5;
	s15 =	sshll.u32 s13, $0x4;
	v4 =	vand.u32 $0x3, v4;
	v3 =	vadd.s32 v6, v3  }
0x62: {  	s9 =	sor.u32 s15, s9;
	s12 =	sadd.s32 $0x0, s6;
	v3 =	vor.u32 v4, v3  }
0x63: {  	s16 =	rddreg [dreg:$0x5];
	s20 =	simm.s32 $0x5;
	[tilespmem:s9+$0x1A00] =	vst v3;
	v3 =	vadd.s32 s12, v1  }
0x64: {  	[tilespmem:s8], [sflag:$0x5] =	stream.linear.gather [hbm4b:s16+s8], $0x1A00, $0x38;
	[tilespmem:$0xD200] =	vst v63  }
0x65: {  	_ =	swait.ge [sflag:s20], $0x1A00  }
0x66: {  	[sflag:s20] =	ssyncset.done $0x0  }
0x67: {  	[sflag:s20] =	ssyncadd.s32 $0xFFFFE600  }
0x68: {  	v4 =	vld.idx.msk [tilespmem:v3+s3+$0x0], $0xffff;
	_ =	sdelay $0x4  }
0x69: {  	v3 =	vcvt.s32.f32 v4;
	_ =	sdelay $0x1  }
0x6a: {  	v3 =	vadd.f32 $5.000000000e-01, v3;
	_ =	sdelay $0x1  }
0x6b: {  	v3 =	vmul.f32 $9.999999740e-05, v3;
	_ =	sdelay $0x1  }
0x6c: {  	v3 =	vtrunc.f32 v3  }
0x6d: {  	v3 =	vcvt.f32.s32 v3;
	_ =	sdelay $0x1  }
0x6e: {  	v5 =	vmul.u32 $0xFFFFD8F0, v3;
	_ =	sdelay $0x1  }
0x6f: {  	v4 =	vadd.s32 v4, v5  }
0x70: {  	v5 =	vcvt.s32.f32 v4;
	_ =	sdelay $0x1  }
0x71: {  	v5 =	vadd.f32 $5.000000000e-01, v5;
	_ =	sdelay $0x1  }
0x72: {  	v5 =	vmul.f32 $9.999999770e-03, v5;
	_ =	sdelay $0x1  }
0x73: {  	v5 =	vtrunc.f32 v5  }
0x74: {  	v5 =	vcvt.f32.s32 v5;
	_ =	sdelay $0x1  }
0x75: {  	s9 =	simm.s32 $0x1;
	v6 =	vmul.u32 $0x3FFFFF9C, v5  }
0x76: {  	s12 =	simm.s32 $0x2;
	s13 =	sand.u32 $0xF, s9  }
.LBB2_4:
0x77: {  	p0 =	sne.s32 s12, $0x19F;
	s15 =	smul.u32 $0x1A0, s13;
	v4 =	vadd.s32 v4, v6  }
0x78: {  	s20 =	sshrl.u32 s9, $0x4;
	v4 =	vmul.u32 $0x64, v4  }
0x79: {  	v6 =	vshrl.u32 v3, $0x2;
	s15 =	sadd.s32 s20, s15  }
0x7a: {  	v6 =	vmul.u32 $0x9C40, v6;
	v7 =	vadd.s32 s15, v1;
	v4 =	vadd.s32 v5, v4  }
0x7b: {  	s15 =	sshll.u32 s8, $0x5;
	s8 =	smov.u32 s9;
	s9 =	smov.u32 s12;
	v4 =	vshll.u32 v4, $0x2  }
0x7c: {  	v3 =	vand.u32 $0x3, v3;
	s20 =	sshll.u32 s7, $0x4;
	s7 =	smov.u32 s13;
	s15 =	sand.u32 $0x3FFFFE00, s15;
	v4 =	vadd.s32 v6, v4  }
0x7d: {  	s13 =	sor.u32 s20, s15;
	v3 =	vor.u32 v3, v4  }
0x7e: {  	[tilespmem:s13+$0x1B00] =	vst v3  }
0x7f: {  	v4 =	vld.idx.msk [tilespmem:v7+s3+$0x0], $0xffff;
	_ =	sdelay $0x5  }
0x80: {  	v3 =	vcvt.s32.f32 v4;
	_ =	sdelay $0x1  }
0x81: {  	v3 =	vadd.f32 $5.000000000e-01, v3;
	_ =	sdelay $0x1  }
0x82: {  	v3 =	vmul.f32 $9.999999740e-05, v3;
	_ =	sdelay $0x1  }
0x83: {  	v3 =	vtrunc.f32 v3  }
0x84: {  	v3 =	vcvt.f32.s32 v3;
	_ =	sdelay $0x1  }
0x85: {  	v5 =	vmul.u32 $0xFFFFD8F0, v3;
	_ =	sdelay $0x1  }
0x86: {  	v4 =	vadd.s32 v4, v5  }
0x87: {  	v5 =	vcvt.s32.f32 v4;
	_ =	sdelay $0x1  }
0x88: {  	v5 =	vadd.f32 $5.000000000e-01, v5;
	_ =	sdelay $0x1  }
0x89: {  	v5 =	vmul.f32 $9.999999770e-03, v5;
	_ =	sdelay $0x1  }
.Ltmp1:
0x8a: {  	v5 =	vtrunc.f32 v5;
	(pc) =	sbr.rel @p0 .LBB2_4-.Ltmp1, $3  }
0x8b: {  	v5 =	vcvt.f32.s32 v5;
	_ =	sdelay $0x1  }
0x8c: {  	v6 =	vmul.u32 $0x3FFFFF9C, v5  }
0x8d: {  	s12 =	sadd.s32 $0x1, s12;
	s13 =	sand.u32 $0xF, s9  }
0x8e: {  	s12 =	smul.u32 $0x1A0, s13;
	v4 =	vadd.s32 v4, v6  }
0x8f: {  	s15 =	sshrl.u32 s9, $0x4;
	v4 =	vmul.u32 $0x64, v4  }
0x90: {  	v59 =	vshrl.u32 v3, $0x2;
	s12 =	sadd.s32 s15, s12  }
0x91: {  	v6 =	vmul.u32 $0x9C40, v59;
	v7 =	vadd.s32 s12, v1;
	v4 =	vadd.s32 v5, v4  }
0x92: {  	s8 =	sshll.u32 s8, $0x5;
	v4 =	vshll.u32 v4, $0x2  }
0x93: {  	v3 =	vand.u32 $0x3, v3;
	s7 =	sshll.u32 s7, $0x4;
	s8 =	sand.u32 $0x3FFFFE00, s8;
	v4 =	vadd.s32 v6, v4  }
0x94: {  	s7 =	sor.u32 s7, s8;
	v3 =	vor.u32 v3, v4  }
0x95: {  	[tilespmem:s7+$0x1B00] =	vst v3  }
0x96: {  	v3 =	vld.idx.msk [tilespmem:v7+s3+$0x0], $0xffff;
	_ =	sdelay $0x4  }
0x97: {  	v60 =	vcvt.s32.f32 v3;
	_ =	sdelay $0x1  }
0x98: {  	v4 =	vadd.f32 $5.000000000e-01, v60;
	_ =	sdelay $0x1  }
0x99: {  	v4 =	vmul.f32 $9.999999740e-05, v4;
	_ =	sdelay $0x1  }
0x9a: {  	v4 =	vtrunc.f32 v4  }
0x9b: {  	v4 =	vcvt.f32.s32 v4;
	_ =	sdelay $0x1  }
0x9c: {  	v61 =	vmul.u32 $0xFFFFD8F0, v4;
	_ =	sdelay $0x1  }
0x9d: {  	v3 =	vadd.s32 v3, v61  }
0x9e: {  	v5 =	vcvt.s32.f32 v3;
	_ =	sdelay $0x1  }
0x9f: {  	v5 =	vadd.f32 $5.000000000e-01, v5;
	_ =	sdelay $0x1  }
0xa0: {  	v5 =	vmul.f32 $9.999999770e-03, v5;
	_ =	sdelay $0x1  }
0xa1: {  	v5 =	vtrunc.f32 v5  }
0xa2: {  	v5 =	vcvt.f32.s32 v5;
	_ =	sdelay $0x1  }
0xa3: {  	v62 =	vmul.u32 $0x3FFFFF9C, v5;
	_ =	sdelay $0x1  }
0xa4: {  	v3 =	vadd.s32 v3, v62  }
0xa5: {  	v3 =	vmul.u32 $0x64, v3  }
0xa6: {  	v63 =	vshrl.u32 v4, $0x2  }
0xa7: {  	v6 =	vmul.u32 $0x9C40, v63;
	v3 =	vadd.s32 v5, v3  }
0xa8: {  	s20 =	sshll.u32 s9, $0x5;
	v3 =	vshll.u32 v3, $0x2  }
0xa9: {  	s2 =	sshll.u32 s13, $0x4;
	s7 =	sand.u32 $0x3FFFFE00, s20;
	v4 =	vand.u32 $0x3, v4;
	v3 =	vadd.s32 v6, v3  }
0xaa: {  	s7 =	sor.u32 s2, s7;
	v3 =	vor.u32 v4, v3  }
0xab: {  	s5 =	simm.s32 $0x1A00;
	s15 =	simm.s32 $0x4E00;
	[tilespmem:s7+$0x1B00] =	vst v3  }
0xac: {  	[tilespmem:s15], [sflag:$0x1] =	stream.indirect.gather [hbm4b:s4+s18], $0x20, s5, s18, $0xb8;
	[tilespmem:$0xD200] =	vst v63  }
0xad: {  	s6 =	simm.s32 $0x1A80;
	s20 =	simm.s32 $0x5E00  }
0xae: {  	[tilespmem:s20], [sflag:$0x1] =	stream.indirect.gather [hbm4b:s4+s18], $0x20, s6, s18, $0xb8;
	[tilespmem:$0xD200] =	vst v63  }
0xaf: {  	s8 =	simm.s32 $0x1B00;
	s5 =	simm.s32 $0x6E00  }
0xb0: {  	[tilespmem:s5], [sflag:$0x2] =	stream.indirect.gather [hbm4b:s4+s18], $0x20, s8, s18, $0xb8;
	[tilespmem:$0xD200] =	vst v63  }
0xb1: {  	s9 =	simm.s32 $0x1B80;
	s13 =	simm.s32 $0x7E00  }
0xb2: {  	[tilespmem:s13], [sflag:$0x2] =	stream.indirect.gather [hbm4b:s4+s18], $0x20, s9, s18, $0xb8;
	[tilespmem:$0xD200] =	vst v63  }
0xb3: {  	_ =	swait.ge [sflag:s28], $0x1000  }
0xb4: {  	[sflag:s28] =	ssyncset.done $0x0  }
0xb5: {  	[sflag:s28] =	ssyncadd.s32 $0xFFFFF000  }
0xb6: {  	_ =	swait.ge [sflag:s28], $0x1000  }
0xb7: {  	p0 =	por $0x1, $0x1;
	[sflag:s28] =	ssyncset.done $0x0  }
0xb8: {  	s7 =	simm.s32 @!p0 $0x3;
	[sflag:s28] =	ssyncadd.s32 $0xFFFFF000  }
0xb9: {  	_ =	swait.ge @!p0 [sflag:s7], $0x800  }
0xba: {  	[sflag:s7] =	ssyncset.done @!p0 $0x0  }
0xbb: {  	[sflag:s7] =	ssyncadd.s32 @!p0 $0xFFFFF800  }
0xbc: {  	_ =	swait.ge @!p0 [sflag:s7], $0x800  }
0xbd: {  	[sflag:s7] =	ssyncset.done @!p0 $0x0  }
0xbe: {  	[sflag:s7] =	ssyncadd.s32 @!p0 $0xFFFFF800  }
0xbf: {  	_ =	swait.ge @!p0 [sflag:s7], $0x800  }
0xc0: {  	[sflag:s7] =	ssyncset.done @!p0 $0x0  }
0xc1: {  	[sflag:s7] =	ssyncadd.s32 @!p0 $0xFFFFF800  }
0xc2: {  	_ =	swait.ge @!p0 [sflag:s7], $0x800  }
0xc3: {  	s12 =	rddreg [dreg:$0x3];
	[sflag:s7] =	ssyncset.done @!p0 $0x0  }
0xc4: {  	[sflag:s7] =	ssyncadd.s32 @!p0 $0xFFFFF800;
	s8 =	sadd.s32 $0x0, s12  }
0xc5: {  	[hbm4b:s8+s3] =	stream.linear.scatter [tilespmem:s29], [sflag:$0x3], $0x80, $0x38;
	[tilespmem:$0xD200] =	vst v63  }
0xc6: {  	s2 =	simm.s32 $0x8E88;
	s16 =	sadd.s32 $0x10, s8  }
0xc7: {  	[hbm4b:s16+s3] =	stream.linear.scatter [tilespmem:s2], [sflag:$0x3], $0x80, $0x38;
	[tilespmem:$0xD200] =	vst v63  }
0xc8: {  	s6 =	simm.s32 $0x8F10;
	s5 =	sadd.s32 $0x20, s8  }
0xc9: {  	[hbm4b:s5+s3] =	stream.linear.scatter [tilespmem:s6], [sflag:$0x3], $0x80, $0x38;
	[tilespmem:$0xD200] =	vst v63  }
0xca: {  	s12 =	simm.s32 $0x8F98;
	s9 =	sadd.s32 $0x30, s8  }
0xcb: {  	[hbm4b:s9+s3] =	stream.linear.scatter [tilespmem:s12], [sflag:$0x3], $0x80, $0x38;
	[tilespmem:$0xD200] =	vst v63  }
0xcc: {  	s16 =	sadd.s32 $0x40, s8;
	s2 =	simm.s32 $0x9020  }
0xcd: {  	[hbm4b:s16+s3] =	stream.linear.scatter [tilespmem:s2], [sflag:$0x3], $0x80, $0x38;
	[tilespmem:$0xD200] =	vst v63  }
0xce: {  	s5 =	sadd.s32 $0x50, s8;
	s6 =	simm.s32 $0x90A8  }
0xcf: {  	[hbm4b:s5+s3] =	stream.linear.scatter [tilespmem:s6], [sflag:$0x3], $0x80, $0x38;
	[tilespmem:$0xD200] =	vst v63  }
0xd0: {  	s9 =	sadd.s32 $0x60, s8;
	s12 =	simm.s32 $0x9130  }
0xd1: {  	[hbm4b:s9+s3] =	stream.linear.scatter [tilespmem:s12], [sflag:$0x3], $0x80, $0x38;
	[tilespmem:$0xD200] =	vst v63  }
0xd2: {  	s16 =	sadd.s32 $0x70, s8;
	s2 =	simm.s32 $0x91B8  }
0xd3: {  	[hbm4b:s16+s3] =	stream.linear.scatter [tilespmem:s2], [sflag:$0x3], $0x80, $0x38;
	[tilespmem:$0xD200] =	vst v63  }
0xd4: {  	s5 =	sadd.s32 $0x80, s8;
	s6 =	simm.s32 $0x9F00  }
0xd5: {  	[hbm4b:s5+s3] =	stream.linear.scatter [tilespmem:s6], [sflag:$0x3], $0x80, $0x38;
	[tilespmem:$0xD200] =	vst v63  }
0xd6: {  	s9 =	sadd.s32 $0x90, s8;
	s12 =	simm.s32 $0x9F88  }
0xd7: {  	[hbm4b:s9+s3] =	stream.linear.scatter [tilespmem:s12], [sflag:$0x3], $0x80, $0x38;
	[tilespmem:$0xD200] =	vst v63  }
0xd8: {  	s16 =	sadd.s32 $0xA0, s8;
	s2 =	simm.s32 $0xA010  }
0xd9: {  	[hbm4b:s16+s3] =	stream.linear.scatter [tilespmem:s2], [sflag:$0x3], $0x80, $0x38;
	[tilespmem:$0xD200] =	vst v63  }
0xda: {  	s5 =	sadd.s32 $0xB0, s8;
	s6 =	simm.s32 $0xA098  }
0xdb: {  	[hbm4b:s5+s3] =	stream.linear.scatter [tilespmem:s6], [sflag:$0x3], $0x80, $0x38;
	[tilespmem:$0xD200] =	vst v63  }
0xdc: {  	s9 =	sadd.s32 $0xC0, s8;
	s12 =	simm.s32 $0xA120  }
0xdd: {  	[hbm4b:s9+s3] =	stream.linear.scatter [tilespmem:s12], [sflag:$0x3], $0x80, $0x38;
	[tilespmem:$0xD200] =	vst v63  }
0xde: {  	s16 =	sadd.s32 $0xD0, s8;
	s2 =	simm.s32 $0xA1A8  }
0xdf: {  	[hbm4b:s16+s3] =	stream.linear.scatter [tilespmem:s2], [sflag:$0x3], $0x80, $0x38;
	[tilespmem:$0xD200] =	vst v63  }
0xe0: {  	s5 =	sadd.s32 $0xE0, s8;
	s6 =	simm.s32 $0xA230  }
0xe1: {  	[hbm4b:s5+s3] =	stream.linear.scatter [tilespmem:s6], [sflag:$0x3], $0x80, $0x38;
	[tilespmem:$0xD200] =	vst v63  }
0xe2: {  	s9 =	sadd.s32 $0xF0, s8;
	s12 =	simm.s32 $0xA2B8  }
0xe3: {  	[hbm4b:s9+s3] =	stream.linear.scatter [tilespmem:s12], [sflag:$0x3], $0x80, $0x38;
	[tilespmem:$0xD200] =	vst v63  }
0xe4: {  	s16 =	sadd.s32 $0x4000, s8  }
0xe5: {  	[hbm4b:s16+s3] =	stream.linear.scatter [tilespmem:s22], [sflag:$0x3], $0x80, $0x38;
	[tilespmem:$0xD200] =	vst v63  }
0xe6: {  	s22 =	sadd.s32 $0x4010, s8  }
0xe7: {  	[hbm4b:s22+s3] =	stream.linear.scatter [tilespmem:s24], [sflag:$0x3], $0x80, $0x38;
	[tilespmem:$0xD200] =	vst v63  }
0xe8: {  	s24 =	sadd.s32 $0x4020, s8  }
0xe9: {  	[hbm4b:s24+s3] =	stream.linear.scatter [tilespmem:s26], [sflag:$0x3], $0x80, $0x38;
	[tilespmem:$0xD200] =	vst v63  }
0xea: {  	s26 =	sadd.s32 $0x4030, s8  }
0xeb: {  	[hbm4b:s26+s3] =	stream.linear.scatter [tilespmem:s30], [sflag:$0x3], $0x80, $0x38;
	[tilespmem:$0xD200] =	vst v63  }
0xec: {  	s2 =	sadd.s32 $0x4040, s8  }
0xed: {  	[hbm4b:s2+s3] =	stream.linear.scatter [tilespmem:s31], [sflag:$0x3], $0x80, $0x38;
	[tilespmem:$0xD200] =	vst v63  }
0xee: {  	s5 =	sadd.s32 $0x4050, s8  }
0xef: {  	[hbm4b:s5+s3] =	stream.linear.scatter [tilespmem:s1], [sflag:$0x3], $0x80, $0x38;
	[tilespmem:$0xD200] =	vst v63  }
0xf0: {  	s6 =	sadd.s32 $0x4060, s8  }
0xf1: {  	[hbm4b:s6+s3] =	stream.linear.scatter [tilespmem:s0], [sflag:$0x3], $0x80, $0x38;
	[tilespmem:$0xD200] =	vst v63  }
0xf2: {  	s9 =	sadd.s32 $0x4070, s8  }
0xf3: {  	[hbm4b:s9+s3] =	stream.linear.scatter [tilespmem:s19], [sflag:$0x3], $0x80, $0x38;
	[tilespmem:$0xD200] =	vst v63  }
0xf4: {  	s12 =	sadd.s32 $0x4080, s8  }
0xf5: {  	[hbm4b:s12+s3] =	stream.linear.scatter [tilespmem:s21], [sflag:$0x3], $0x80, $0x38;
	[tilespmem:$0xD200] =	vst v63  }
0xf6: {  	s16 =	sadd.s32 $0x4090, s8  }
0xf7: {  	[hbm4b:s16+s3] =	stream.linear.scatter [tilespmem:s23], [sflag:$0x3], $0x80, $0x38;
	[tilespmem:$0xD200] =	vst v63  }
0xf8: {  	s19 =	sadd.s32 $0x40A0, s8  }
0xf9: {  	[hbm4b:s19+s3] =	stream.linear.scatter [tilespmem:s25], [sflag:$0x3], $0x80, $0x38;
	[tilespmem:$0xD200] =	vst v63  }
0xfa: {  	s22 =	simm.s32 $0xA4D8;
	s21 =	sadd.s32 $0x40B0, s8  }
0xfb: {  	[hbm4b:s21+s3] =	stream.linear.scatter [tilespmem:s22], [sflag:$0x3], $0x80, $0x38;
	[tilespmem:$0xD200] =	vst v63  }
0xfc: {  	s24 =	simm.s32 $0xA560;
	s23 =	sadd.s32 $0x40C0, s8  }
0xfd: {  	[hbm4b:s23+s3] =	stream.linear.scatter [tilespmem:s24], [sflag:$0x3], $0x80, $0x38;
	[tilespmem:$0xD200] =	vst v63  }
0xfe: {  	s26 =	simm.s32 $0xA5E8;
	s25 =	sadd.s32 $0x40D0, s8  }
0xff: {  	[hbm4b:s25+s3] =	stream.linear.scatter [tilespmem:s26], [sflag:$0x3], $0x80, $0x38;
	[tilespmem:$0xD200] =	vst v63  }
0x100: {  	s2 =	simm.s32 $0xA670;
	s1 =	sadd.s32 $0x40E0, s8  }
0x101: {  	[hbm4b:s1+s3] =	stream.linear.scatter [tilespmem:s2], [sflag:$0x3], $0x80, $0x38;
	[tilespmem:$0xD200] =	vst v63  }
0x102: {  	s5 =	sadd.s32 $0x40F0, s8;
	s6 =	simm.s32 $0xA6F8  }
0x103: {  	[hbm4b:s5+s3] =	stream.linear.scatter [tilespmem:s6], [sflag:$0x3], $0x80, $0x38;
	[tilespmem:$0xD200] =	vst v63  }
0x104: {  	s9 =	sadd.s32 $0x8000, s8;
	s12 =	simm.s32 $0x9680  }
0x105: {  	[hbm4b:s9+s3] =	stream.linear.scatter [tilespmem:s12], [sflag:$0x3], $0x80, $0x38;
	[tilespmem:$0xD200] =	vst v63  }
0x106: {  	s16 =	sadd.s32 $0x8010, s8;
	s19 =	simm.s32 $0x9708  }
0x107: {  	[hbm4b:s16+s3] =	stream.linear.scatter [tilespmem:s19], [sflag:$0x3], $0x80, $0x38;
	[tilespmem:$0xD200] =	vst v63  }
0x108: {  	s21 =	sadd.s32 $0x8020, s8;
	s22 =	simm.s32 $0x9790  }
0x109: {  	[hbm4b:s21+s3] =	stream.linear.scatter [tilespmem:s22], [sflag:$0x3], $0x80, $0x38;
	[tilespmem:$0xD200] =	vst v63  }
0x10a: {  	s23 =	sadd.s32 $0x8030, s8;
	s24 =	simm.s32 $0x9818  }
0x10b: {  	[hbm4b:s23+s3] =	stream.linear.scatter [tilespmem:s24], [sflag:$0x3], $0x80, $0x38;
	[tilespmem:$0xD200] =	vst v63  }
0x10c: {  	s25 =	sadd.s32 $0x8040, s8;
	s26 =	simm.s32 $0x98A0  }
0x10d: {  	[hbm4b:s25+s3] =	stream.linear.scatter [tilespmem:s26], [sflag:$0x3], $0x80, $0x38;
	[tilespmem:$0xD200] =	vst v63  }
0x10e: {  	s1 =	sadd.s32 $0x8050, s8;
	s2 =	simm.s32 $0x9928  }
0x10f: {  	[hbm4b:s1+s3] =	stream.linear.scatter [tilespmem:s2], [sflag:$0x3], $0x80, $0x38;
	[tilespmem:$0xD200] =	vst v63  }
0x110: {  	s5 =	sadd.s32 $0x8060, s8;
	s6 =	simm.s32 $0x99B0  }
0x111: {  	[hbm4b:s5+s3] =	stream.linear.scatter [tilespmem:s6], [sflag:$0x3], $0x80, $0x38;
	[tilespmem:$0xD200] =	vst v63  }
0x112: {  	s9 =	sadd.s32 $0x8070, s8;
	s12 =	simm.s32 $0x9A38  }
0x113: {  	[hbm4b:s9+s3] =	stream.linear.scatter [tilespmem:s12], [sflag:$0x3], $0x80, $0x38;
	[tilespmem:$0xD200] =	vst v63  }
0x114: {  	s16 =	sadd.s32 $0x8080, s8;
	s19 =	simm.s32 $0xA780  }
0x115: {  	[hbm4b:s16+s3] =	stream.linear.scatter [tilespmem:s19], [sflag:$0x3], $0x80, $0x38;
	[tilespmem:$0xD200] =	vst v63  }
0x116: {  	s21 =	sadd.s32 $0x8090, s8;
	s22 =	simm.s32 $0xA808  }
0x117: {  	[hbm4b:s21+s3] =	stream.linear.scatter [tilespmem:s22], [sflag:$0x3], $0x80, $0x38;
	[tilespmem:$0xD200] =	vst v63  }
0x118: {  	s23 =	sadd.s32 $0x80A0, s8;
	s24 =	simm.s32 $0xA890  }
0x119: {  	[hbm4b:s23+s3] =	stream.linear.scatter [tilespmem:s24], [sflag:$0x3], $0x80, $0x38;
	[tilespmem:$0xD200] =	vst v63  }
0x11a: {  	s25 =	sadd.s32 $0x80B0, s8;
	s26 =	simm.s32 $0xA918  }
0x11b: {  	[hbm4b:s25+s3] =	stream.linear.scatter [tilespmem:s26], [sflag:$0x3], $0x80, $0x38;
	[tilespmem:$0xD200] =	vst v63  }
0x11c: {  	s1 =	sadd.s32 $0x80C0, s8;
	s2 =	simm.s32 $0xA9A0  }
0x11d: {  	[hbm4b:s1+s3] =	stream.linear.scatter [tilespmem:s2], [sflag:$0x3], $0x80, $0x38;
	[tilespmem:$0xD200] =	vst v63  }
0x11e: {  	s5 =	sadd.s32 $0x80D0, s8;
	s6 =	simm.s32 $0xAA28  }
0x11f: {  	[hbm4b:s5+s3] =	stream.linear.scatter [tilespmem:s6], [sflag:$0x3], $0x80, $0x38;
	[tilespmem:$0xD200] =	vst v63  }
0x120: {  	s9 =	sadd.s32 $0x80E0, s8;
	s12 =	simm.s32 $0xAAB0  }
0x121: {  	[hbm4b:s9+s3] =	stream.linear.scatter [tilespmem:s12], [sflag:$0x3], $0x80, $0x38;
	[tilespmem:$0xD200] =	vst v63  }
0x122: {  	s16 =	sadd.s32 $0x80F0, s8;
	s19 =	simm.s32 $0xAB38  }
0x123: {  	[hbm4b:s16+s3] =	stream.linear.scatter [tilespmem:s19], [sflag:$0x3], $0x80, $0x38;
	[tilespmem:$0xD200] =	vst v63  }
0x124: {  	s21 =	sadd.s32 $0xC000, s8;
	s22 =	simm.s32 $0x9AC0  }
0x125: {  	[hbm4b:s21+s3] =	stream.linear.scatter [tilespmem:s22], [sflag:$0x3], $0x80, $0x38;
	[tilespmem:$0xD200] =	vst v63  }
0x126: {  	s23 =	sadd.s32 $0xC010, s8;
	s24 =	simm.s32 $0x9B48  }
0x127: {  	[hbm4b:s23+s3] =	stream.linear.scatter [tilespmem:s24], [sflag:$0x3], $0x80, $0x38;
	[tilespmem:$0xD200] =	vst v63  }
0x128: {  	s25 =	sadd.s32 $0xC020, s8;
	s26 =	simm.s32 $0x9BD0  }
0x129: {  	[hbm4b:s25+s3] =	stream.linear.scatter [tilespmem:s26], [sflag:$0x3], $0x80, $0x38;
	[tilespmem:$0xD200] =	vst v63  }
0x12a: {  	s1 =	sadd.s32 $0xC030, s8;
	s2 =	simm.s32 $0x9C58  }
0x12b: {  	[hbm4b:s1+s3] =	stream.linear.scatter [tilespmem:s2], [sflag:$0x3], $0x80, $0x38;
	[tilespmem:$0xD200] =	vst v63  }
0x12c: {  	s5 =	sadd.s32 $0xC040, s8;
	s6 =	simm.s32 $0x9CE0  }
0x12d: {  	[hbm4b:s5+s3] =	stream.linear.scatter [tilespmem:s6], [sflag:$0x3], $0x80, $0x38;
	[tilespmem:$0xD200] =	vst v63  }
0x12e: {  	s9 =	sadd.s32 $0xC050, s8;
	s12 =	simm.s32 $0x9D68  }
0x12f: {  	[hbm4b:s9+s3] =	stream.linear.scatter [tilespmem:s12], [sflag:$0x3], $0x80, $0x38;
	[tilespmem:$0xD200] =	vst v63  }
0x130: {  	s16 =	sadd.s32 $0xC060, s8;
	s19 =	simm.s32 $0x9DF0  }
0x131: {  	[hbm4b:s16+s3] =	stream.linear.scatter [tilespmem:s19], [sflag:$0x3], $0x80, $0x38;
	[tilespmem:$0xD200] =	vst v63  }
0x132: {  	s21 =	sadd.s32 $0xC070, s8;
	s22 =	simm.s32 $0x9E78  }
0x133: {  	[hbm4b:s21+s3] =	stream.linear.scatter [tilespmem:s22], [sflag:$0x3], $0x80, $0x38;
	[tilespmem:$0xD200] =	vst v63  }
0x134: {  	s23 =	sadd.s32 $0xC080, s8;
	s24 =	simm.s32 $0xABC0  }
0x135: {  	[hbm4b:s23+s3] =	stream.linear.scatter [tilespmem:s24], [sflag:$0x3], $0x80, $0x38;
	[tilespmem:$0xD200] =	vst v63  }
0x136: {  	s25 =	sadd.s32 $0xC090, s8;
	s26 =	simm.s32 $0xAC48  }
0x137: {  	[hbm4b:s25+s3] =	stream.linear.scatter [tilespmem:s26], [sflag:$0x3], $0x80, $0x38;
	[tilespmem:$0xD200] =	vst v63  }
0x138: {  	s1 =	sadd.s32 $0xC0A0, s8;
	s2 =	simm.s32 $0xACD0  }
0x139: {  	[hbm4b:s1+s3] =	stream.linear.scatter [tilespmem:s2], [sflag:$0x3], $0x80, $0x38;
	[tilespmem:$0xD200] =	vst v63  }
0x13a: {  	s5 =	sadd.s32 $0xC0B0, s8;
	s6 =	simm.s32 $0xAD58  }
0x13b: {  	[hbm4b:s5+s3] =	stream.linear.scatter [tilespmem:s6], [sflag:$0x3], $0x80, $0x38;
	[tilespmem:$0xD200] =	vst v63  }
0x13c: {  	s9 =	sadd.s32 $0xC0C0, s8;
	s12 =	simm.s32 $0xADE0  }
0x13d: {  	[hbm4b:s9+s3] =	stream.linear.scatter [tilespmem:s12], [sflag:$0x3], $0x80, $0x38;
	[tilespmem:$0xD200] =	vst v63  }
0x13e: {  	s16 =	sadd.s32 $0xC0D0, s8;
	s19 =	simm.s32 $0xAE68  }
0x13f: {  	[hbm4b:s16+s3] =	stream.linear.scatter [tilespmem:s19], [sflag:$0x3], $0x80, $0x38;
	[tilespmem:$0xD200] =	vst v63  }
0x140: {  	s21 =	sadd.s32 $0xC0E0, s8;
	s22 =	simm.s32 $0xAEF0  }
0x141: {  	[hbm4b:s21+s3] =	stream.linear.scatter [tilespmem:s22], [sflag:$0x3], $0x80, $0x38;
	[tilespmem:$0xD200] =	vst v63  }
0x142: {  	s23 =	sadd.s32 $0xC0F0, s8;
	s24 =	simm.s32 $0xAF78  }
0x143: {  	[hbm4b:s23+s3] =	stream.linear.scatter [tilespmem:s24], [sflag:$0x3], $0x80, $0x38;
	[tilespmem:$0xD200] =	vst v63  }
0x144: {  	s7 =	simm.s32 $0x1C00  }
0x145: {  	[tilespmem:s15], [sflag:$0x1] =	stream.indirect.gather [hbm4b:s4+s18], $0x20, s7, s18, $0xb8;
	[tilespmem:$0xD200] =	vst v63  }
0x146: {  	s25 =	simm.s32 $0x1C80  }
0x147: {  	[tilespmem:s20], [sflag:$0x1] =	stream.indirect.gather [hbm4b:s4+s18], $0x20, s25, s18, $0xb8;
	[tilespmem:$0xD200] =	vst v63  }
0x148: {  	_ =	swait.ge [sflag:s10], $0x1000  }
0x149: {  	[sflag:s10] =	ssyncset.done $0x0  }
0x14a: {  	[sflag:s10] =	ssyncadd.s32 $0xFFFFF000  }
0x14b: {  	_ =	swait.ge [sflag:s10], $0x1000  }
0x14c: {  	[sflag:s10] =	ssyncset.done $0x0  }
0x14d: {  	s9 =	simm.s32 @!p0 $0x4;
	[sflag:s10] =	ssyncadd.s32 $0xFFFFF000  }
0x14e: {  	_ =	swait.ge @!p0 [sflag:s9], $0x800  }
0x14f: {  	[sflag:s9] =	ssyncset.done @!p0 $0x0  }
0x150: {  	[sflag:s9] =	ssyncadd.s32 @!p0 $0xFFFFF800  }
0x151: {  	_ =	swait.ge @!p0 [sflag:s9], $0x800  }
0x152: {  	[sflag:s9] =	ssyncset.done @!p0 $0x0  }
0x153: {  	[sflag:s9] =	ssyncadd.s32 @!p0 $0xFFFFF800  }
0x154: {  	_ =	swait.ge @!p0 [sflag:s9], $0x800  }
0x155: {  	[sflag:s9] =	ssyncset.done @!p0 $0x0  }
0x156: {  	[sflag:s9] =	ssyncadd.s32 @!p0 $0xFFFFF800  }
0x157: {  	_ =	swait.ge @!p0 [sflag:s9], $0x800  }
0x158: {  	[sflag:s9] =	ssyncset.done @!p0 $0x0  }
0x159: {  	s26 =	sadd.s32 $0x100, s8;
	[sflag:s9] =	ssyncadd.s32 @!p0 $0xFFFFF800  }
0x15a: {  	[hbm4b:s26+s3] =	stream.linear.scatter [tilespmem:s11], [sflag:$0x4], $0x80, $0x38;
	[tilespmem:$0xD200] =	vst v63  }
0x15b: {  	s0 =	sadd.s32 $0x110, s8;
	s1 =	simm.s32 $0xB088  }
0x15c: {  	[hbm4b:s0+s3] =	stream.linear.scatter [tilespmem:s1], [sflag:$0x4], $0x80, $0x38;
	[tilespmem:$0xD200] =	vst v63  }
0x15d: {  	s2 =	sadd.s32 $0x120, s8;
	s5 =	simm.s32 $0xB110  }
0x15e: {  	[hbm4b:s2+s3] =	stream.linear.scatter [tilespmem:s5], [sflag:$0x4], $0x80, $0x38;
	[tilespmem:$0xD200] =	vst v63  }
0x15f: {  	s6 =	sadd.s32 $0x130, s8;
	s12 =	simm.s32 $0xB198  }
0x160: {  	[hbm4b:s6+s3] =	stream.linear.scatter [tilespmem:s12], [sflag:$0x4], $0x80, $0x38;
	[tilespmem:$0xD200] =	vst v63  }
0x161: {  	s16 =	sadd.s32 $0x140, s8;
	s19 =	simm.s32 $0xB220  }
0x162: {  	[hbm4b:s16+s3] =	stream.linear.scatter [tilespmem:s19], [sflag:$0x4], $0x80, $0x38;
	[tilespmem:$0xD200] =	vst v63  }
0x163: {  	s21 =	sadd.s32 $0x150, s8;
	s22 =	simm.s32 $0xB2A8  }
0x164: {  	[hbm4b:s21+s3] =	stream.linear.scatter [tilespmem:s22], [sflag:$0x4], $0x80, $0x38;
	[tilespmem:$0xD200] =	vst v63  }
0x165: {  	s23 =	sadd.s32 $0x160, s8;
	s24 =	simm.s32 $0xB330  }
0x166: {  	[hbm4b:s23+s3] =	stream.linear.scatter [tilespmem:s24], [sflag:$0x4], $0x80, $0x38;
	[tilespmem:$0xD200] =	vst v63  }
0x167: {  	s25 =	sadd.s32 $0x170, s8;
	s26 =	simm.s32 $0xB3B8  }
0x168: {  	[hbm4b:s25+s3] =	stream.linear.scatter [tilespmem:s26], [sflag:$0x4], $0x80, $0x38;
	[tilespmem:$0xD200] =	vst v63  }
0x169: {  	s0 =	sadd.s32 $0x180, s8;
	s1 =	simm.s32 $0xC100  }
0x16a: {  	[hbm4b:s0+s3] =	stream.linear.scatter [tilespmem:s1], [sflag:$0x4], $0x80, $0x38;
	[tilespmem:$0xD200] =	vst v63  }
0x16b: {  	s2 =	sadd.s32 $0x190, s8;
	s5 =	simm.s32 $0xC188  }
0x16c: {  	[hbm4b:s2+s3] =	stream.linear.scatter [tilespmem:s5], [sflag:$0x4], $0x80, $0x38;
	[tilespmem:$0xD200] =	vst v63  }
0x16d: {  	s6 =	sadd.s32 $0x1A0, s8;
	s12 =	simm.s32 $0xC210  }
0x16e: {  	[hbm4b:s6+s3] =	stream.linear.scatter [tilespmem:s12], [sflag:$0x4], $0x80, $0x38;
	[tilespmem:$0xD200] =	vst v63  }
0x16f: {  	s16 =	sadd.s32 $0x1B0, s8;
	s19 =	simm.s32 $0xC298  }
0x170: {  	[hbm4b:s16+s3] =	stream.linear.scatter [tilespmem:s19], [sflag:$0x4], $0x80, $0x38;
	[tilespmem:$0xD200] =	vst v63  }
0x171: {  	s21 =	sadd.s32 $0x1C0, s8;
	s22 =	simm.s32 $0xC320  }
0x172: {  	[hbm4b:s21+s3] =	stream.linear.scatter [tilespmem:s22], [sflag:$0x4], $0x80, $0x38;
	[tilespmem:$0xD200] =	vst v63  }
0x173: {  	s23 =	sadd.s32 $0x1D0, s8;
	s24 =	simm.s32 $0xC3A8;
	s22 =	rddreg [dreg:$0xf]  }
0x174: {  	[hbm4b:s23+s3] =	stream.linear.scatter [tilespmem:s24], [sflag:$0x4], $0x80, $0x38;
	[tilespmem:$0xD200] =	vst v63  }
0x175: {  	s25 =	sadd.s32 $0x1E0, s8;
	s26 =	simm.s32 $0xC430;
	s9 =	sadd.s32 $0x0, s22  }
0x176: {  	[hbm4b:s25+s3] =	stream.linear.scatter [tilespmem:s26], [sflag:$0x4], $0x80, $0x38;
	[tilespmem:$0xD200] =	vst v63  }
0x177: {  	s8 =	sadd.s32 $0x1F0, s8;
	s1 =	simm.s32 $0xC4B8;
	s2 =	sor.u32 $0x4100, s9  }
0x178: {  	[hbm4b:s8+s3] =	stream.linear.scatter [tilespmem:s1], [sflag:$0x4], $0x80, $0x38;
	[tilespmem:$0xD200] =	vst v63  }
0x179: {  	s5 =	simm.s32 $0xB440;
	s8 =	sadd.s32 s14, s2  }
0x17a: {  	[hbm4b:s8+s3] =	stream.linear.scatter [tilespmem:s5], [sflag:$0x4], $0x80, $0x38;
	[tilespmem:$0xD200] =	vst v63  }
0x17b: {  	s16 =	simm.s32 $0xB4C8;
	s6 =	sadd.s32 $0x10, s8  }
0x17c: {  	[hbm4b:s6+s3] =	stream.linear.scatter [tilespmem:s16], [sflag:$0x4], $0x80, $0x38;
	[tilespmem:$0xD200] =	vst v63  }
0x17d: {  	s21 =	simm.s32 $0xB550;
	s19 =	sadd.s32 $0x20, s8  }
0x17e: {  	[hbm4b:s19+s3] =	stream.linear.scatter [tilespmem:s21], [sflag:$0x4], $0x80, $0x38;
	[tilespmem:$0xD200] =	vst v63  }
0x17f: {  	s24 =	simm.s32 $0xB5D8;
	s23 =	sadd.s32 $0x30, s8  }
0x180: {  	[hbm4b:s23+s3] =	stream.linear.scatter [tilespmem:s24], [sflag:$0x4], $0x80, $0x38;
	[tilespmem:$0xD200] =	vst v63  }
0x181: {  	s26 =	simm.s32 $0xB660;
	s25 =	sadd.s32 $0x40, s8  }
0x182: {  	[hbm4b:s25+s3] =	stream.linear.scatter [tilespmem:s26], [sflag:$0x4], $0x80, $0x38;
	[tilespmem:$0xD200] =	vst v63  }
0x183: {  	s1 =	simm.s32 $0xB6E8;
	s0 =	sadd.s32 $0x50, s8  }
0x184: {  	[hbm4b:s0+s3] =	stream.linear.scatter [tilespmem:s1], [sflag:$0x4], $0x80, $0x38;
	[tilespmem:$0xD200] =	vst v63  }
0x185: {  	s2 =	sadd.s32 $0x60, s8;
	s5 =	simm.s32 $0xB770  }
0x186: {  	[hbm4b:s2+s3] =	stream.linear.scatter [tilespmem:s5], [sflag:$0x4], $0x80, $0x38;
	[tilespmem:$0xD200] =	vst v63  }
0x187: {  	s6 =	sadd.s32 $0x70, s8;
	s16 =	simm.s32 $0xB7F8  }
0x188: {  	[hbm4b:s6+s3] =	stream.linear.scatter [tilespmem:s16], [sflag:$0x4], $0x80, $0x38;
	[tilespmem:$0xD200] =	vst v63  }
0x189: {  	s19 =	sadd.s32 $0x80, s8;
	s21 =	simm.s32 $0xC540  }
0x18a: {  	[hbm4b:s19+s3] =	stream.linear.scatter [tilespmem:s21], [sflag:$0x4], $0x80, $0x38;
	[tilespmem:$0xD200] =	vst v63  }
0x18b: {  	s23 =	sadd.s32 $0x90, s8;
	s24 =	simm.s32 $0xC5C8  }
0x18c: {  	[hbm4b:s23+s3] =	stream.linear.scatter [tilespmem:s24], [sflag:$0x4], $0x80, $0x38;
	[tilespmem:$0xD200] =	vst v63  }
0x18d: {  	s25 =	sadd.s32 $0xA0, s8;
	s26 =	simm.s32 $0xC650  }
0x18e: {  	[hbm4b:s25+s3] =	stream.linear.scatter [tilespmem:s26], [sflag:$0x4], $0x80, $0x38;
	[tilespmem:$0xD200] =	vst v63  }
0x18f: {  	s1 =	sadd.s32 $0xB0, s8;
	s2 =	simm.s32 $0xC6D8  }
0x190: {  	[hbm4b:s1+s3] =	stream.linear.scatter [tilespmem:s2], [sflag:$0x4], $0x80, $0x38;
	[tilespmem:$0xD200] =	vst v63  }
0x191: {  	s5 =	sadd.s32 $0xC0, s8;
	s6 =	simm.s32 $0xC760  }
0x192: {  	[hbm4b:s5+s3] =	stream.linear.scatter [tilespmem:s6], [sflag:$0x4], $0x80, $0x38;
	[tilespmem:$0xD200] =	vst v63  }
0x193: {  	s16 =	sadd.s32 $0xD0, s8;
	s19 =	simm.s32 $0xC7E8  }
0x194: {  	[hbm4b:s16+s3] =	stream.linear.scatter [tilespmem:s19], [sflag:$0x4], $0x80, $0x38;
	[tilespmem:$0xD200] =	vst v63  }
0x195: {  	s21 =	sadd.s32 $0xE0, s8;
	s23 =	simm.s32 $0xC870  }
0x196: {  	[hbm4b:s21+s3] =	stream.linear.scatter [tilespmem:s23], [sflag:$0x4], $0x80, $0x38;
	[tilespmem:$0xD200] =	vst v63  }
0x197: {  	s8 =	sadd.s32 $0xF0, s8;
	s24 =	sor.u32 $0x8100, s9;
	s25 =	simm.s32 $0xC8F8  }
0x198: {  	[hbm4b:s8+s3] =	stream.linear.scatter [tilespmem:s25], [sflag:$0x4], $0x80, $0x38;
	[tilespmem:$0xD200] =	vst v63  }
0x199: {  	s26 =	simm.s32 $0xB880;
	s8 =	sadd.s32 s14, s24  }
0x19a: {  	[hbm4b:s8+s3] =	stream.linear.scatter [tilespmem:s26], [sflag:$0x4], $0x80, $0x38;
	[tilespmem:$0xD200] =	vst v63  }
0x19b: {  	s1 =	simm.s32 $0xB908;
	s12 =	sadd.s32 $0x10, s8  }
0x19c: {  	[hbm4b:s12+s3] =	stream.linear.scatter [tilespmem:s1], [sflag:$0x4], $0x80, $0x38;
	[tilespmem:$0xD200] =	vst v63  }
0x19d: {  	s5 =	simm.s32 $0xB990;
	s2 =	sadd.s32 $0x20, s8  }
0x19e: {  	[hbm4b:s2+s3] =	stream.linear.scatter [tilespmem:s5], [sflag:$0x4], $0x80, $0x38;
	[tilespmem:$0xD200] =	vst v63  }
0x19f: {  	s16 =	simm.s32 $0xBA18;
	s6 =	sadd.s32 $0x30, s8  }
0x1a0: {  	[hbm4b:s6+s3] =	stream.linear.scatter [tilespmem:s16], [sflag:$0x4], $0x80, $0x38;
	[tilespmem:$0xD200] =	vst v63  }
0x1a1: {  	s21 =	simm.s32 $0xBAA0;
	s19 =	sadd.s32 $0x40, s8  }
0x1a2: {  	[hbm4b:s19+s3] =	stream.linear.scatter [tilespmem:s21], [sflag:$0x4], $0x80, $0x38;
	[tilespmem:$0xD200] =	vst v63  }
0x1a3: {  	s24 =	simm.s32 $0xBB28;
	s23 =	sadd.s32 $0x50, s8  }
0x1a4: {  	[hbm4b:s23+s3] =	stream.linear.scatter [tilespmem:s24], [sflag:$0x4], $0x80, $0x38;
	[tilespmem:$0xD200] =	vst v63  }
0x1a5: {  	s25 =	sadd.s32 $0x60, s8;
	s26 =	simm.s32 $0xBBB0  }
0x1a6: {  	[hbm4b:s25+s3] =	stream.linear.scatter [tilespmem:s26], [sflag:$0x4], $0x80, $0x38;
	[tilespmem:$0xD200] =	vst v63  }
0x1a7: {  	s0 =	sadd.s32 $0x70, s8;
	s1 =	simm.s32 $0xBC38  }
0x1a8: {  	[hbm4b:s0+s3] =	stream.linear.scatter [tilespmem:s1], [sflag:$0x4], $0x80, $0x38;
	[tilespmem:$0xD200] =	vst v63  }
0x1a9: {  	s2 =	sadd.s32 $0x80, s8;
	s5 =	simm.s32 $0xC980  }
0x1aa: {  	[hbm4b:s2+s3] =	stream.linear.scatter [tilespmem:s5], [sflag:$0x4], $0x80, $0x38;
	[tilespmem:$0xD200] =	vst v63  }
0x1ab: {  	s6 =	sadd.s32 $0x90, s8;
	s16 =	simm.s32 $0xCA08  }
0x1ac: {  	[hbm4b:s6+s3] =	stream.linear.scatter [tilespmem:s16], [sflag:$0x4], $0x80, $0x38;
	[tilespmem:$0xD200] =	vst v63  }
0x1ad: {  	s19 =	sadd.s32 $0xA0, s8;
	s21 =	simm.s32 $0xCA90  }
0x1ae: {  	[hbm4b:s19+s3] =	stream.linear.scatter [tilespmem:s21], [sflag:$0x4], $0x80, $0x38;
	[tilespmem:$0xD200] =	vst v63  }
0x1af: {  	s23 =	sadd.s32 $0xB0, s8;
	s24 =	simm.s32 $0xCB18  }
0x1b0: {  	[hbm4b:s23+s3] =	stream.linear.scatter [tilespmem:s24], [sflag:$0x4], $0x80, $0x38;
	[tilespmem:$0xD200] =	vst v63  }
0x1b1: {  	s25 =	sadd.s32 $0xC0, s8;
	s26 =	simm.s32 $0xCBA0  }
0x1b2: {  	[hbm4b:s25+s3] =	stream.linear.scatter [tilespmem:s26], [sflag:$0x4], $0x80, $0x38;
	[tilespmem:$0xD200] =	vst v63  }
0x1b3: {  	s1 =	sadd.s32 $0xD0, s8;
	s2 =	simm.s32 $0xCC28  }
0x1b4: {  	[hbm4b:s1+s3] =	stream.linear.scatter [tilespmem:s2], [sflag:$0x4], $0x80, $0x38;
	[tilespmem:$0xD200] =	vst v63  }
0x1b5: {  	s5 =	sadd.s32 $0xE0, s8;
	s6 =	simm.s32 $0xCCB0  }
0x1b6: {  	[hbm4b:s5+s3] =	stream.linear.scatter [tilespmem:s6], [sflag:$0x4], $0x80, $0x38;
	[tilespmem:$0xD200] =	vst v63  }
0x1b7: {  	s9 =	sor.u32 $0xC100, s9;
	s12 =	simm.s32 $0xCD38;
	s8 =	sadd.s32 $0xF0, s8  }
0x1b8: {  	[hbm4b:s8+s3] =	stream.linear.scatter [tilespmem:s12], [sflag:$0x4], $0x80, $0x38;
	[tilespmem:$0xD200] =	vst v63  }
0x1b9: {  	s16 =	simm.s32 $0xBCC0;
	s8 =	sadd.s32 s14, s9  }
0x1ba: {  	[hbm4b:s8+s3] =	stream.linear.scatter [tilespmem:s16], [sflag:$0x4], $0x80, $0x38;
	[tilespmem:$0xD200] =	vst v63  }
0x1bb: {  	s19 =	simm.s32 $0xBD48;
	s9 =	sadd.s32 $0x10, s8  }
0x1bc: {  	[hbm4b:s9+s3] =	stream.linear.scatter [tilespmem:s19], [sflag:$0x4], $0x80, $0x38;
	[tilespmem:$0xD200] =	vst v63  }
0x1bd: {  	s23 =	simm.s32 $0xBDD0;
	s21 =	sadd.s32 $0x20, s8  }
0x1be: {  	[hbm4b:s21+s3] =	stream.linear.scatter [tilespmem:s23], [sflag:$0x4], $0x80, $0x38;
	[tilespmem:$0xD200] =	vst v63  }
0x1bf: {  	s24 =	sadd.s32 $0x30, s8;
	s19 =	simm.s32 $0xBE58  }
0x1c0: {  	[hbm4b:s24+s3] =	stream.linear.scatter [tilespmem:s19], [sflag:$0x4], $0x80, $0x38;
	[tilespmem:$0xD200] =	vst v63  }
0x1c1: {  	s25 =	sadd.s32 $0x40, s8;
	s23 =	simm.s32 $0xBEE0  }
0x1c2: {  	[hbm4b:s25+s3] =	stream.linear.scatter [tilespmem:s23], [sflag:$0x4], $0x80, $0x38;
	[tilespmem:$0xD200] =	vst v63  }
0x1c3: {  	s26 =	sadd.s32 $0x50, s8;
	s24 =	simm.s32 $0xBF68  }
0x1c4: {  	[hbm4b:s26+s3] =	stream.linear.scatter [tilespmem:s24], [sflag:$0x4], $0x80, $0x38;
	[tilespmem:$0xD200] =	vst v63  }
0x1c5: {  	s30 =	simm.s32 $0xBFF0;
	s0 =	sadd.s32 $0x60, s8  }
0x1c6: {  	[hbm4b:s0+s3] =	stream.linear.scatter [tilespmem:s30], [sflag:$0x4], $0x80, $0x38;
	[tilespmem:$0xD200] =	vst v63  }
0x1c7: {  	s1 =	sadd.s32 $0x70, s8;
	s0 =	simm.s32 $0xC078  }
0x1c8: {  	[hbm4b:s1+s3] =	stream.linear.scatter [tilespmem:s0], [sflag:$0x4], $0x80, $0x38;
	[tilespmem:$0xD200] =	vst v63  }
0x1c9: {  	s2 =	sadd.s32 $0x80, s8;
	s21 =	simm.s32 $0xCDC0  }
0x1ca: {  	[hbm4b:s2+s3] =	stream.linear.scatter [tilespmem:s21], [sflag:$0x4], $0x80, $0x38;
	[tilespmem:$0xD200] =	vst v63  }
0x1cb: {  	s5 =	sadd.s32 $0x90, s8;
	s25 =	simm.s32 $0xCE48  }
0x1cc: {  	[hbm4b:s5+s3] =	stream.linear.scatter [tilespmem:s25], [sflag:$0x4], $0x80, $0x38;
	[tilespmem:$0xD200] =	vst v63  }
0x1cd: {  	s6 =	sadd.s32 $0xA0, s8;
	s26 =	simm.s32 $0xCED0  }
0x1ce: {  	[hbm4b:s6+s3] =	stream.linear.scatter [tilespmem:s26], [sflag:$0x4], $0x80, $0x38;
	[tilespmem:$0xD200] =	vst v63  }
0x1cf: {  	s12 =	sadd.s32 $0xB0, s8;
	s2 =	simm.s32 $0xCF58  }
0x1d0: {  	[hbm4b:s12+s3] =	stream.linear.scatter [tilespmem:s2], [sflag:$0x4], $0x80, $0x38;
	[tilespmem:$0xD200] =	vst v63  }
0x1d1: {  	s31 =	simm.s32 $0xCFE0;
	s16 =	sadd.s32 $0xC0, s8  }
0x1d2: {  	[hbm4b:s16+s3] =	stream.linear.scatter [tilespmem:s31], [sflag:$0x4], $0x80, $0x38;
	[tilespmem:$0xD200] =	vst v63  }
0x1d3: {  	s1 =	sadd.s32 $0xD0, s8;
	s6 =	simm.s32 $0xD068  }
0x1d4: {  	[hbm4b:s1+s3] =	stream.linear.scatter [tilespmem:s6], [sflag:$0x4], $0x80, $0x38;
	[tilespmem:$0xD200] =	vst v63  }
0x1d5: {  	s5 =	sadd.s32 $0xE0, s8;
	s16 =	simm.s32 $0xD0F0  }
0x1d6: {  	[hbm4b:s5+s3] =	stream.linear.scatter [tilespmem:s16], [sflag:$0x4], $0x80, $0x38;
	[tilespmem:$0xD200] =	vst v63  }
0x1d7: {  	s8 =	sadd.s32 $0xF0, s8  }
0x1d8: {  	[hbm4b:s8+s3] =	stream.linear.scatter [tilespmem:s17], [sflag:$0x4], $0x80, $0x38;
	[tilespmem:$0xD200] =	vst v63  }
0x1d9: {  	s9 =	simm.s32 $0x1D00;
	s12 =	simm.s32 $0x6E00  }
0x1da: {  	[tilespmem:s12], [sflag:$0x2] =	stream.indirect.gather [hbm4b:s4+s18], $0x20, s9, s18, $0xb8;
	[tilespmem:$0xD200] =	vst v63  }
0x1db: {  	s1 =	simm.s32 $0x6E00;
	s8 =	simm.s32 $0x10000;
	s12 =	simm.s32 $0x1D80  }
.LBB2_6:
0x1dc: {  	[tilespmem:s13], [sflag:$0x2] =	stream.indirect.gather [hbm4b:s4+s18], $0x20, s12, s18, $0xb8;
	[tilespmem:$0xD200] =	vst v63  }
0x1dd: {  	_ =	swait.ge [sflag:s28], $0x1000  }
0x1de: {  	[sflag:s28] =	ssyncset.done $0x0  }
0x1df: {  	[sflag:s28] =	ssyncadd.s32 $0xFFFFF000  }
0x1e0: {  	s9 =	smov.u32 s8;
	_ =	swait.ge [sflag:s28], $0x1000  }
0x1e1: {  	p1 =	seq.s32 s9, $0x0;
	[sflag:s28] =	ssyncset.done $0x0  }
0x1e2: {  	s12 =	simm.s32 @!p1 $0x3;
	[sflag:s28] =	ssyncadd.s32 $0xFFFFF000  }
0x1e3: {  	_ =	swait.ge @!p1 [sflag:s12], $0x800  }
0x1e4: {  	[sflag:s12] =	ssyncset.done @!p1 $0x0  }
0x1e5: {  	[sflag:s12] =	ssyncadd.s32 @!p1 $0xFFFFF800  }
0x1e6: {  	_ =	swait.ge @!p1 [sflag:s12], $0x800  }
0x1e7: {  	[sflag:s12] =	ssyncset.done @!p1 $0x0  }
0x1e8: {  	[sflag:s12] =	ssyncadd.s32 @!p1 $0xFFFFF800  }
0x1e9: {  	_ =	swait.ge @!p1 [sflag:s12], $0x800  }
0x1ea: {  	[sflag:s12] =	ssyncset.done @!p1 $0x0  }
0x1eb: {  	[sflag:s12] =	ssyncadd.s32 @!p1 $0xFFFFF800  }
0x1ec: {  	_ =	swait.ge @!p1 [sflag:s12], $0x800  }
0x1ed: {  	s5 =	rddreg [dreg:$0x3];
	[sflag:s12] =	ssyncset.done @!p1 $0x0  }
0x1ee: {  	[sflag:s12] =	ssyncadd.s32 @!p1 $0xFFFFF800;
	s12 =	sadd.s32 s9, s5  }
0x1ef: {  	[hbm4b:s12+s3] =	stream.linear.scatter [tilespmem:s29], [sflag:$0x3], $0x80, $0x38;
	[tilespmem:$0xD200] =	vst v63  }
0x1f0: {  	s5 =	simm.s32 $0x8E88;
	s13 =	sadd.s32 $0x10, s12  }
0x1f1: {  	[hbm4b:s13+s3] =	stream.linear.scatter [tilespmem:s5], [sflag:$0x3], $0x80, $0x38;
	[tilespmem:$0xD200] =	vst v63  }
0x1f2: {  	s13 =	sadd.s32 $0x20, s12;
	s5 =	simm.s32 $0x8F10  }
0x1f3: {  	[hbm4b:s13+s3] =	stream.linear.scatter [tilespmem:s5], [sflag:$0x3], $0x80, $0x38;
	[tilespmem:$0xD200] =	vst v63  }
0x1f4: {  	s13 =	sadd.s32 $0x30, s12;
	s5 =	simm.s32 $0x8F98  }
0x1f5: {  	[hbm4b:s13+s3] =	stream.linear.scatter [tilespmem:s5], [sflag:$0x3], $0x80, $0x38;
	[tilespmem:$0xD200] =	vst v63  }
0x1f6: {  	s13 =	sadd.s32 $0x40, s12;
	s5 =	simm.s32 $0x9020  }
0x1f7: {  	[hbm4b:s13+s3] =	stream.linear.scatter [tilespmem:s5], [sflag:$0x3], $0x80, $0x38;
	[tilespmem:$0xD200] =	vst v63  }
0x1f8: {  	s13 =	sadd.s32 $0x50, s12;
	s5 =	simm.s32 $0x90A8  }
0x1f9: {  	[hbm4b:s13+s3] =	stream.linear.scatter [tilespmem:s5], [sflag:$0x3], $0x80, $0x38;
	[tilespmem:$0xD200] =	vst v63  }
0x1fa: {  	s13 =	sadd.s32 $0x60, s12;
	s5 =	simm.s32 $0x9130  }
0x1fb: {  	[hbm4b:s13+s3] =	stream.linear.scatter [tilespmem:s5], [sflag:$0x3], $0x80, $0x38;
	[tilespmem:$0xD200] =	vst v63  }
0x1fc: {  	s13 =	sadd.s32 $0x70, s12;
	s5 =	simm.s32 $0x91B8  }
0x1fd: {  	[hbm4b:s13+s3] =	stream.linear.scatter [tilespmem:s5], [sflag:$0x3], $0x80, $0x38;
	[tilespmem:$0xD200] =	vst v63  }
0x1fe: {  	s13 =	sadd.s32 $0x80, s12;
	s5 =	simm.s32 $0x9F00  }
0x1ff: {  	[hbm4b:s13+s3] =	stream.linear.scatter [tilespmem:s5], [sflag:$0x3], $0x80, $0x38;
	[tilespmem:$0xD200] =	vst v63  }
0x200: {  	s13 =	sadd.s32 $0x90, s12;
	s5 =	simm.s32 $0x9F88  }
0x201: {  	[hbm4b:s13+s3] =	stream.linear.scatter [tilespmem:s5], [sflag:$0x3], $0x80, $0x38;
	[tilespmem:$0xD200] =	vst v63  }
0x202: {  	s13 =	sadd.s32 $0xA0, s12;
	s5 =	simm.s32 $0xA010  }
0x203: {  	[hbm4b:s13+s3] =	stream.linear.scatter [tilespmem:s5], [sflag:$0x3], $0x80, $0x38;
	[tilespmem:$0xD200] =	vst v63  }
0x204: {  	s13 =	sadd.s32 $0xB0, s12;
	s5 =	simm.s32 $0xA098  }
0x205: {  	[hbm4b:s13+s3] =	stream.linear.scatter [tilespmem:s5], [sflag:$0x3], $0x80, $0x38;
	[tilespmem:$0xD200] =	vst v63  }
0x206: {  	s13 =	sadd.s32 $0xC0, s12;
	s5 =	simm.s32 $0xA120  }
0x207: {  	[hbm4b:s13+s3] =	stream.linear.scatter [tilespmem:s5], [sflag:$0x3], $0x80, $0x38;
	[tilespmem:$0xD200] =	vst v63  }
0x208: {  	s13 =	sadd.s32 $0xD0, s12;
	s5 =	simm.s32 $0xA1A8  }
0x209: {  	[hbm4b:s13+s3] =	stream.linear.scatter [tilespmem:s5], [sflag:$0x3], $0x80, $0x38;
	[tilespmem:$0xD200] =	vst v63  }
0x20a: {  	s13 =	sadd.s32 $0xE0, s12;
	s5 =	simm.s32 $0xA230  }
0x20b: {  	[hbm4b:s13+s3] =	stream.linear.scatter [tilespmem:s5], [sflag:$0x3], $0x80, $0x38;
	[tilespmem:$0xD200] =	vst v63  }
0x20c: {  	s13 =	sadd.s32 $0xF0, s12;
	s5 =	simm.s32 $0xA2B8  }
0x20d: {  	[hbm4b:s13+s3] =	stream.linear.scatter [tilespmem:s5], [sflag:$0x3], $0x80, $0x38;
	[tilespmem:$0xD200] =	vst v63  }
0x20e: {  	s13 =	sadd.s32 $0x4000, s12;
	s5 =	simm.s32 $0x9240  }
0x20f: {  	[hbm4b:s13+s3] =	stream.linear.scatter [tilespmem:s5], [sflag:$0x3], $0x80, $0x38;
	[tilespmem:$0xD200] =	vst v63  }
0x210: {  	s13 =	sadd.s32 $0x4010, s12;
	s5 =	simm.s32 $0x92C8  }
0x211: {  	[hbm4b:s13+s3] =	stream.linear.scatter [tilespmem:s5], [sflag:$0x3], $0x80, $0x38;
	[tilespmem:$0xD200] =	vst v63  }
0x212: {  	s13 =	sadd.s32 $0x4020, s12;
	s5 =	simm.s32 $0x9350  }
0x213: {  	[hbm4b:s13+s3] =	stream.linear.scatter [tilespmem:s5], [sflag:$0x3], $0x80, $0x38;
	[tilespmem:$0xD200] =	vst v63  }
0x214: {  	s13 =	sadd.s32 $0x4030, s12;
	s5 =	simm.s32 $0x93D8  }
0x215: {  	[hbm4b:s13+s3] =	stream.linear.scatter [tilespmem:s5], [sflag:$0x3], $0x80, $0x38;
	[tilespmem:$0xD200] =	vst v63  }
0x216: {  	s13 =	sadd.s32 $0x4040, s12;
	s5 =	simm.s32 $0x9460  }
0x217: {  	[hbm4b:s13+s3] =	stream.linear.scatter [tilespmem:s5], [sflag:$0x3], $0x80, $0x38;
	[tilespmem:$0xD200] =	vst v63  }
0x218: {  	s13 =	sadd.s32 $0x4050, s12;
	s5 =	simm.s32 $0x94E8  }
0x219: {  	[hbm4b:s13+s3] =	stream.linear.scatter [tilespmem:s5], [sflag:$0x3], $0x80, $0x38;
	[tilespmem:$0xD200] =	vst v63  }
0x21a: {  	s13 =	sadd.s32 $0x4060, s12;
	s5 =	simm.s32 $0x9570  }
0x21b: {  	[hbm4b:s13+s3] =	stream.linear.scatter [tilespmem:s5], [sflag:$0x3], $0x80, $0x38;
	[tilespmem:$0xD200] =	vst v63  }
0x21c: {  	s13 =	sadd.s32 $0x4070, s12;
	s5 =	simm.s32 $0x95F8  }
0x21d: {  	[hbm4b:s13+s3] =	stream.linear.scatter [tilespmem:s5], [sflag:$0x3], $0x80, $0x38;
	[tilespmem:$0xD200] =	vst v63  }
0x21e: {  	s13 =	sadd.s32 $0x4080, s12;
	s5 =	simm.s32 $0xA340  }
0x21f: {  	[hbm4b:s13+s3] =	stream.linear.scatter [tilespmem:s5], [sflag:$0x3], $0x80, $0x38;
	[tilespmem:$0xD200] =	vst v63  }
0x220: {  	s13 =	sadd.s32 $0x4090, s12;
	s5 =	simm.s32 $0xA3C8  }
0x221: {  	[hbm4b:s13+s3] =	stream.linear.scatter [tilespmem:s5], [sflag:$0x3], $0x80, $0x38;
	[tilespmem:$0xD200] =	vst v63  }
0x222: {  	s13 =	sadd.s32 $0x40A0, s12;
	s5 =	simm.s32 $0xA450  }
0x223: {  	[hbm4b:s13+s3] =	stream.linear.scatter [tilespmem:s5], [sflag:$0x3], $0x80, $0x38;
	[tilespmem:$0xD200] =	vst v63  }
0x224: {  	s13 =	sadd.s32 $0x40B0, s12;
	s5 =	simm.s32 $0xA4D8  }
0x225: {  	[hbm4b:s13+s3] =	stream.linear.scatter [tilespmem:s5], [sflag:$0x3], $0x80, $0x38;
	[tilespmem:$0xD200] =	vst v63  }
0x226: {  	s13 =	sadd.s32 $0x40C0, s12;
	s5 =	simm.s32 $0xA560  }
0x227: {  	[hbm4b:s13+s3] =	stream.linear.scatter [tilespmem:s5], [sflag:$0x3], $0x80, $0x38;
	[tilespmem:$0xD200] =	vst v63  }
0x228: {  	s13 =	sadd.s32 $0x40D0, s12;
	s5 =	simm.s32 $0xA5E8  }
0x229: {  	[hbm4b:s13+s3] =	stream.linear.scatter [tilespmem:s5], [sflag:$0x3], $0x80, $0x38;
	[tilespmem:$0xD200] =	vst v63  }
0x22a: {  	s13 =	sadd.s32 $0x40E0, s12;
	s5 =	simm.s32 $0xA670  }
0x22b: {  	[hbm4b:s13+s3] =	stream.linear.scatter [tilespmem:s5], [sflag:$0x3], $0x80, $0x38;
	[tilespmem:$0xD200] =	vst v63  }
0x22c: {  	s13 =	sadd.s32 $0x40F0, s12;
	s5 =	simm.s32 $0xA6F8  }
0x22d: {  	[hbm4b:s13+s3] =	stream.linear.scatter [tilespmem:s5], [sflag:$0x3], $0x80, $0x38;
	[tilespmem:$0xD200] =	vst v63  }
0x22e: {  	s13 =	sadd.s32 $0x8000, s12;
	s5 =	simm.s32 $0x9680  }
0x22f: {  	[hbm4b:s13+s3] =	stream.linear.scatter [tilespmem:s5], [sflag:$0x3], $0x80, $0x38;
	[tilespmem:$0xD200] =	vst v63  }
0x230: {  	s13 =	sadd.s32 $0x8010, s12;
	s5 =	simm.s32 $0x9708  }
0x231: {  	[hbm4b:s13+s3] =	stream.linear.scatter [tilespmem:s5], [sflag:$0x3], $0x80, $0x38;
	[tilespmem:$0xD200] =	vst v63  }
0x232: {  	s13 =	sadd.s32 $0x8020, s12;
	s5 =	simm.s32 $0x9790  }
0x233: {  	[hbm4b:s13+s3] =	stream.linear.scatter [tilespmem:s5], [sflag:$0x3], $0x80, $0x38;
	[tilespmem:$0xD200] =	vst v63  }
0x234: {  	s13 =	sadd.s32 $0x8030, s12;
	s5 =	simm.s32 $0x9818  }
0x235: {  	[hbm4b:s13+s3] =	stream.linear.scatter [tilespmem:s5], [sflag:$0x3], $0x80, $0x38;
	[tilespmem:$0xD200] =	vst v63  }
0x236: {  	s13 =	sadd.s32 $0x8040, s12;
	s5 =	simm.s32 $0x98A0  }
0x237: {  	[hbm4b:s13+s3] =	stream.linear.scatter [tilespmem:s5], [sflag:$0x3], $0x80, $0x38;
	[tilespmem:$0xD200] =	vst v63  }
0x238: {  	s13 =	sadd.s32 $0x8050, s12;
	s5 =	simm.s32 $0x9928  }
0x239: {  	[hbm4b:s13+s3] =	stream.linear.scatter [tilespmem:s5], [sflag:$0x3], $0x80, $0x38;
	[tilespmem:$0xD200] =	vst v63  }
0x23a: {  	s13 =	sadd.s32 $0x8060, s12;
	s5 =	simm.s32 $0x99B0  }
0x23b: {  	[hbm4b:s13+s3] =	stream.linear.scatter [tilespmem:s5], [sflag:$0x3], $0x80, $0x38;
	[tilespmem:$0xD200] =	vst v63  }
0x23c: {  	s13 =	sadd.s32 $0x8070, s12;
	s5 =	simm.s32 $0x9A38  }
0x23d: {  	[hbm4b:s13+s3] =	stream.linear.scatter [tilespmem:s5], [sflag:$0x3], $0x80, $0x38;
	[tilespmem:$0xD200] =	vst v63  }
0x23e: {  	s13 =	sadd.s32 $0x8080, s12;
	s5 =	simm.s32 $0xA780  }
0x23f: {  	[hbm4b:s13+s3] =	stream.linear.scatter [tilespmem:s5], [sflag:$0x3], $0x80, $0x38;
	[tilespmem:$0xD200] =	vst v63  }
0x240: {  	s13 =	sadd.s32 $0x8090, s12;
	s5 =	simm.s32 $0xA808  }
0x241: {  	[hbm4b:s13+s3] =	stream.linear.scatter [tilespmem:s5], [sflag:$0x3], $0x80, $0x38;
	[tilespmem:$0xD200] =	vst v63  }
0x242: {  	s13 =	sadd.s32 $0x80A0, s12;
	s5 =	simm.s32 $0xA890  }
0x243: {  	[hbm4b:s13+s3] =	stream.linear.scatter [tilespmem:s5], [sflag:$0x3], $0x80, $0x38;
	[tilespmem:$0xD200] =	vst v63  }
0x244: {  	s13 =	sadd.s32 $0x80B0, s12;
	s5 =	simm.s32 $0xA918  }
0x245: {  	[hbm4b:s13+s3] =	stream.linear.scatter [tilespmem:s5], [sflag:$0x3], $0x80, $0x38;
	[tilespmem:$0xD200] =	vst v63  }
0x246: {  	s13 =	sadd.s32 $0x80C0, s12;
	s5 =	simm.s32 $0xA9A0  }
0x247: {  	[hbm4b:s13+s3] =	stream.linear.scatter [tilespmem:s5], [sflag:$0x3], $0x80, $0x38;
	[tilespmem:$0xD200] =	vst v63  }
0x248: {  	s13 =	sadd.s32 $0x80D0, s12;
	s5 =	simm.s32 $0xAA28  }
0x249: {  	[hbm4b:s13+s3] =	stream.linear.scatter [tilespmem:s5], [sflag:$0x3], $0x80, $0x38;
	[tilespmem:$0xD200] =	vst v63  }
0x24a: {  	s13 =	sadd.s32 $0x80E0, s12;
	s5 =	simm.s32 $0xAAB0  }
0x24b: {  	[hbm4b:s13+s3] =	stream.linear.scatter [tilespmem:s5], [sflag:$0x3], $0x80, $0x38;
	[tilespmem:$0xD200] =	vst v63  }
0x24c: {  	s13 =	sadd.s32 $0x80F0, s12;
	s5 =	simm.s32 $0xAB38  }
0x24d: {  	[hbm4b:s13+s3] =	stream.linear.scatter [tilespmem:s5], [sflag:$0x3], $0x80, $0x38;
	[tilespmem:$0xD200] =	vst v63  }
0x24e: {  	s13 =	sadd.s32 $0xC000, s12;
	s5 =	simm.s32 $0x9AC0  }
0x24f: {  	[hbm4b:s13+s3] =	stream.linear.scatter [tilespmem:s5], [sflag:$0x3], $0x80, $0x38;
	[tilespmem:$0xD200] =	vst v63  }
0x250: {  	s13 =	sadd.s32 $0xC010, s12;
	s5 =	simm.s32 $0x9B48  }
0x251: {  	[hbm4b:s13+s3] =	stream.linear.scatter [tilespmem:s5], [sflag:$0x3], $0x80, $0x38;
	[tilespmem:$0xD200] =	vst v63  }
0x252: {  	s13 =	sadd.s32 $0xC020, s12;
	s5 =	simm.s32 $0x9BD0  }
0x253: {  	[hbm4b:s13+s3] =	stream.linear.scatter [tilespmem:s5], [sflag:$0x3], $0x80, $0x38;
	[tilespmem:$0xD200] =	vst v63  }
0x254: {  	s13 =	sadd.s32 $0xC030, s12;
	s5 =	simm.s32 $0x9C58  }
0x255: {  	[hbm4b:s13+s3] =	stream.linear.scatter [tilespmem:s5], [sflag:$0x3], $0x80, $0x38;
	[tilespmem:$0xD200] =	vst v63  }
0x256: {  	s13 =	sadd.s32 $0xC040, s12;
	s5 =	simm.s32 $0x9CE0  }
0x257: {  	[hbm4b:s13+s3] =	stream.linear.scatter [tilespmem:s5], [sflag:$0x3], $0x80, $0x38;
	[tilespmem:$0xD200] =	vst v63  }
0x258: {  	s13 =	sadd.s32 $0xC050, s12;
	s5 =	simm.s32 $0x9D68  }
0x259: {  	[hbm4b:s13+s3] =	stream.linear.scatter [tilespmem:s5], [sflag:$0x3], $0x80, $0x38;
	[tilespmem:$0xD200] =	vst v63  }
0x25a: {  	s13 =	sadd.s32 $0xC060, s12;
	s5 =	simm.s32 $0x9DF0  }
0x25b: {  	[hbm4b:s13+s3] =	stream.linear.scatter [tilespmem:s5], [sflag:$0x3], $0x80, $0x38;
	[tilespmem:$0xD200] =	vst v63  }
0x25c: {  	s13 =	sadd.s32 $0xC070, s12;
	s5 =	simm.s32 $0x9E78  }
0x25d: {  	[hbm4b:s13+s3] =	stream.linear.scatter [tilespmem:s5], [sflag:$0x3], $0x80, $0x38;
	[tilespmem:$0xD200] =	vst v63  }
0x25e: {  	s13 =	sadd.s32 $0xC080, s12;
	s5 =	simm.s32 $0xABC0  }
0x25f: {  	[hbm4b:s13+s3] =	stream.linear.scatter [tilespmem:s5], [sflag:$0x3], $0x80, $0x38;
	[tilespmem:$0xD200] =	vst v63  }
0x260: {  	s13 =	sadd.s32 $0xC090, s12;
	s5 =	simm.s32 $0xAC48  }
0x261: {  	[hbm4b:s13+s3] =	stream.linear.scatter [tilespmem:s5], [sflag:$0x3], $0x80, $0x38;
	[tilespmem:$0xD200] =	vst v63  }
0x262: {  	s13 =	sadd.s32 $0xC0A0, s12;
	s5 =	simm.s32 $0xACD0  }
0x263: {  	[hbm4b:s13+s3] =	stream.linear.scatter [tilespmem:s5], [sflag:$0x3], $0x80, $0x38;
	[tilespmem:$0xD200] =	vst v63  }
0x264: {  	s13 =	sadd.s32 $0xC0B0, s12;
	s5 =	simm.s32 $0xAD58  }
0x265: {  	[hbm4b:s13+s3] =	stream.linear.scatter [tilespmem:s5], [sflag:$0x3], $0x80, $0x38;
	[tilespmem:$0xD200] =	vst v63  }
0x266: {  	s13 =	sadd.s32 $0xC0C0, s12;
	s5 =	simm.s32 $0xADE0  }
0x267: {  	[hbm4b:s13+s3] =	stream.linear.scatter [tilespmem:s5], [sflag:$0x3], $0x80, $0x38;
	[tilespmem:$0xD200] =	vst v63  }
0x268: {  	s13 =	sadd.s32 $0xC0D0, s12;
	s5 =	simm.s32 $0xAE68  }
0x269: {  	[hbm4b:s13+s3] =	stream.linear.scatter [tilespmem:s5], [sflag:$0x3], $0x80, $0x38;
	[tilespmem:$0xD200] =	vst v63  }
0x26a: {  	s13 =	sadd.s32 $0xC0E0, s12;
	s5 =	simm.s32 $0xAEF0  }
0x26b: {  	[hbm4b:s13+s3] =	stream.linear.scatter [tilespmem:s5], [sflag:$0x3], $0x80, $0x38;
	[tilespmem:$0xD200] =	vst v63  }
0x26c: {  	s13 =	sadd.s32 $0xC0F0, s12;
	s5 =	simm.s32 $0xAF78  }
0x26d: {  	[hbm4b:s13+s3] =	stream.linear.scatter [tilespmem:s5], [sflag:$0x3], $0x80, $0x38;
	[tilespmem:$0xD200] =	vst v63  }
0x26e: {  	s7 =	sadd.s32 $0x200, s7  }
0x26f: {  	[tilespmem:s15], [sflag:$0x1] =	stream.indirect.gather [hbm4b:s4+s18], $0x20, s7, s18, $0xb8;
	[tilespmem:$0xD200] =	vst v63  }
0x270: {  	s15 =	sadd.s32 $0x80, s7  }
0x271: {  	[tilespmem:s20], [sflag:$0x1] =	stream.indirect.gather [hbm4b:s4+s18], $0x20, s15, s18, $0xb8;
	[tilespmem:$0xD200] =	vst v63  }
0x272: {  	_ =	swait.ge [sflag:s10], $0x1000  }
0x273: {  	[sflag:s10] =	ssyncset.done $0x0  }
0x274: {  	[sflag:s10] =	ssyncadd.s32 $0xFFFFF000  }
0x275: {  	_ =	swait.ge [sflag:s10], $0x1000  }
0x276: {  	[sflag:s10] =	ssyncset.done $0x0  }
0x277: {  	s13 =	simm.s32 @!p1 $0x4;
	[sflag:s10] =	ssyncadd.s32 $0xFFFFF000  }
0x278: {  	_ =	swait.ge @!p1 [sflag:s13], $0x800  }
0x279: {  	[sflag:s13] =	ssyncset.done @!p1 $0x0  }
0x27a: {  	[sflag:s13] =	ssyncadd.s32 @!p1 $0xFFFFF800  }
0x27b: {  	_ =	swait.ge @!p1 [sflag:s13], $0x800  }
0x27c: {  	[sflag:s13] =	ssyncset.done @!p1 $0x0  }
0x27d: {  	[sflag:s13] =	ssyncadd.s32 @!p1 $0xFFFFF800  }
0x27e: {  	_ =	swait.ge @!p1 [sflag:s13], $0x800  }
0x27f: {  	[sflag:s13] =	ssyncset.done @!p1 $0x0  }
0x280: {  	[sflag:s13] =	ssyncadd.s32 @!p1 $0xFFFFF800  }
0x281: {  	_ =	swait.ge @!p1 [sflag:s13], $0x800  }
0x282: {  	[sflag:s13] =	ssyncset.done @!p1 $0x0  }
0x283: {  	s5 =	sadd.s32 $0x100, s12;
	[sflag:s13] =	ssyncadd.s32 @!p1 $0xFFFFF800  }
0x284: {  	[hbm4b:s5+s3] =	stream.linear.scatter [tilespmem:s11], [sflag:$0x4], $0x80, $0x38;
	[tilespmem:$0xD200] =	vst v63  }
0x285: {  	s15 =	sadd.s32 $0x110, s12;
	s20 =	simm.s32 $0xB088  }
0x286: {  	[hbm4b:s15+s3] =	stream.linear.scatter [tilespmem:s20], [sflag:$0x4], $0x80, $0x38;
	[tilespmem:$0xD200] =	vst v63  }
0x287: {  	s15 =	sadd.s32 $0x120, s12;
	s20 =	simm.s32 $0xB110  }
0x288: {  	[hbm4b:s15+s3] =	stream.linear.scatter [tilespmem:s20], [sflag:$0x4], $0x80, $0x38;
	[tilespmem:$0xD200] =	vst v63  }
0x289: {  	s15 =	sadd.s32 $0x130, s12;
	s20 =	simm.s32 $0xB198  }
0x28a: {  	[hbm4b:s15+s3] =	stream.linear.scatter [tilespmem:s20], [sflag:$0x4], $0x80, $0x38;
	[tilespmem:$0xD200] =	vst v63  }
0x28b: {  	s15 =	sadd.s32 $0x140, s12;
	s20 =	simm.s32 $0xB220  }
0x28c: {  	[hbm4b:s15+s3] =	stream.linear.scatter [tilespmem:s20], [sflag:$0x4], $0x80, $0x38;
	[tilespmem:$0xD200] =	vst v63  }
0x28d: {  	s15 =	sadd.s32 $0x150, s12;
	s20 =	simm.s32 $0xB2A8  }
0x28e: {  	[hbm4b:s15+s3] =	stream.linear.scatter [tilespmem:s20], [sflag:$0x4], $0x80, $0x38;
	[tilespmem:$0xD200] =	vst v63  }
0x28f: {  	s15 =	sadd.s32 $0x160, s12;
	s20 =	simm.s32 $0xB330  }
0x290: {  	[hbm4b:s15+s3] =	stream.linear.scatter [tilespmem:s20], [sflag:$0x4], $0x80, $0x38;
	[tilespmem:$0xD200] =	vst v63  }
0x291: {  	s15 =	sadd.s32 $0x170, s12;
	s20 =	simm.s32 $0xB3B8  }
0x292: {  	[hbm4b:s15+s3] =	stream.linear.scatter [tilespmem:s20], [sflag:$0x4], $0x80, $0x38;
	[tilespmem:$0xD200] =	vst v63  }
0x293: {  	s15 =	sadd.s32 $0x180, s12;
	s20 =	simm.s32 $0xC100  }
0x294: {  	[hbm4b:s15+s3] =	stream.linear.scatter [tilespmem:s20], [sflag:$0x4], $0x80, $0x38;
	[tilespmem:$0xD200] =	vst v63  }
0x295: {  	s15 =	sadd.s32 $0x190, s12;
	s20 =	simm.s32 $0xC188  }
0x296: {  	[hbm4b:s15+s3] =	stream.linear.scatter [tilespmem:s20], [sflag:$0x4], $0x80, $0x38;
	[tilespmem:$0xD200] =	vst v63  }
0x297: {  	s15 =	sadd.s32 $0x1A0, s12;
	s20 =	simm.s32 $0xC210  }
0x298: {  	[hbm4b:s15+s3] =	stream.linear.scatter [tilespmem:s20], [sflag:$0x4], $0x80, $0x38;
	[tilespmem:$0xD200] =	vst v63  }
0x299: {  	s15 =	sadd.s32 $0x1B0, s12;
	s20 =	simm.s32 $0xC298  }
0x29a: {  	[hbm4b:s15+s3] =	stream.linear.scatter [tilespmem:s20], [sflag:$0x4], $0x80, $0x38;
	[tilespmem:$0xD200] =	vst v63  }
0x29b: {  	s15 =	sadd.s32 $0x1C0, s12;
	s20 =	simm.s32 $0xC320  }
0x29c: {  	[hbm4b:s15+s3] =	stream.linear.scatter [tilespmem:s20], [sflag:$0x4], $0x80, $0x38;
	[tilespmem:$0xD200] =	vst v63  }
0x29d: {  	s15 =	sadd.s32 $0x1D0, s12;
	s20 =	simm.s32 $0xC3A8  }
0x29e: {  	[hbm4b:s15+s3] =	stream.linear.scatter [tilespmem:s20], [sflag:$0x4], $0x80, $0x38;
	[tilespmem:$0xD200] =	vst v63  }
0x29f: {  	s9 =	sadd.s32 s9, s22;
	s15 =	sadd.s32 $0x1E0, s12;
	s20 =	simm.s32 $0xC430  }
0x2a0: {  	[hbm4b:s15+s3] =	stream.linear.scatter [tilespmem:s20], [sflag:$0x4], $0x80, $0x38;
	[tilespmem:$0xD200] =	vst v63  }
0x2a1: {  	s13 =	simm.s32 $0xC4B8;
	s12 =	sadd.s32 $0x1F0, s12;
	s15 =	sor.u32 $0x4100, s9  }
0x2a2: {  	[hbm4b:s12+s3] =	stream.linear.scatter [tilespmem:s13], [sflag:$0x4], $0x80, $0x38;
	[tilespmem:$0xD200] =	vst v63  }
0x2a3: {  	s20 =	simm.s32 $0xB440;
	s13 =	sadd.s32 s14, s15  }
0x2a4: {  	[hbm4b:s13+s3] =	stream.linear.scatter [tilespmem:s20], [sflag:$0x4], $0x80, $0x38;
	[tilespmem:$0xD200] =	vst v63  }
0x2a5: {  	s5 =	simm.s32 $0xB4C8;
	s15 =	sadd.s32 $0x10, s13  }
0x2a6: {  	[hbm4b:s15+s3] =	stream.linear.scatter [tilespmem:s5], [sflag:$0x4], $0x80, $0x38;
	[tilespmem:$0xD200] =	vst v63  }
0x2a7: {  	s20 =	sadd.s32 $0x20, s13;
	s5 =	simm.s32 $0xB550  }
0x2a8: {  	[hbm4b:s20+s3] =	stream.linear.scatter [tilespmem:s5], [sflag:$0x4], $0x80, $0x38;
	[tilespmem:$0xD200] =	vst v63  }
0x2a9: {  	s15 =	sadd.s32 $0x30, s13;
	s5 =	simm.s32 $0xB5D8  }
0x2aa: {  	[hbm4b:s15+s3] =	stream.linear.scatter [tilespmem:s5], [sflag:$0x4], $0x80, $0x38;
	[tilespmem:$0xD200] =	vst v63  }
0x2ab: {  	s20 =	sadd.s32 $0x40, s13;
	s5 =	simm.s32 $0xB660  }
0x2ac: {  	[hbm4b:s20+s3] =	stream.linear.scatter [tilespmem:s5], [sflag:$0x4], $0x80, $0x38;
	[tilespmem:$0xD200] =	vst v63  }
0x2ad: {  	s15 =	sadd.s32 $0x50, s13;
	s5 =	simm.s32 $0xB6E8  }
0x2ae: {  	[hbm4b:s15+s3] =	stream.linear.scatter [tilespmem:s5], [sflag:$0x4], $0x80, $0x38;
	[tilespmem:$0xD200] =	vst v63  }
0x2af: {  	s20 =	sadd.s32 $0x60, s13;
	s5 =	simm.s32 $0xB770  }
0x2b0: {  	[hbm4b:s20+s3] =	stream.linear.scatter [tilespmem:s5], [sflag:$0x4], $0x80, $0x38;
	[tilespmem:$0xD200] =	vst v63  }
0x2b1: {  	s15 =	sadd.s32 $0x70, s13;
	s5 =	simm.s32 $0xB7F8  }
0x2b2: {  	[hbm4b:s15+s3] =	stream.linear.scatter [tilespmem:s5], [sflag:$0x4], $0x80, $0x38;
	[tilespmem:$0xD200] =	vst v63  }
0x2b3: {  	s20 =	sadd.s32 $0x80, s13;
	s5 =	simm.s32 $0xC540  }
0x2b4: {  	[hbm4b:s20+s3] =	stream.linear.scatter [tilespmem:s5], [sflag:$0x4], $0x80, $0x38;
	[tilespmem:$0xD200] =	vst v63  }
0x2b5: {  	s15 =	sadd.s32 $0x90, s13;
	s5 =	simm.s32 $0xC5C8  }
0x2b6: {  	[hbm4b:s15+s3] =	stream.linear.scatter [tilespmem:s5], [sflag:$0x4], $0x80, $0x38;
	[tilespmem:$0xD200] =	vst v63  }
0x2b7: {  	s20 =	sadd.s32 $0xA0, s13;
	s5 =	simm.s32 $0xC650  }
0x2b8: {  	[hbm4b:s20+s3] =	stream.linear.scatter [tilespmem:s5], [sflag:$0x4], $0x80, $0x38;
	[tilespmem:$0xD200] =	vst v63  }
0x2b9: {  	s15 =	sadd.s32 $0xB0, s13;
	s5 =	simm.s32 $0xC6D8  }
0x2ba: {  	[hbm4b:s15+s3] =	stream.linear.scatter [tilespmem:s5], [sflag:$0x4], $0x80, $0x38;
	[tilespmem:$0xD200] =	vst v63  }
0x2bb: {  	s20 =	sadd.s32 $0xC0, s13;
	s5 =	simm.s32 $0xC760  }
0x2bc: {  	[hbm4b:s20+s3] =	stream.linear.scatter [tilespmem:s5], [sflag:$0x4], $0x80, $0x38;
	[tilespmem:$0xD200] =	vst v63  }
0x2bd: {  	s15 =	sadd.s32 $0xD0, s13;
	s5 =	simm.s32 $0xC7E8  }
0x2be: {  	[hbm4b:s15+s3] =	stream.linear.scatter [tilespmem:s5], [sflag:$0x4], $0x80, $0x38;
	[tilespmem:$0xD200] =	vst v63  }
0x2bf: {  	s20 =	sadd.s32 $0xE0, s13;
	s15 =	simm.s32 $0xC870  }
0x2c0: {  	[hbm4b:s20+s3] =	stream.linear.scatter [tilespmem:s15], [sflag:$0x4], $0x80, $0x38;
	[tilespmem:$0xD200] =	vst v63  }
0x2c1: {  	s12 =	sor.u32 $0x8100, s9;
	s13 =	sadd.s32 $0xF0, s13;
	s15 =	simm.s32 $0xC8F8  }
0x2c2: {  	[hbm4b:s13+s3] =	stream.linear.scatter [tilespmem:s15], [sflag:$0x4], $0x80, $0x38;
	[tilespmem:$0xD200] =	vst v63  }
0x2c3: {  	s12 =	sadd.s32 s14, s12;
	s15 =	simm.s32 $0xB880  }
0x2c4: {  	[hbm4b:s12+s3] =	stream.linear.scatter [tilespmem:s15], [sflag:$0x4], $0x80, $0x38;
	[tilespmem:$0xD200] =	vst v63  }
0x2c5: {  	s5 =	simm.s32 $0xB908;
	s13 =	sadd.s32 $0x10, s12  }
0x2c6: {  	[hbm4b:s13+s3] =	stream.linear.scatter [tilespmem:s5], [sflag:$0x4], $0x80, $0x38;
	[tilespmem:$0xD200] =	vst v63  }
0x2c7: {  	s15 =	sadd.s32 $0x20, s12;
	s5 =	simm.s32 $0xB990  }
0x2c8: {  	[hbm4b:s15+s3] =	stream.linear.scatter [tilespmem:s5], [sflag:$0x4], $0x80, $0x38;
	[tilespmem:$0xD200] =	vst v63  }
0x2c9: {  	s13 =	sadd.s32 $0x30, s12;
	s5 =	simm.s32 $0xBA18  }
0x2ca: {  	[hbm4b:s13+s3] =	stream.linear.scatter [tilespmem:s5], [sflag:$0x4], $0x80, $0x38;
	[tilespmem:$0xD200] =	vst v63  }
0x2cb: {  	s15 =	sadd.s32 $0x40, s12;
	s5 =	simm.s32 $0xBAA0  }
0x2cc: {  	[hbm4b:s15+s3] =	stream.linear.scatter [tilespmem:s5], [sflag:$0x4], $0x80, $0x38;
	[tilespmem:$0xD200] =	vst v63  }
0x2cd: {  	s13 =	sadd.s32 $0x50, s12;
	s5 =	simm.s32 $0xBB28  }
0x2ce: {  	[hbm4b:s13+s3] =	stream.linear.scatter [tilespmem:s5], [sflag:$0x4], $0x80, $0x38;
	[tilespmem:$0xD200] =	vst v63  }
0x2cf: {  	s15 =	sadd.s32 $0x60, s12;
	s5 =	simm.s32 $0xBBB0  }
0x2d0: {  	[hbm4b:s15+s3] =	stream.linear.scatter [tilespmem:s5], [sflag:$0x4], $0x80, $0x38;
	[tilespmem:$0xD200] =	vst v63  }
0x2d1: {  	s13 =	sadd.s32 $0x70, s12;
	s5 =	simm.s32 $0xBC38  }
0x2d2: {  	[hbm4b:s13+s3] =	stream.linear.scatter [tilespmem:s5], [sflag:$0x4], $0x80, $0x38;
	[tilespmem:$0xD200] =	vst v63  }
0x2d3: {  	s15 =	sadd.s32 $0x80, s12;
	s5 =	simm.s32 $0xC980  }
0x2d4: {  	[hbm4b:s15+s3] =	stream.linear.scatter [tilespmem:s5], [sflag:$0x4], $0x80, $0x38;
	[tilespmem:$0xD200] =	vst v63  }
0x2d5: {  	s13 =	sadd.s32 $0x90, s12;
	s5 =	simm.s32 $0xCA08  }
0x2d6: {  	[hbm4b:s13+s3] =	stream.linear.scatter [tilespmem:s5], [sflag:$0x4], $0x80, $0x38;
	[tilespmem:$0xD200] =	vst v63  }
0x2d7: {  	s15 =	sadd.s32 $0xA0, s12;
	s5 =	simm.s32 $0xCA90  }
0x2d8: {  	[hbm4b:s15+s3] =	stream.linear.scatter [tilespmem:s5], [sflag:$0x4], $0x80, $0x38;
	[tilespmem:$0xD200] =	vst v63  }
0x2d9: {  	s13 =	sadd.s32 $0xB0, s12;
	s5 =	simm.s32 $0xCB18  }
0x2da: {  	[hbm4b:s13+s3] =	stream.linear.scatter [tilespmem:s5], [sflag:$0x4], $0x80, $0x38;
	[tilespmem:$0xD200] =	vst v63  }
0x2db: {  	s15 =	sadd.s32 $0xC0, s12;
	s5 =	simm.s32 $0xCBA0  }
0x2dc: {  	[hbm4b:s15+s3] =	stream.linear.scatter [tilespmem:s5], [sflag:$0x4], $0x80, $0x38;
	[tilespmem:$0xD200] =	vst v63  }
0x2dd: {  	s13 =	sadd.s32 $0xD0, s12;
	s5 =	simm.s32 $0xCC28  }
0x2de: {  	[hbm4b:s13+s3] =	stream.linear.scatter [tilespmem:s5], [sflag:$0x4], $0x80, $0x38;
	[tilespmem:$0xD200] =	vst v63  }
0x2df: {  	s15 =	sadd.s32 $0xE0, s12;
	s13 =	simm.s32 $0xCCB0  }
0x2e0: {  	[hbm4b:s15+s3] =	stream.linear.scatter [tilespmem:s13], [sflag:$0x4], $0x80, $0x38;
	[tilespmem:$0xD200] =	vst v63  }
0x2e1: {  	s9 =	sor.u32 $0xC100, s9;
	s12 =	sadd.s32 $0xF0, s12;
	s13 =	simm.s32 $0xCD38  }
0x2e2: {  	[hbm4b:s12+s3] =	stream.linear.scatter [tilespmem:s13], [sflag:$0x4], $0x80, $0x38;
	[tilespmem:$0xD200] =	vst v63  }
0x2e3: {  	s9 =	sadd.s32 s14, s9;
	s13 =	simm.s32 $0xBCC0  }
0x2e4: {  	[hbm4b:s9+s3] =	stream.linear.scatter [tilespmem:s13], [sflag:$0x4], $0x80, $0x38;
	[tilespmem:$0xD200] =	vst v63  }
0x2e5: {  	s5 =	simm.s32 $0xBD48;
	s12 =	sadd.s32 $0x10, s9  }
0x2e6: {  	[hbm4b:s12+s3] =	stream.linear.scatter [tilespmem:s5], [sflag:$0x4], $0x80, $0x38;
	[tilespmem:$0xD200] =	vst v63  }
0x2e7: {  	s13 =	sadd.s32 $0x20, s9;
	s5 =	simm.s32 $0xBDD0  }
0x2e8: {  	[hbm4b:s13+s3] =	stream.linear.scatter [tilespmem:s5], [sflag:$0x4], $0x80, $0x38;
	[tilespmem:$0xD200] =	vst v63  }
0x2e9: {  	s12 =	sadd.s32 $0x30, s9  }
0x2ea: {  	[hbm4b:s12+s3] =	stream.linear.scatter [tilespmem:s19], [sflag:$0x4], $0x80, $0x38;
	[tilespmem:$0xD200] =	vst v63  }
0x2eb: {  	s5 =	sadd.s32 $0x40, s9  }
0x2ec: {  	[hbm4b:s5+s3] =	stream.linear.scatter [tilespmem:s23], [sflag:$0x4], $0x80, $0x38;
	[tilespmem:$0xD200] =	vst v63  }
0x2ed: {  	s12 =	sadd.s32 $0x50, s9  }
0x2ee: {  	[hbm4b:s12+s3] =	stream.linear.scatter [tilespmem:s24], [sflag:$0x4], $0x80, $0x38;
	[tilespmem:$0xD200] =	vst v63  }
0x2ef: {  	s5 =	sadd.s32 $0x60, s9  }
0x2f0: {  	[hbm4b:s5+s3] =	stream.linear.scatter [tilespmem:s30], [sflag:$0x4], $0x80, $0x38;
	[tilespmem:$0xD200] =	vst v63  }
0x2f1: {  	s12 =	sadd.s32 $0x70, s9  }
0x2f2: {  	[hbm4b:s12+s3] =	stream.linear.scatter [tilespmem:s0], [sflag:$0x4], $0x80, $0x38;
	[tilespmem:$0xD200] =	vst v63  }
0x2f3: {  	s5 =	sadd.s32 $0x80, s9  }
0x2f4: {  	[hbm4b:s5+s3] =	stream.linear.scatter [tilespmem:s21], [sflag:$0x4], $0x80, $0x38;
	[tilespmem:$0xD200] =	vst v63  }
0x2f5: {  	s12 =	sadd.s32 $0x90, s9  }
0x2f6: {  	[hbm4b:s12+s3] =	stream.linear.scatter [tilespmem:s25], [sflag:$0x4], $0x80, $0x38;
	[tilespmem:$0xD200] =	vst v63  }
0x2f7: {  	s5 =	sadd.s32 $0xA0, s9  }
0x2f8: {  	[hbm4b:s5+s3] =	stream.linear.scatter [tilespmem:s26], [sflag:$0x4], $0x80, $0x38;
	[tilespmem:$0xD200] =	vst v63  }
0x2f9: {  	s12 =	sadd.s32 $0xB0, s9  }
0x2fa: {  	[hbm4b:s12+s3] =	stream.linear.scatter [tilespmem:s2], [sflag:$0x4], $0x80, $0x38;
	[tilespmem:$0xD200] =	vst v63  }
0x2fb: {  	s5 =	sadd.s32 $0xC0, s9  }
0x2fc: {  	[hbm4b:s5+s3] =	stream.linear.scatter [tilespmem:s31], [sflag:$0x4], $0x80, $0x38;
	[tilespmem:$0xD200] =	vst v63  }
0x2fd: {  	s8 =	sadd.s32 $0x10000, s8;
	s12 =	sadd.s32 $0xD0, s9  }
0x2fe: {  	[hbm4b:s12+s3] =	stream.linear.scatter [tilespmem:s6], [sflag:$0x4], $0x80, $0x38;
	[tilespmem:$0xD200] =	vst v63  }
0x2ff: {  	p0 =	sne.s32 s8, $0x190000;
	s5 =	sadd.s32 $0xE0, s9  }
0x300: {  	[hbm4b:s5+s3] =	stream.linear.scatter [tilespmem:s16], [sflag:$0x4], $0x80, $0x38;
	[tilespmem:$0xD200] =	vst v63  }
.Ltmp2:
0x301: {  	_ = 	snop;
	(pc) =	sbr.rel @p0 .LBB2_6-.Ltmp2, $4  }
0x302: {  	s20 =	simm.s32 $0x5E00;
	s15 =	simm.s32 $0x4E00;
	s9 =	sadd.s32 $0xF0, s9  }
0x303: {  	[hbm4b:s9+s3] =	stream.linear.scatter [tilespmem:s17], [sflag:$0x4], $0x80, $0x38;
	[tilespmem:$0xD200] =	vst v63  }
0x304: {  	s13 =	simm.s32 $0x7E00;
	s12 =	sadd.s32 $0x180, s7;
	s5 =	sadd.s32 $0x100, s7  }
0x305: {  	[tilespmem:s1], [sflag:$0x2] =	stream.indirect.gather [hbm4b:s4+s18], $0x20, s5, s18, $0xb8;
	[tilespmem:$0xD200] =	vst v63  }
0x306: {  	[tilespmem:s13], [sflag:$0x2] =	stream.indirect.gather [hbm4b:s4+s18], $0x20, s12, s18, $0xb8;
	[tilespmem:$0xD200] =	vst v63  }
0x307: {  	_ =	swait.ge [sflag:s28], $0x1000  }
0x308: {  	[sflag:s28] =	ssyncset.done $0x0  }
0x309: {  	[sflag:s28] =	ssyncadd.s32 $0xFFFFF000  }
0x30a: {  	_ =	swait.ge [sflag:s28], $0x1000  }
0x30b: {  	[sflag:s28] =	ssyncset.done $0x0  }
0x30c: {  	s15 =	simm.s32 $0x3;
	[sflag:s28] =	ssyncadd.s32 $0xFFFFF000  }
0x30d: {  	_ =	swait.ge [sflag:s15], $0x800  }
0x30e: {  	[sflag:s15] =	ssyncset.done $0x0  }
0x30f: {  	[sflag:s15] =	ssyncadd.s32 $0xFFFFF800  }
0x310: {  	_ =	swait.ge [sflag:s15], $0x800  }
0x311: {  	s7 =	simm.s32 $0x0;
	[sflag:s15] =	ssyncset.done $0x0  }
0x312: {  	v3 =	vmov s7;
	[sflag:s15] =	ssyncadd.s32 $0xFFFFF800  }
0x313: {  	v3 =	vmul.u32 $0x1100, v3;
	_ =	swait.ge [sflag:s15], $0x800  }
0x314: {  	[sflag:s15] =	ssyncset.done $0x0  }
0x315: {  	s25 =	simm.s32 $0x0;
	v3 =	vbroadcast v3, $0x0;
	[sflag:s15] =	ssyncadd.s32 $0xFFFFF800  }
0x316: {  	v4 =	vmov s25;
	_ =	swait.ge [sflag:s15], $0x800  }
0x317: {  	v5 =	vand.u32 $0x78, v4;
	v6 =	vadd.s32 v0, v3;
	[sflag:s15] =	ssyncset.done $0x0  }
0x318: {  	s7 =	simm.s32 $0x4E40;
	v4 =	vand.u32 $0x4, v4;
	v3 =	vadd.s32 v2, v3;
	v7 =	vadd.s32 v5, v6;
	[sflag:s15] =	ssyncadd.s32 $0xFFFFF800  }
0x319: {  	v5 =	vadd.s32 v5, v3;
	v7 =	vor.u32 v4, v7;
	v8 =	vld [tilespmem:s7+$0xFFFFFFC0]  }
0x31a: {  	v4 =	vor.u32 v4, v5;
	v9 =	vld [tilespmem:s7+$0xFFFFFFD0];
	_ =	sdelay $0x1  }
0x31b: {  	s8 =	simm.s32 $0x1  }
0x31c: {  	v5 =	vmov s8  }
0x31d: {  	[tilespmem:v7+s29+$0x0] =	vst.idx.msk $0xffff, v8;
	v7 =	vand.u32 $0x78, v5  }
0x31e: {  	[tilespmem:v4+s29+$0x0] =	vst.idx.msk $0xffff, v9;
	v4 =	vand.u32 $0x5, v5;
	v5 =	vadd.s32 v6, v7  }
0x31f: {  	v7 =	vadd.s32 v3, v7;
	v8 =	vld [tilespmem:s7+$0xFFFFFFE0];
	v5 =	vor.u32 v4, v5  }
0x320: {  	v9 =	vld [tilespmem:s7+$0xFFFFFFF0];
	v4 =	vor.u32 v4, v7;
	_ =	sdelay $0x1  }
0x321: {  	s26 =	simm.s32 $0x2  }
0x322: {  	v7 =	vmov s26  }
0x323: {  	[tilespmem:v5+s29+$0x0] =	vst.idx.msk $0xffff, v8;
	v5 =	vand.u32 $0x78, v7  }
0x324: {  	[tilespmem:v4+s29+$0x0] =	vst.idx.msk $0xffff, v9;
	v4 =	vand.u32 $0x6, v7;
	v7 =	vadd.s32 v6, v5  }
0x325: {  	v5 =	vadd.s32 v3, v5;
	v8 =	vld [tilespmem:s7+$0x0];
	v7 =	vor.u32 v4, v7  }
0x326: {  	v9 =	vld [tilespmem:s7+$0x10];
	v4 =	vor.u32 v4, v5;
	_ =	sdelay $0x1  }
0x327: {  	s30 =	simm.s32 $0x3  }
0x328: {  	v5 =	vmov s30  }
0x329: {  	s31 =	simm.s32 $0x0;
	[tilespmem:v7+s29+$0x0] =	vst.idx.msk $0xffff, v8;
	v7 =	vand.u32 $0x78, v5  }
0x32a: {  	[tilespmem:v4+s29+$0x0] =	vst.idx.msk $0xffff, v9;
	v4 =	vand.u32 $0x7, v5;
	v5 =	vadd.s32 v6, v7;
	v6 =	vmov s31  }
0x32b: {  	v9 =	vld [tilespmem:s7+$0x20];
	v10 =	vor.u32 v4, v5;
	v5 =	vmul.u32 $0x1100, v6  }
0x32c: {  	v3 =	vadd.s32 v3, v7  }
0x32d: {  	v7 =	vor.u32 v4, v3;
	v11 =	vbroadcast v5, $0x0;
	v5 =	vld [tilespmem:s7+$0x30]  }
0x32e: {  	s8 =	simm.s32 $0x4  }
0x32f: {  	v8 =	vmov s8  }
0x330: {  	s9 =	simm.s32 $0x2;
	v6 =	vand.u32 $0x78, v8;
	v4 =	vadd.s32 v0, v11;
	v3 =	vadd.s32 v2, v11;
	[tilespmem:v10+s29+$0x0] =	vst.idx.msk $0xffff, v9  }
.LBB2_8:
0x331: {  	p0 =	sne.s32 s9, $0x3F  }
0x332: {  	v8 =	vand.u32 $0x4, v8;
	v9 =	vadd.s32 v6, v4;
	[tilespmem:v7+s29+$0x0] =	vst.idx.msk $0xffff, v5;
	s7 =	sadd.s32 $0x80, s7;
	s12 =	smov.u32 s9;
	s9 =	sadd.s32 $0x1, s9  }
0x333: {  	v6 =	vadd.s32 v6, v3;
	v5 =	vld [tilespmem:s7+$0xFFFFFFC0];
	v7 =	vor.u32 v8, v9  }
0x334: {  	v6 =	vor.u32 v8, v6;
	v9 =	vld [tilespmem:s7+$0xFFFFFFD0];
	_ =	sdelay $0x1  }
0x335: {  	s13 =	sadd.s32 $0x1, s8  }
0x336: {  	v8 =	vmov s13  }
0x337: {  	[tilespmem:v7+s29+$0x0] =	vst.idx.msk $0xffff, v5;
	v5 =	vand.u32 $0x78, v8  }
0x338: {  	[tilespmem:v6+s29+$0x0] =	vst.idx.msk $0xffff, v9;
	v6 =	vand.u32 $0x5, v8;
	v7 =	vadd.s32 v4, v5  }
0x339: {  	v5 =	vadd.s32 v3, v5;
	v8 =	vld [tilespmem:s7+$0xFFFFFFE0];
	v7 =	vor.u32 v6, v7  }
0x33a: {  	v5 =	vor.u32 v6, v5;
	v9 =	vld [tilespmem:s7+$0xFFFFFFF0];
	_ =	sdelay $0x1  }
0x33b: {  	s13 =	sadd.s32 $0x2, s8  }
0x33c: {  	v6 =	vmov s13  }
0x33d: {  	[tilespmem:v7+s29+$0x0] =	vst.idx.msk $0xffff, v8;
	v7 =	vand.u32 $0x78, v6  }
0x33e: {  	[tilespmem:v5+s29+$0x0] =	vst.idx.msk $0xffff, v9;
	v5 =	vand.u32 $0x6, v6;
	v6 =	vadd.s32 v4, v7  }
0x33f: {  	v7 =	vadd.s32 v3, v7;
	v8 =	vld [tilespmem:s7+$0x0];
	v6 =	vor.u32 v5, v6  }
0x340: {  	v5 =	vor.u32 v5, v7;
	v9 =	vld [tilespmem:s7+$0x10];
	_ =	sdelay $0x1  }
0x341: {  	s13 =	sadd.s32 $0x3, s8  }
0x342: {  	v7 =	vmov s13  }
0x343: {  	[tilespmem:v6+s29+$0x0] =	vst.idx.msk $0xffff, v8;
	v6 =	vand.u32 $0x78, v7  }
0x344: {  	s12 =	sshrl.u32 s12, $0x5;
	v7 =	vand.u32 $0x7, v7;
	[tilespmem:v5+s29+$0x0] =	vst.idx.msk $0xffff, v9;
	v4 =	vadd.s32 v4, v6  }
0x345: {  	v5 =	vmov s12;
	v3 =	vadd.s32 v3, v6;
	v9 =	vld [tilespmem:s7+$0x20];
	v10 =	vor.u32 v7, v4  }
.Ltmp3:
0x346: {  	v4 =	vmul.u32 $0x1100, v5;
	v7 =	vor.u32 v7, v3;
	v5 =	vld [tilespmem:s7+$0x30];
	(pc) =	sbr.rel @p0 .LBB2_8-.Ltmp3, $4  }
0x347: {  	_ = 	snop  }
0x348: {  	s8 =	sadd.s32 $0x4, s8;
	v3 =	vbroadcast v4, $0x0  }
0x349: {  	v8 =	vmov s8  }
0x34a: {  	v6 =	vand.u32 $0x78, v8;
	v4 =	vadd.s32 v0, v3;
	v3 =	vadd.s32 v2, v3;
	[tilespmem:v10+s29+$0x0] =	vst.idx.msk $0xffff, v9  }
0x34b: {  	_ =	sdelay $0x3  }
0x34c: {  	v8 =	vand.u32 $0x4, v8;
	v9 =	vadd.s32 v6, v4;
	[tilespmem:v7+s29+$0x0] =	vst.idx.msk $0xffff, v5;
	s7 =	sadd.s32 $0x80, s7  }
0x34d: {  	v6 =	vadd.s32 v6, v3;
	v5 =	vld [tilespmem:s7+$0xFFFFFFC0];
	v7 =	vor.u32 v8, v9  }
0x34e: {  	v9 =	vld [tilespmem:s7+$0xFFFFFFD0];
	v6 =	vor.u32 v8, v6;
	_ =	sdelay $0x1  }
0x34f: {  	s9 =	sadd.s32 $0x1, s8  }
0x350: {  	v8 =	vmov s9  }
0x351: {  	[tilespmem:v7+s29+$0x0] =	vst.idx.msk $0xffff, v5;
	v5 =	vand.u32 $0x78, v8  }
0x352: {  	[tilespmem:v6+s29+$0x0] =	vst.idx.msk $0xffff, v9;
	v6 =	vand.u32 $0x5, v8;
	v7 =	vadd.s32 v4, v5  }
0x353: {  	v5 =	vadd.s32 v3, v5;
	v8 =	vld [tilespmem:s7+$0xFFFFFFE0];
	v7 =	vor.u32 v6, v7  }
0x354: {  	v9 =	vld [tilespmem:s7+$0xFFFFFFF0];
	v5 =	vor.u32 v6, v5;
	_ =	sdelay $0x1  }
0x355: {  	s22 =	sadd.s32 $0x2, s8  }
0x356: {  	v6 =	vmov s22  }
0x357: {  	[tilespmem:v7+s29+$0x0] =	vst.idx.msk $0xffff, v8;
	v7 =	vand.u32 $0x78, v6  }
0x358: {  	[tilespmem:v5+s29+$0x0] =	vst.idx.msk $0xffff, v9;
	v5 =	vand.u32 $0x6, v6;
	v6 =	vadd.s32 v4, v7  }
0x359: {  	v7 =	vadd.s32 v3, v7;
	v8 =	vld [tilespmem:s7+$0x0];
	v6 =	vor.u32 v5, v6  }
0x35a: {  	v9 =	vld [tilespmem:s7+$0x10];
	v5 =	vor.u32 v5, v7;
	_ =	sdelay $0x1  }
0x35b: {  	s23 =	sadd.s32 $0x3, s8  }
0x35c: {  	v7 =	vmov s23  }
0x35d: {  	[tilespmem:v6+s29+$0x0] =	vst.idx.msk $0xffff, v8;
	v6 =	vand.u32 $0x78, v7  }
0x35e: {  	[tilespmem:v5+s29+$0x0] =	vst.idx.msk $0xffff, v9;
	v5 =	vand.u32 $0x7, v7;
	v4 =	vadd.s32 v4, v6  }
0x35f: {  	v3 =	vadd.s32 v3, v6;
	v7 =	vld [tilespmem:s7+$0x20];
	v4 =	vor.u32 v5, v4  }
0x360: {  	v6 =	vld [tilespmem:s7+$0x30];
	v3 =	vor.u32 v5, v3;
	_ =	sdelay $0x3  }
0x361: {  	[tilespmem:v4+s29+$0x0] =	vst.idx.msk $0xffff, v7  }
0x362: {  	s9 =	rddreg [dreg:$0x6];
	s7 =	simm.s32 $0x0;
	[tilespmem:v3+s29+$0x0] =	vst.idx.msk $0xffff, v6  }
0x363: {  	[hbm4b:s9+s7] =	stream.linear.scatter [tilespmem:s29], [sflag:$0x3], $0x80, $0x38;
	[tilespmem:$0xD200] =	vst v63  }
0x364: {  	s12 =	simm.s32 $0x8E88;
	s24 =	sadd.s32 $0x10, s9  }
0x365: {  	[hbm4b:s24+s7] =	stream.linear.scatter [tilespmem:s12], [sflag:$0x3], $0x80, $0x38;
	[tilespmem:$0xD200] =	vst v63  }
0x366: {  	s26 =	simm.s32 $0x8F10;
	s25 =	sadd.s32 $0x20, s9  }
0x367: {  	[hbm4b:s25+s7] =	stream.linear.scatter [tilespmem:s26], [sflag:$0x3], $0x80, $0x38;
	[tilespmem:$0xD200] =	vst v63  }
0x368: {  	s1 =	simm.s32 $0x8F98;
	s0 =	sadd.s32 $0x30, s9  }
0x369: {  	[hbm4b:s0+s7] =	stream.linear.scatter [tilespmem:s1], [sflag:$0x3], $0x80, $0x38;
	[tilespmem:$0xD200] =	vst v63  }
0x36a: {  	s5 =	simm.s32 $0x9020;
	s2 =	sadd.s32 $0x40, s9  }
0x36b: {  	[hbm4b:s2+s7] =	stream.linear.scatter [tilespmem:s5], [sflag:$0x3], $0x80, $0x38;
	[tilespmem:$0xD200] =	vst v63  }
0x36c: {  	s6 =	sadd.s32 $0x50, s9;
	s1 =	simm.s32 $0x90A8  }
0x36d: {  	[hbm4b:s6+s7] =	stream.linear.scatter [tilespmem:s1], [sflag:$0x3], $0x80, $0x38;
	[tilespmem:$0xD200] =	vst v63  }
0x36e: {  	s12 =	sadd.s32 $0x60, s9;
	s0 =	simm.s32 $0x9130  }
0x36f: {  	[hbm4b:s12+s7] =	stream.linear.scatter [tilespmem:s0], [sflag:$0x3], $0x80, $0x38;
	[tilespmem:$0xD200] =	vst v63  }
0x370: {  	s16 =	simm.s32 $0x91B8;
	s13 =	sadd.s32 $0x70, s9  }
0x371: {  	[hbm4b:s13+s7] =	stream.linear.scatter [tilespmem:s16], [sflag:$0x3], $0x80, $0x38;
	[tilespmem:$0xD200] =	vst v63  }
0x372: {  	s20 =	simm.s32 $0x9F00;
	s19 =	sadd.s32 $0x80, s9  }
0x373: {  	[hbm4b:s19+s7] =	stream.linear.scatter [tilespmem:s20], [sflag:$0x3], $0x80, $0x38;
	[tilespmem:$0xD200] =	vst v63  }
0x374: {  	s21 =	sadd.s32 $0x90, s9;
	s22 =	simm.s32 $0x9F88  }
0x375: {  	[hbm4b:s21+s7] =	stream.linear.scatter [tilespmem:s22], [sflag:$0x3], $0x80, $0x38;
	[tilespmem:$0xD200] =	vst v63  }
0x376: {  	s23 =	sadd.s32 $0xA0, s9;
	s24 =	simm.s32 $0xA010  }
0x377: {  	[hbm4b:s23+s7] =	stream.linear.scatter [tilespmem:s24], [sflag:$0x3], $0x80, $0x38;
	[tilespmem:$0xD200] =	vst v63  }
0x378: {  	s25 =	sadd.s32 $0xB0, s9;
	s26 =	simm.s32 $0xA098  }
0x379: {  	[hbm4b:s25+s7] =	stream.linear.scatter [tilespmem:s26], [sflag:$0x3], $0x80, $0x38;
	[tilespmem:$0xD200] =	vst v63  }
0x37a: {  	s2 =	simm.s32 $0xA120;
	s1 =	sadd.s32 $0xC0, s9  }
0x37b: {  	[hbm4b:s1+s7] =	stream.linear.scatter [tilespmem:s2], [sflag:$0x3], $0x80, $0x38;
	[tilespmem:$0xD200] =	vst v63  }
0x37c: {  	s5 =	sadd.s32 $0xD0, s9;
	s6 =	simm.s32 $0xA1A8  }
0x37d: {  	[hbm4b:s5+s7] =	stream.linear.scatter [tilespmem:s6], [sflag:$0x3], $0x80, $0x38;
	[tilespmem:$0xD200] =	vst v63  }
0x37e: {  	s12 =	sadd.s32 $0xE0, s9;
	s13 =	simm.s32 $0xA230  }
0x37f: {  	[hbm4b:s12+s7] =	stream.linear.scatter [tilespmem:s13], [sflag:$0x3], $0x80, $0x38;
	[tilespmem:$0xD200] =	vst v63  }
0x380: {  	s16 =	sadd.s32 $0xF0, s9;
	s19 =	simm.s32 $0xA2B8  }
0x381: {  	[hbm4b:s16+s7] =	stream.linear.scatter [tilespmem:s19], [sflag:$0x3], $0x80, $0x38;
	[tilespmem:$0xD200] =	vst v63  }
0x382: {  	s9 =	rddreg [dreg:$0x7];
	s22 =	simm.s32 $0x9240  }
0x383: {  	[hbm4b:s9+s7] =	stream.linear.scatter [tilespmem:s22], [sflag:$0x3], $0x80, $0x38;
	[tilespmem:$0xD200] =	vst v63  }
0x384: {  	s20 =	sadd.s32 $0x10, s9;
	s24 =	simm.s32 $0x92C8  }
0x385: {  	[hbm4b:s20+s7] =	stream.linear.scatter [tilespmem:s24], [sflag:$0x3], $0x80, $0x38;
	[tilespmem:$0xD200] =	vst v63  }
0x386: {  	s21 =	sadd.s32 $0x20, s9;
	s26 =	simm.s32 $0x9350  }
0x387: {  	[hbm4b:s21+s7] =	stream.linear.scatter [tilespmem:s26], [sflag:$0x3], $0x80, $0x38;
	[tilespmem:$0xD200] =	vst v63  }
0x388: {  	s30 =	simm.s32 $0x93D8;
	s23 =	sadd.s32 $0x30, s9  }
0x389: {  	[hbm4b:s23+s7] =	stream.linear.scatter [tilespmem:s30], [sflag:$0x3], $0x80, $0x38;
	[tilespmem:$0xD200] =	vst v63  }
0x38a: {  	s31 =	simm.s32 $0x9460;
	s25 =	sadd.s32 $0x40, s9  }
0x38b: {  	[hbm4b:s25+s7] =	stream.linear.scatter [tilespmem:s31], [sflag:$0x3], $0x80, $0x38;
	[tilespmem:$0xD200] =	vst v63  }
0x38c: {  	s0 =	sadd.s32 $0x50, s9;
	s1 =	simm.s32 $0x94E8  }
0x38d: {  	[hbm4b:s0+s7] =	stream.linear.scatter [tilespmem:s1], [sflag:$0x3], $0x80, $0x38;
	[tilespmem:$0xD200] =	vst v63  }
0x38e: {  	s2 =	sadd.s32 $0x60, s9;
	s0 =	simm.s32 $0x9570  }
0x38f: {  	[hbm4b:s2+s7] =	stream.linear.scatter [tilespmem:s0], [sflag:$0x3], $0x80, $0x38;
	[tilespmem:$0xD200] =	vst v63  }
0x390: {  	s5 =	sadd.s32 $0x70, s9;
	s19 =	simm.s32 $0x95F8  }
0x391: {  	[hbm4b:s5+s7] =	stream.linear.scatter [tilespmem:s19], [sflag:$0x3], $0x80, $0x38;
	[tilespmem:$0xD200] =	vst v63  }
0x392: {  	s6 =	sadd.s32 $0x80, s9;
	s21 =	simm.s32 $0xA340  }
0x393: {  	[hbm4b:s6+s7] =	stream.linear.scatter [tilespmem:s21], [sflag:$0x3], $0x80, $0x38;
	[tilespmem:$0xD200] =	vst v63  }
0x394: {  	s12 =	sadd.s32 $0x90, s9;
	s23 =	simm.s32 $0xA3C8  }
0x395: {  	[hbm4b:s12+s7] =	stream.linear.scatter [tilespmem:s23], [sflag:$0x3], $0x80, $0x38;
	[tilespmem:$0xD200] =	vst v63  }
0x396: {  	s13 =	sadd.s32 $0xA0, s9;
	s25 =	simm.s32 $0xA450  }
0x397: {  	[hbm4b:s13+s7] =	stream.linear.scatter [tilespmem:s25], [sflag:$0x3], $0x80, $0x38;
	[tilespmem:$0xD200] =	vst v63  }
0x398: {  	s16 =	sadd.s32 $0xB0, s9;
	s5 =	simm.s32 $0xA4D8  }
0x399: {  	[hbm4b:s16+s7] =	stream.linear.scatter [tilespmem:s5], [sflag:$0x3], $0x80, $0x38;
	[tilespmem:$0xD200] =	vst v63  }
0x39a: {  	s20 =	sadd.s32 $0xC0, s9;
	s2 =	simm.s32 $0xA560  }
0x39b: {  	[hbm4b:s20+s7] =	stream.linear.scatter [tilespmem:s2], [sflag:$0x3], $0x80, $0x38;
	[tilespmem:$0xD200] =	vst v63  }
0x39c: {  	s6 =	simm.s32 $0xA5E8;
	s5 =	sadd.s32 $0xD0, s9  }
0x39d: {  	[hbm4b:s5+s7] =	stream.linear.scatter [tilespmem:s6], [sflag:$0x3], $0x80, $0x38;
	[tilespmem:$0xD200] =	vst v63  }
0x39e: {  	s12 =	sadd.s32 $0xE0, s9;
	s13 =	simm.s32 $0xA670  }
0x39f: {  	[hbm4b:s12+s7] =	stream.linear.scatter [tilespmem:s13], [sflag:$0x3], $0x80, $0x38;
	[tilespmem:$0xD200] =	vst v63  }
0x3a0: {  	s16 =	sadd.s32 $0xF0, s9;
	s20 =	simm.s32 $0xA6F8  }
0x3a1: {  	[hbm4b:s16+s7] =	stream.linear.scatter [tilespmem:s20], [sflag:$0x3], $0x80, $0x38;
	[tilespmem:$0xD200] =	vst v63  }
0x3a2: {  	s9 =	rddreg [dreg:$0x8];
	s2 =	simm.s32 $0x9680  }
0x3a3: {  	[hbm4b:s9+s7] =	stream.linear.scatter [tilespmem:s2], [sflag:$0x3], $0x80, $0x38;
	[tilespmem:$0xD200] =	vst v63  }
0x3a4: {  	s6 =	sadd.s32 $0x10, s9;
	s12 =	simm.s32 $0x9708  }
0x3a5: {  	[hbm4b:s6+s7] =	stream.linear.scatter [tilespmem:s12], [sflag:$0x3], $0x80, $0x38;
	[tilespmem:$0xD200] =	vst v63  }
0x3a6: {  	s13 =	sadd.s32 $0x20, s9;
	s16 =	simm.s32 $0x9790  }
0x3a7: {  	[hbm4b:s13+s7] =	stream.linear.scatter [tilespmem:s16], [sflag:$0x3], $0x80, $0x38;
	[tilespmem:$0xD200] =	vst v63  }
0x3a8: {  	s20 =	sadd.s32 $0x30, s9;
	s2 =	simm.s32 $0x9818  }
0x3a9: {  	[hbm4b:s20+s7] =	stream.linear.scatter [tilespmem:s2], [sflag:$0x3], $0x80, $0x38;
	[tilespmem:$0xD200] =	vst v63  }
0x3aa: {  	s6 =	sadd.s32 $0x40, s9;
	s12 =	simm.s32 $0x98A0  }
0x3ab: {  	[hbm4b:s6+s7] =	stream.linear.scatter [tilespmem:s12], [sflag:$0x3], $0x80, $0x38;
	[tilespmem:$0xD200] =	vst v63  }
0x3ac: {  	s13 =	sadd.s32 $0x50, s9;
	s16 =	simm.s32 $0x9928  }
0x3ad: {  	[hbm4b:s13+s7] =	stream.linear.scatter [tilespmem:s16], [sflag:$0x3], $0x80, $0x38;
	[tilespmem:$0xD200] =	vst v63  }
0x3ae: {  	s20 =	sadd.s32 $0x60, s9;
	s2 =	simm.s32 $0x99B0  }
0x3af: {  	[hbm4b:s20+s7] =	stream.linear.scatter [tilespmem:s2], [sflag:$0x3], $0x80, $0x38;
	[tilespmem:$0xD200] =	vst v63  }
0x3b0: {  	s6 =	sadd.s32 $0x70, s9;
	s12 =	simm.s32 $0x9A38  }
0x3b1: {  	[hbm4b:s6+s7] =	stream.linear.scatter [tilespmem:s12], [sflag:$0x3], $0x80, $0x38;
	[tilespmem:$0xD200] =	vst v63  }
0x3b2: {  	s13 =	sadd.s32 $0x80, s9;
	s16 =	simm.s32 $0xA780  }
0x3b3: {  	[hbm4b:s13+s7] =	stream.linear.scatter [tilespmem:s16], [sflag:$0x3], $0x80, $0x38;
	[tilespmem:$0xD200] =	vst v63  }
0x3b4: {  	s20 =	sadd.s32 $0x90, s9;
	s2 =	simm.s32 $0xA808  }
0x3b5: {  	[hbm4b:s20+s7] =	stream.linear.scatter [tilespmem:s2], [sflag:$0x3], $0x80, $0x38;
	[tilespmem:$0xD200] =	vst v63  }
0x3b6: {  	s6 =	sadd.s32 $0xA0, s9;
	s12 =	simm.s32 $0xA890  }
0x3b7: {  	[hbm4b:s6+s7] =	stream.linear.scatter [tilespmem:s12], [sflag:$0x3], $0x80, $0x38;
	[tilespmem:$0xD200] =	vst v63  }
0x3b8: {  	s13 =	sadd.s32 $0xB0, s9;
	s16 =	simm.s32 $0xA918  }
0x3b9: {  	[hbm4b:s13+s7] =	stream.linear.scatter [tilespmem:s16], [sflag:$0x3], $0x80, $0x38;
	[tilespmem:$0xD200] =	vst v63  }
0x3ba: {  	s20 =	sadd.s32 $0xC0, s9;
	s2 =	simm.s32 $0xA9A0  }
0x3bb: {  	[hbm4b:s20+s7] =	stream.linear.scatter [tilespmem:s2], [sflag:$0x3], $0x80, $0x38;
	[tilespmem:$0xD200] =	vst v63  }
0x3bc: {  	s5 =	sadd.s32 $0xD0, s9;
	s6 =	simm.s32 $0xAA28  }
0x3bd: {  	[hbm4b:s5+s7] =	stream.linear.scatter [tilespmem:s6], [sflag:$0x3], $0x80, $0x38;
	[tilespmem:$0xD200] =	vst v63  }
0x3be: {  	s12 =	sadd.s32 $0xE0, s9;
	s13 =	simm.s32 $0xAAB0  }
0x3bf: {  	[hbm4b:s12+s7] =	stream.linear.scatter [tilespmem:s13], [sflag:$0x3], $0x80, $0x38;
	[tilespmem:$0xD200] =	vst v63  }
0x3c0: {  	s16 =	sadd.s32 $0xF0, s9;
	s20 =	simm.s32 $0xAB38  }
0x3c1: {  	[hbm4b:s16+s7] =	stream.linear.scatter [tilespmem:s20], [sflag:$0x3], $0x80, $0x38;
	[tilespmem:$0xD200] =	vst v63  }
0x3c2: {  	s9 =	rddreg [dreg:$0x9];
	s2 =	simm.s32 $0x9AC0  }
0x3c3: {  	[hbm4b:s9+s7] =	stream.linear.scatter [tilespmem:s2], [sflag:$0x3], $0x80, $0x38;
	[tilespmem:$0xD200] =	vst v63  }
0x3c4: {  	s6 =	sadd.s32 $0x10, s9;
	s12 =	simm.s32 $0x9B48  }
0x3c5: {  	[hbm4b:s6+s7] =	stream.linear.scatter [tilespmem:s12], [sflag:$0x3], $0x80, $0x38;
	[tilespmem:$0xD200] =	vst v63  }
0x3c6: {  	s13 =	sadd.s32 $0x20, s9;
	s16 =	simm.s32 $0x9BD0  }
0x3c7: {  	[hbm4b:s13+s7] =	stream.linear.scatter [tilespmem:s16], [sflag:$0x3], $0x80, $0x38;
	[tilespmem:$0xD200] =	vst v63  }
0x3c8: {  	s20 =	sadd.s32 $0x30, s9;
	s2 =	simm.s32 $0x9C58  }
0x3c9: {  	[hbm4b:s20+s7] =	stream.linear.scatter [tilespmem:s2], [sflag:$0x3], $0x80, $0x38;
	[tilespmem:$0xD200] =	vst v63  }
0x3ca: {  	s6 =	sadd.s32 $0x40, s9;
	s12 =	simm.s32 $0x9CE0  }
0x3cb: {  	[hbm4b:s6+s7] =	stream.linear.scatter [tilespmem:s12], [sflag:$0x3], $0x80, $0x38;
	[tilespmem:$0xD200] =	vst v63  }
0x3cc: {  	s13 =	sadd.s32 $0x50, s9;
	s16 =	simm.s32 $0x9D68  }
0x3cd: {  	[hbm4b:s13+s7] =	stream.linear.scatter [tilespmem:s16], [sflag:$0x3], $0x80, $0x38;
	[tilespmem:$0xD200] =	vst v63  }
0x3ce: {  	s20 =	sadd.s32 $0x60, s9;
	s2 =	simm.s32 $0x9DF0  }
0x3cf: {  	[hbm4b:s20+s7] =	stream.linear.scatter [tilespmem:s2], [sflag:$0x3], $0x80, $0x38;
	[tilespmem:$0xD200] =	vst v63  }
0x3d0: {  	s6 =	sadd.s32 $0x70, s9;
	s12 =	simm.s32 $0x9E78  }
0x3d1: {  	[hbm4b:s6+s7] =	stream.linear.scatter [tilespmem:s12], [sflag:$0x3], $0x80, $0x38;
	[tilespmem:$0xD200] =	vst v63  }
0x3d2: {  	s13 =	sadd.s32 $0x80, s9;
	s16 =	simm.s32 $0xABC0  }
0x3d3: {  	[hbm4b:s13+s7] =	stream.linear.scatter [tilespmem:s16], [sflag:$0x3], $0x80, $0x38;
	[tilespmem:$0xD200] =	vst v63  }
0x3d4: {  	s20 =	sadd.s32 $0x90, s9;
	s2 =	simm.s32 $0xAC48  }
0x3d5: {  	[hbm4b:s20+s7] =	stream.linear.scatter [tilespmem:s2], [sflag:$0x3], $0x80, $0x38;
	[tilespmem:$0xD200] =	vst v63  }
0x3d6: {  	s6 =	sadd.s32 $0xA0, s9;
	s12 =	simm.s32 $0xACD0  }
0x3d7: {  	[hbm4b:s6+s7] =	stream.linear.scatter [tilespmem:s12], [sflag:$0x3], $0x80, $0x38;
	[tilespmem:$0xD200] =	vst v63  }
0x3d8: {  	s13 =	sadd.s32 $0xB0, s9;
	s16 =	simm.s32 $0xAD58  }
0x3d9: {  	[hbm4b:s13+s7] =	stream.linear.scatter [tilespmem:s16], [sflag:$0x3], $0x80, $0x38;
	[tilespmem:$0xD200] =	vst v63  }
0x3da: {  	s20 =	sadd.s32 $0xC0, s9;
	s2 =	simm.s32 $0xADE0  }
0x3db: {  	[hbm4b:s20+s7] =	stream.linear.scatter [tilespmem:s2], [sflag:$0x3], $0x80, $0x38;
	[tilespmem:$0xD200] =	vst v63  }
0x3dc: {  	s6 =	sadd.s32 $0xD0, s9;
	s12 =	simm.s32 $0xAE68  }
0x3dd: {  	[hbm4b:s6+s7] =	stream.linear.scatter [tilespmem:s12], [sflag:$0x3], $0x80, $0x38;
	[tilespmem:$0xD200] =	vst v63  }
0x3de: {  	s13 =	sadd.s32 $0xE0, s9;
	s16 =	simm.s32 $0xAEF0  }
0x3df: {  	[hbm4b:s13+s7] =	stream.linear.scatter [tilespmem:s16], [sflag:$0x3], $0x80, $0x38;
	[tilespmem:$0xD200] =	vst v63  }
0x3e0: {  	s20 =	sadd.s32 $0xF0, s9;
	s2 =	simm.s32 $0xAF78  }
0x3e1: {  	[hbm4b:s20+s7] =	stream.linear.scatter [tilespmem:s2], [sflag:$0x3], $0x80, $0x38;
	[tilespmem:$0xD200] =	vst v63  }
0x3e2: {  	_ =	swait.ge [sflag:s10], $0x1000  }
0x3e3: {  	[sflag:s10] =	ssyncset.done $0x0  }
0x3e4: {  	[sflag:s10] =	ssyncadd.s32 $0xFFFFF000  }
0x3e5: {  	_ =	swait.ge [sflag:s10], $0x1000  }
0x3e6: {  	[sflag:s10] =	ssyncset.done $0x0  }
0x3e7: {  	s16 =	simm.s32 $0x4;
	[sflag:s10] =	ssyncadd.s32 $0xFFFFF000  }
0x3e8: {  	_ =	swait.ge [sflag:s16], $0x800  }
0x3e9: {  	[sflag:s16] =	ssyncset.done $0x0  }
0x3ea: {  	[sflag:s16] =	ssyncadd.s32 $0xFFFFF800  }
0x3eb: {  	_ =	swait.ge [sflag:s16], $0x800  }
0x3ec: {  	s6 =	simm.s32 $0x0;
	[sflag:s16] =	ssyncset.done $0x0  }
0x3ed: {  	v3 =	vmov s6;
	[sflag:s16] =	ssyncadd.s32 $0xFFFFF800  }
0x3ee: {  	v3 =	vmul.u32 $0x1100, v3;
	_ =	swait.ge [sflag:s16], $0x800  }
0x3ef: {  	[sflag:s16] =	ssyncset.done $0x0  }
0x3f0: {  	v3 =	vbroadcast v3, $0x0;
	[sflag:s16] =	ssyncadd.s32 $0xFFFFF800  }
0x3f1: {  	v4 =	vmov s7;
	_ =	swait.ge [sflag:s16], $0x800  }
0x3f2: {  	v5 =	vand.u32 $0x78, v4;
	v6 =	vadd.s32 v0, v3;
	[sflag:s16] =	ssyncset.done $0x0  }
0x3f3: {  	v4 =	vand.u32 $0x4, v4;
	s7 =	simm.s32 $0x6E40;
	v3 =	vadd.s32 v2, v3;
	v7 =	vadd.s32 v5, v6;
	[sflag:s16] =	ssyncadd.s32 $0xFFFFF800  }
0x3f4: {  	v5 =	vadd.s32 v5, v3;
	v7 =	vor.u32 v4, v7;
	v8 =	vld [tilespmem:s7+$0xFFFFFFC0]  }
0x3f5: {  	v4 =	vor.u32 v4, v5;
	v9 =	vld [tilespmem:s7+$0xFFFFFFD0];
	_ =	sdelay $0x1  }
0x3f6: {  	s9 =	simm.s32 $0x1  }
0x3f7: {  	v5 =	vmov s9  }
0x3f8: {  	[tilespmem:v7+s11+$0x0] =	vst.idx.msk $0xffff, v8;
	v7 =	vand.u32 $0x78, v5  }
0x3f9: {  	[tilespmem:v4+s11+$0x0] =	vst.idx.msk $0xffff, v9;
	v4 =	vand.u32 $0x5, v5;
	v5 =	vadd.s32 v6, v7  }
0x3fa: {  	v7 =	vadd.s32 v3, v7;
	v8 =	vld [tilespmem:s7+$0xFFFFFFE0];
	v5 =	vor.u32 v4, v5  }
0x3fb: {  	v9 =	vld [tilespmem:s7+$0xFFFFFFF0];
	v4 =	vor.u32 v4, v7;
	_ =	sdelay $0x1  }
0x3fc: {  	s12 =	simm.s32 $0x2  }
0x3fd: {  	v7 =	vmov s12  }
0x3fe: {  	[tilespmem:v5+s11+$0x0] =	vst.idx.msk $0xffff, v8;
	v5 =	vand.u32 $0x78, v7  }
0x3ff: {  	[tilespmem:v4+s11+$0x0] =	vst.idx.msk $0xffff, v9;
	v4 =	vand.u32 $0x6, v7;
	v7 =	vadd.s32 v6, v5  }
0x400: {  	v5 =	vadd.s32 v3, v5;
	v8 =	vld [tilespmem:s7+$0x0];
	v7 =	vor.u32 v4, v7  }
0x401: {  	v9 =	vld [tilespmem:s7+$0x10];
	v4 =	vor.u32 v4, v5;
	_ =	sdelay $0x1  }
0x402: {  	s13 =	simm.s32 $0x3  }
0x403: {  	v5 =	vmov s13  }
0x404: {  	s20 =	simm.s32 $0x0;
	[tilespmem:v7+s11+$0x0] =	vst.idx.msk $0xffff, v8;
	v7 =	vand.u32 $0x78, v5  }
0x405: {  	[tilespmem:v4+s11+$0x0] =	vst.idx.msk $0xffff, v9;
	v4 =	vand.u32 $0x7, v5;
	v5 =	vadd.s32 v6, v7;
	v6 =	vmov s20  }
0x406: {  	v9 =	vld [tilespmem:s7+$0x20];
	v10 =	vor.u32 v4, v5;
	v5 =	vmul.u32 $0x1100, v6  }
0x407: {  	v3 =	vadd.s32 v3, v7  }
0x408: {  	v7 =	vor.u32 v4, v3;
	v11 =	vbroadcast v5, $0x0;
	v5 =	vld [tilespmem:s7+$0x30]  }
0x409: {  	s8 =	simm.s32 $0x4  }
0x40a: {  	v8 =	vmov s8  }
0x40b: {  	s6 =	simm.s32 $0xB088;
	s9 =	simm.s32 $0x2;
	v6 =	vand.u32 $0x78, v8;
	v4 =	vadd.s32 v0, v11;
	v3 =	vadd.s32 v2, v11;
	[tilespmem:v10+s11+$0x0] =	vst.idx.msk $0xffff, v9  }
.LBB2_10:
0x40c: {  	p0 =	sne.s32 s9, $0x3F  }
0x40d: {  	v8 =	vand.u32 $0x4, v8;
	v9 =	vadd.s32 v6, v4;
	[tilespmem:v7+s11+$0x0] =	vst.idx.msk $0xffff, v5;
	s7 =	sadd.s32 $0x80, s7;
	s12 =	smov.u32 s9;
	s9 =	sadd.s32 $0x1, s9  }
0x40e: {  	v6 =	vadd.s32 v6, v3;
	v5 =	vld [tilespmem:s7+$0xFFFFFFC0];
	v7 =	vor.u32 v8, v9  }
0x40f: {  	v6 =	vor.u32 v8, v6;
	v9 =	vld [tilespmem:s7+$0xFFFFFFD0];
	_ =	sdelay $0x1  }
0x410: {  	s13 =	sadd.s32 $0x1, s8  }
0x411: {  	v8 =	vmov s13  }
0x412: {  	[tilespmem:v7+s11+$0x0] =	vst.idx.msk $0xffff, v5;
	v5 =	vand.u32 $0x78, v8  }
0x413: {  	[tilespmem:v6+s11+$0x0] =	vst.idx.msk $0xffff, v9;
	v6 =	vand.u32 $0x5, v8;
	v7 =	vadd.s32 v4, v5  }
0x414: {  	v5 =	vadd.s32 v3, v5;
	v8 =	vld [tilespmem:s7+$0xFFFFFFE0];
	v7 =	vor.u32 v6, v7  }
0x415: {  	v5 =	vor.u32 v6, v5;
	v9 =	vld [tilespmem:s7+$0xFFFFFFF0];
	_ =	sdelay $0x1  }
0x416: {  	s13 =	sadd.s32 $0x2, s8  }
0x417: {  	v6 =	vmov s13  }
0x418: {  	[tilespmem:v7+s11+$0x0] =	vst.idx.msk $0xffff, v8;
	v7 =	vand.u32 $0x78, v6  }
0x419: {  	[tilespmem:v5+s11+$0x0] =	vst.idx.msk $0xffff, v9;
	v5 =	vand.u32 $0x6, v6;
	v6 =	vadd.s32 v4, v7  }
0x41a: {  	v7 =	vadd.s32 v3, v7;
	v8 =	vld [tilespmem:s7+$0x0];
	v6 =	vor.u32 v5, v6  }
0x41b: {  	v5 =	vor.u32 v5, v7;
	v9 =	vld [tilespmem:s7+$0x10];
	_ =	sdelay $0x1  }
0x41c: {  	s13 =	sadd.s32 $0x3, s8  }
0x41d: {  	v7 =	vmov s13  }
0x41e: {  	[tilespmem:v6+s11+$0x0] =	vst.idx.msk $0xffff, v8;
	v6 =	vand.u32 $0x78, v7  }
0x41f: {  	s12 =	sshrl.u32 s12, $0x5;
	v7 =	vand.u32 $0x7, v7;
	[tilespmem:v5+s11+$0x0] =	vst.idx.msk $0xffff, v9;
	v4 =	vadd.s32 v4, v6  }
0x420: {  	v5 =	vmov s12;
	v3 =	vadd.s32 v3, v6;
	v9 =	vld [tilespmem:s7+$0x20];
	v10 =	vor.u32 v7, v4  }
.Ltmp4:
0x421: {  	v4 =	vmul.u32 $0x1100, v5;
	v7 =	vor.u32 v7, v3;
	v5 =	vld [tilespmem:s7+$0x30];
	(pc) =	sbr.rel @p0 .LBB2_10-.Ltmp4, $4  }
0x422: {  	_ = 	snop  }
0x423: {  	s8 =	sadd.s32 $0x4, s8;
	v3 =	vbroadcast v4, $0x0  }
0x424: {  	v8 =	vmov s8  }
0x425: {  	v6 =	vand.u32 $0x78, v8;
	v4 =	vadd.s32 v0, v3;
	v3 =	vadd.s32 v2, v3;
	[tilespmem:v10+s11+$0x0] =	vst.idx.msk $0xffff, v9  }
0x426: {  	_ =	sdelay $0x3  }
0x427: {  	v8 =	vand.u32 $0x4, v8;
	v9 =	vadd.s32 v6, v4;
	[tilespmem:v7+s11+$0x0] =	vst.idx.msk $0xffff, v5;
	s7 =	sadd.s32 $0x80, s7  }
0x428: {  	v47 =	vadd.s32 v6, v3;
	v5 =	vld [tilespmem:s7+$0xFFFFFFC0];
	v46 =	vor.u32 v8, v9  }
0x429: {  	v48 =	vld [tilespmem:s7+$0xFFFFFFD0];
	v6 =	vor.u32 v8, v47;
	_ =	sdelay $0x1  }
0x42a: {  	s9 =	sadd.s32 $0x1, s8  }
0x42b: {  	v49 =	vmov s9  }
0x42c: {  	v50 =	vand.u32 $0x78, v49;
	[tilespmem:v46+s11+$0x0] =	vst.idx.msk $0xffff, v5  }
0x42d: {  	v51 =	vand.u32 $0x5, v49;
	v52 =	vadd.s32 v4, v50;
	[tilespmem:v6+s11+$0x0] =	vst.idx.msk $0xffff, v48  }
0x42e: {  	v7 =	vor.u32 v51, v52;
	v5 =	vadd.s32 v3, v50;
	v53 =	vld [tilespmem:s7+$0xFFFFFFE0]  }
0x42f: {  	v5 =	vor.u32 v51, v5;
	v9 =	vld [tilespmem:s7+$0xFFFFFFF0];
	_ =	sdelay $0x1  }
0x430: {  	s5 =	sadd.s32 $0x2, s8  }
0x431: {  	v54 =	vmov s5  }
0x432: {  	v55 =	vand.u32 $0x78, v54;
	[tilespmem:v7+s11+$0x0] =	vst.idx.msk $0xffff, v53  }
0x433: {  	v56 =	vand.u32 $0x6, v54;
	v57 =	vadd.s32 v4, v55;
	[tilespmem:v5+s11+$0x0] =	vst.idx.msk $0xffff, v9  }
0x434: {  	v6 =	vor.u32 v56, v57;
	v7 =	vadd.s32 v3, v55;
	v8 =	vld [tilespmem:s7+$0x0]  }
0x435: {  	v5 =	vor.u32 v56, v7;
	v9 =	vld [tilespmem:s7+$0x10];
	_ =	sdelay $0x1  }
0x436: {  	s9 =	sadd.s32 $0x3, s8  }
0x437: {  	v58 =	vmov s9  }
0x438: {  	v59 =	vand.u32 $0x78, v58;
	[tilespmem:v6+s11+$0x0] =	vst.idx.msk $0xffff, v8  }
0x439: {  	v60 =	vand.u32 $0x7, v58;
	v61 =	vadd.s32 v4, v59;
	[tilespmem:v5+s11+$0x0] =	vst.idx.msk $0xffff, v9  }
0x43a: {  	v4 =	vor.u32 v60, v61;
	v3 =	vadd.s32 v3, v59;
	v62 =	vld [tilespmem:s7+$0x20]  }
0x43b: {  	v3 =	vor.u32 v60, v3;
	v63 =	vld [tilespmem:s7+$0x30];
	_ =	sdelay $0x3  }
0x43c: {  	[tilespmem:v4+s11+$0x0] =	vst.idx.msk $0xffff, v62  }
0x43d: {  	s8 =	rddreg [dreg:$0xa];
	[tilespmem:v3+s11+$0x0] =	vst.idx.msk $0xffff, v63  }
0x43e: {  	[hbm4b:s8+s3] =	stream.linear.scatter [tilespmem:s11], [sflag:$0x4], $0x80, $0x38;
	[tilespmem:$0xD200] =	vst v63  }
0x43f: {  	s12 =	sadd.s32 $0x10, s8  }
0x440: {  	[hbm4b:s12+s3] =	stream.linear.scatter [tilespmem:s6], [sflag:$0x4], $0x80, $0x38;
	[tilespmem:$0xD200] =	vst v63  }
0x441: {  	s20 =	simm.s32 $0xB110;
	s13 =	sadd.s32 $0x20, s8  }
0x442: {  	[hbm4b:s13+s3] =	stream.linear.scatter [tilespmem:s20], [sflag:$0x4], $0x80, $0x38;
	[tilespmem:$0xD200] =	vst v63  }
0x443: {  	s5 =	simm.s32 $0xB198;
	s2 =	sadd.s32 $0x30, s8  }
0x444: {  	[hbm4b:s2+s3] =	stream.linear.scatter [tilespmem:s5], [sflag:$0x4], $0x80, $0x38;
	[tilespmem:$0xD200] =	vst v63  }
0x445: {  	s9 =	sadd.s32 $0x40, s8;
	s12 =	simm.s32 $0xB220  }
0x446: {  	[hbm4b:s9+s3] =	stream.linear.scatter [tilespmem:s12], [sflag:$0x4], $0x80, $0x38;
	[tilespmem:$0xD200] =	vst v63  }
0x447: {  	s13 =	sadd.s32 $0x50, s8;
	s20 =	simm.s32 $0xB2A8  }
0x448: {  	[hbm4b:s13+s3] =	stream.linear.scatter [tilespmem:s20], [sflag:$0x4], $0x80, $0x38;
	[tilespmem:$0xD200] =	vst v63  }
0x449: {  	s2 =	sadd.s32 $0x60, s8;
	s5 =	simm.s32 $0xB330  }
0x44a: {  	[hbm4b:s2+s3] =	stream.linear.scatter [tilespmem:s5], [sflag:$0x4], $0x80, $0x38;
	[tilespmem:$0xD200] =	vst v63  }
0x44b: {  	s9 =	sadd.s32 $0x70, s8;
	s12 =	simm.s32 $0xB3B8  }
0x44c: {  	[hbm4b:s9+s3] =	stream.linear.scatter [tilespmem:s12], [sflag:$0x4], $0x80, $0x38;
	[tilespmem:$0xD200] =	vst v63  }
0x44d: {  	s13 =	sadd.s32 $0x80, s8;
	s20 =	simm.s32 $0xC100  }
0x44e: {  	[hbm4b:s13+s3] =	stream.linear.scatter [tilespmem:s20], [sflag:$0x4], $0x80, $0x38;
	[tilespmem:$0xD200] =	vst v63  }
0x44f: {  	s2 =	sadd.s32 $0x90, s8;
	s5 =	simm.s32 $0xC188  }
0x450: {  	[hbm4b:s2+s3] =	stream.linear.scatter [tilespmem:s5], [sflag:$0x4], $0x80, $0x38;
	[tilespmem:$0xD200] =	vst v63  }
0x451: {  	s9 =	sadd.s32 $0xA0, s8;
	s12 =	simm.s32 $0xC210  }
0x452: {  	[hbm4b:s9+s3] =	stream.linear.scatter [tilespmem:s12], [sflag:$0x4], $0x80, $0x38;
	[tilespmem:$0xD200] =	vst v63  }
0x453: {  	s13 =	sadd.s32 $0xB0, s8;
	s20 =	simm.s32 $0xC298  }
0x454: {  	[hbm4b:s13+s3] =	stream.linear.scatter [tilespmem:s20], [sflag:$0x4], $0x80, $0x38;
	[tilespmem:$0xD200] =	vst v63  }
0x455: {  	s2 =	sadd.s32 $0xC0, s8;
	s5 =	simm.s32 $0xC320  }
0x456: {  	[hbm4b:s2+s3] =	stream.linear.scatter [tilespmem:s5], [sflag:$0x4], $0x80, $0x38;
	[tilespmem:$0xD200] =	vst v63  }
0x457: {  	s9 =	sadd.s32 $0xD0, s8;
	s12 =	simm.s32 $0xC3A8  }
0x458: {  	[hbm4b:s9+s3] =	stream.linear.scatter [tilespmem:s12], [sflag:$0x4], $0x80, $0x38;
	[tilespmem:$0xD200] =	vst v63  }
0x459: {  	s13 =	sadd.s32 $0xE0, s8;
	s20 =	simm.s32 $0xC430  }
0x45a: {  	[hbm4b:s13+s3] =	stream.linear.scatter [tilespmem:s20], [sflag:$0x4], $0x80, $0x38;
	[tilespmem:$0xD200] =	vst v63  }
0x45b: {  	s2 =	sadd.s32 $0xF0, s8;
	s5 =	simm.s32 $0xC4B8  }
0x45c: {  	[hbm4b:s2+s3] =	stream.linear.scatter [tilespmem:s5], [sflag:$0x4], $0x80, $0x38;
	[tilespmem:$0xD200] =	vst v63  }
0x45d: {  	s7 =	simm.s32 $0xB440;
	s8 =	rddreg [dreg:$0xb]  }
0x45e: {  	[hbm4b:s8+s3] =	stream.linear.scatter [tilespmem:s7], [sflag:$0x4], $0x80, $0x38;
	[tilespmem:$0xD200] =	vst v63  }
0x45f: {  	s9 =	sadd.s32 $0x10, s8;
	s12 =	simm.s32 $0xB4C8  }
0x460: {  	[hbm4b:s9+s3] =	stream.linear.scatter [tilespmem:s12], [sflag:$0x4], $0x80, $0x38;
	[tilespmem:$0xD200] =	vst v63  }
0x461: {  	s13 =	sadd.s32 $0x20, s8;
	s20 =	simm.s32 $0xB550  }
0x462: {  	[hbm4b:s13+s3] =	stream.linear.scatter [tilespmem:s20], [sflag:$0x4], $0x80, $0x38;
	[tilespmem:$0xD200] =	vst v63  }
0x463: {  	s2 =	sadd.s32 $0x30, s8;
	s5 =	simm.s32 $0xB5D8  }
0x464: {  	[hbm4b:s2+s3] =	stream.linear.scatter [tilespmem:s5], [sflag:$0x4], $0x80, $0x38;
	[tilespmem:$0xD200] =	vst v63  }
0x465: {  	s9 =	sadd.s32 $0x40, s8;
	s12 =	simm.s32 $0xB660  }
0x466: {  	[hbm4b:s9+s3] =	stream.linear.scatter [tilespmem:s12], [sflag:$0x4], $0x80, $0x38;
	[tilespmem:$0xD200] =	vst v63  }
0x467: {  	s13 =	sadd.s32 $0x50, s8;
	s20 =	simm.s32 $0xB6E8  }
0x468: {  	[hbm4b:s13+s3] =	stream.linear.scatter [tilespmem:s20], [sflag:$0x4], $0x80, $0x38;
	[tilespmem:$0xD200] =	vst v63  }
0x469: {  	s2 =	sadd.s32 $0x60, s8;
	s5 =	simm.s32 $0xB770  }
0x46a: {  	[hbm4b:s2+s3] =	stream.linear.scatter [tilespmem:s5], [sflag:$0x4], $0x80, $0x38;
	[tilespmem:$0xD200] =	vst v63  }
0x46b: {  	s9 =	sadd.s32 $0x70, s8;
	s12 =	simm.s32 $0xB7F8  }
0x46c: {  	[hbm4b:s9+s3] =	stream.linear.scatter [tilespmem:s12], [sflag:$0x4], $0x80, $0x38;
	[tilespmem:$0xD200] =	vst v63  }
0x46d: {  	s13 =	sadd.s32 $0x80, s8;
	s20 =	simm.s32 $0xC540  }
0x46e: {  	[hbm4b:s13+s3] =	stream.linear.scatter [tilespmem:s20], [sflag:$0x4], $0x80, $0x38;
	[tilespmem:$0xD200] =	vst v63  }
0x46f: {  	s2 =	sadd.s32 $0x90, s8;
	s5 =	simm.s32 $0xC5C8  }
0x470: {  	[hbm4b:s2+s3] =	stream.linear.scatter [tilespmem:s5], [sflag:$0x4], $0x80, $0x38;
	[tilespmem:$0xD200] =	vst v63  }
0x471: {  	s9 =	sadd.s32 $0xA0, s8;
	s12 =	simm.s32 $0xC650  }
0x472: {  	[hbm4b:s9+s3] =	stream.linear.scatter [tilespmem:s12], [sflag:$0x4], $0x80, $0x38;
	[tilespmem:$0xD200] =	vst v63  }
0x473: {  	s13 =	sadd.s32 $0xB0, s8;
	s20 =	simm.s32 $0xC6D8  }
0x474: {  	[hbm4b:s13+s3] =	stream.linear.scatter [tilespmem:s20], [sflag:$0x4], $0x80, $0x38;
	[tilespmem:$0xD200] =	vst v63  }
0x475: {  	s2 =	sadd.s32 $0xC0, s8;
	s5 =	simm.s32 $0xC760  }
0x476: {  	[hbm4b:s2+s3] =	stream.linear.scatter [tilespmem:s5], [sflag:$0x4], $0x80, $0x38;
	[tilespmem:$0xD200] =	vst v63  }
0x477: {  	s9 =	sadd.s32 $0xD0, s8;
	s12 =	simm.s32 $0xC7E8  }
0x478: {  	[hbm4b:s9+s3] =	stream.linear.scatter [tilespmem:s12], [sflag:$0x4], $0x80, $0x38;
	[tilespmem:$0xD200] =	vst v63  }
0x479: {  	s13 =	sadd.s32 $0xE0, s8;
	s20 =	simm.s32 $0xC870  }
0x47a: {  	[hbm4b:s13+s3] =	stream.linear.scatter [tilespmem:s20], [sflag:$0x4], $0x80, $0x38;
	[tilespmem:$0xD200] =	vst v63  }
0x47b: {  	s2 =	sadd.s32 $0xF0, s8;
	s5 =	simm.s32 $0xC8F8  }
0x47c: {  	[hbm4b:s2+s3] =	stream.linear.scatter [tilespmem:s5], [sflag:$0x4], $0x80, $0x38;
	[tilespmem:$0xD200] =	vst v63  }
0x47d: {  	s7 =	simm.s32 $0xB880;
	s8 =	rddreg [dreg:$0xc]  }
0x47e: {  	[hbm4b:s8+s3] =	stream.linear.scatter [tilespmem:s7], [sflag:$0x4], $0x80, $0x38;
	[tilespmem:$0xD200] =	vst v63  }
0x47f: {  	s9 =	sadd.s32 $0x10, s8;
	s12 =	simm.s32 $0xB908  }
0x480: {  	[hbm4b:s9+s3] =	stream.linear.scatter [tilespmem:s12], [sflag:$0x4], $0x80, $0x38;
	[tilespmem:$0xD200] =	vst v63  }
0x481: {  	s13 =	sadd.s32 $0x20, s8;
	s20 =	simm.s32 $0xB990  }
0x482: {  	[hbm4b:s13+s3] =	stream.linear.scatter [tilespmem:s20], [sflag:$0x4], $0x80, $0x38;
	[tilespmem:$0xD200] =	vst v63  }
0x483: {  	s2 =	sadd.s32 $0x30, s8;
	s5 =	simm.s32 $0xBA18  }
0x484: {  	[hbm4b:s2+s3] =	stream.linear.scatter [tilespmem:s5], [sflag:$0x4], $0x80, $0x38;
	[tilespmem:$0xD200] =	vst v63  }
0x485: {  	s9 =	sadd.s32 $0x40, s8;
	s12 =	simm.s32 $0xBAA0  }
0x486: {  	[hbm4b:s9+s3] =	stream.linear.scatter [tilespmem:s12], [sflag:$0x4], $0x80, $0x38;
	[tilespmem:$0xD200] =	vst v63  }
0x487: {  	s13 =	sadd.s32 $0x50, s8;
	s20 =	simm.s32 $0xBB28  }
0x488: {  	[hbm4b:s13+s3] =	stream.linear.scatter [tilespmem:s20], [sflag:$0x4], $0x80, $0x38;
	[tilespmem:$0xD200] =	vst v63  }
0x489: {  	s2 =	sadd.s32 $0x60, s8;
	s5 =	simm.s32 $0xBBB0  }
0x48a: {  	[hbm4b:s2+s3] =	stream.linear.scatter [tilespmem:s5], [sflag:$0x4], $0x80, $0x38;
	[tilespmem:$0xD200] =	vst v63  }
0x48b: {  	s9 =	sadd.s32 $0x70, s8;
	s12 =	simm.s32 $0xBC38  }
0x48c: {  	[hbm4b:s9+s3] =	stream.linear.scatter [tilespmem:s12], [sflag:$0x4], $0x80, $0x38;
	[tilespmem:$0xD200] =	vst v63  }
0x48d: {  	s13 =	sadd.s32 $0x80, s8;
	s20 =	simm.s32 $0xC980  }
0x48e: {  	[hbm4b:s13+s3] =	stream.linear.scatter [tilespmem:s20], [sflag:$0x4], $0x80, $0x38;
	[tilespmem:$0xD200] =	vst v63  }
0x48f: {  	s2 =	sadd.s32 $0x90, s8;
	s5 =	simm.s32 $0xCA08  }
0x490: {  	[hbm4b:s2+s3] =	stream.linear.scatter [tilespmem:s5], [sflag:$0x4], $0x80, $0x38;
	[tilespmem:$0xD200] =	vst v63  }
0x491: {  	s6 =	sadd.s32 $0xA0, s8;
	s9 =	simm.s32 $0xCA90  }
0x492: {  	[hbm4b:s6+s3] =	stream.linear.scatter [tilespmem:s9], [sflag:$0x4], $0x80, $0x38;
	[tilespmem:$0xD200] =	vst v63  }
0x493: {  	s12 =	sadd.s32 $0xB0, s8;
	s13 =	simm.s32 $0xCB18  }
0x494: {  	[hbm4b:s12+s3] =	stream.linear.scatter [tilespmem:s13], [sflag:$0x4], $0x80, $0x38;
	[tilespmem:$0xD200] =	vst v63  }
0x495: {  	s20 =	sadd.s32 $0xC0, s8;
	s2 =	simm.s32 $0xCBA0  }
0x496: {  	[hbm4b:s20+s3] =	stream.linear.scatter [tilespmem:s2], [sflag:$0x4], $0x80, $0x38;
	[tilespmem:$0xD200] =	vst v63  }
0x497: {  	s5 =	simm.s32 $0xCC28;
	s2 =	sadd.s32 $0xD0, s8  }
0x498: {  	[hbm4b:s2+s3] =	stream.linear.scatter [tilespmem:s5], [sflag:$0x4], $0x80, $0x38;
	[tilespmem:$0xD200] =	vst v63  }
0x499: {  	s6 =	sadd.s32 $0xE0, s8;
	s9 =	simm.s32 $0xCCB0  }
0x49a: {  	[hbm4b:s6+s3] =	stream.linear.scatter [tilespmem:s9], [sflag:$0x4], $0x80, $0x38;
	[tilespmem:$0xD200] =	vst v63  }
0x49b: {  	s12 =	sadd.s32 $0xF0, s8;
	s13 =	simm.s32 $0xCD38  }
0x49c: {  	[hbm4b:s12+s3] =	stream.linear.scatter [tilespmem:s13], [sflag:$0x4], $0x80, $0x38;
	[tilespmem:$0xD200] =	vst v63  }
0x49d: {  	s8 =	rddreg [dreg:$0xd];
	s20 =	simm.s32 $0xBCC0  }
0x49e: {  	[hbm4b:s8+s3] =	stream.linear.scatter [tilespmem:s20], [sflag:$0x4], $0x80, $0x38;
	[tilespmem:$0xD200] =	vst v63  }
0x49f: {  	s5 =	sadd.s32 $0x10, s8;
	s6 =	simm.s32 $0xBD48  }
0x4a0: {  	[hbm4b:s5+s3] =	stream.linear.scatter [tilespmem:s6], [sflag:$0x4], $0x80, $0x38;
	[tilespmem:$0xD200] =	vst v63  }
0x4a1: {  	s9 =	sadd.s32 $0x20, s8;
	s12 =	simm.s32 $0xBDD0  }
0x4a2: {  	[hbm4b:s9+s3] =	stream.linear.scatter [tilespmem:s12], [sflag:$0x4], $0x80, $0x38;
	[tilespmem:$0xD200] =	vst v63  }
0x4a3: {  	s13 =	sadd.s32 $0x30, s8;
	s20 =	simm.s32 $0xBE58  }
0x4a4: {  	[hbm4b:s13+s3] =	stream.linear.scatter [tilespmem:s20], [sflag:$0x4], $0x80, $0x38;
	[tilespmem:$0xD200] =	vst v63  }
0x4a5: {  	s5 =	sadd.s32 $0x40, s8;
	s6 =	simm.s32 $0xBEE0  }
0x4a6: {  	[hbm4b:s5+s3] =	stream.linear.scatter [tilespmem:s6], [sflag:$0x4], $0x80, $0x38;
	[tilespmem:$0xD200] =	vst v63  }
0x4a7: {  	s9 =	sadd.s32 $0x50, s8;
	s12 =	simm.s32 $0xBF68  }
0x4a8: {  	[hbm4b:s9+s3] =	stream.linear.scatter [tilespmem:s12], [sflag:$0x4], $0x80, $0x38;
	[tilespmem:$0xD200] =	vst v63  }
0x4a9: {  	s13 =	sadd.s32 $0x60, s8;
	s20 =	simm.s32 $0xBFF0  }
0x4aa: {  	[hbm4b:s13+s3] =	stream.linear.scatter [tilespmem:s20], [sflag:$0x4], $0x80, $0x38;
	[tilespmem:$0xD200] =	vst v63  }
0x4ab: {  	s5 =	sadd.s32 $0x70, s8;
	s6 =	simm.s32 $0xC078  }
0x4ac: {  	[hbm4b:s5+s3] =	stream.linear.scatter [tilespmem:s6], [sflag:$0x4], $0x80, $0x38;
	[tilespmem:$0xD200] =	vst v63  }
0x4ad: {  	s9 =	sadd.s32 $0x80, s8;
	s12 =	simm.s32 $0xCDC0  }
0x4ae: {  	[hbm4b:s9+s3] =	stream.linear.scatter [tilespmem:s12], [sflag:$0x4], $0x80, $0x38;
	[tilespmem:$0xD200] =	vst v63  }
0x4af: {  	s13 =	sadd.s32 $0x90, s8;
	s20 =	simm.s32 $0xCE48  }
0x4b0: {  	[hbm4b:s13+s3] =	stream.linear.scatter [tilespmem:s20], [sflag:$0x4], $0x80, $0x38;
	[tilespmem:$0xD200] =	vst v63  }
0x4b1: {  	s5 =	sadd.s32 $0xA0, s8;
	s6 =	simm.s32 $0xCED0  }
0x4b2: {  	[hbm4b:s5+s3] =	stream.linear.scatter [tilespmem:s6], [sflag:$0x4], $0x80, $0x38;
	[tilespmem:$0xD200] =	vst v63  }
0x4b3: {  	s9 =	sadd.s32 $0xB0, s8;
	s12 =	simm.s32 $0xCF58  }
0x4b4: {  	[hbm4b:s9+s3] =	stream.linear.scatter [tilespmem:s12], [sflag:$0x4], $0x80, $0x38;
	[tilespmem:$0xD200] =	vst v63  }
0x4b5: {  	s13 =	sadd.s32 $0xC0, s8;
	s20 =	simm.s32 $0xCFE0  }
0x4b6: {  	[hbm4b:s13+s3] =	stream.linear.scatter [tilespmem:s20], [sflag:$0x4], $0x80, $0x38;
	[tilespmem:$0xD200] =	vst v63  }
0x4b7: {  	s2 =	sadd.s32 $0xD0, s8;
	s5 =	simm.s32 $0xD068  }
0x4b8: {  	[hbm4b:s2+s3] =	stream.linear.scatter [tilespmem:s5], [sflag:$0x4], $0x80, $0x38;
	[tilespmem:$0xD200] =	vst v63  }
0x4b9: {  	s6 =	sadd.s32 $0xE0, s8;
	s9 =	simm.s32 $0xD0F0  }
0x4ba: {  	[hbm4b:s6+s3] =	stream.linear.scatter [tilespmem:s9], [sflag:$0x4], $0x80, $0x38;
	[tilespmem:$0xD200] =	vst v63  }
0x4bb: {  	s12 =	sadd.s32 $0xF0, s8;
	s13 =	simm.s32 $0xD178  }
0x4bc: {  	[hbm4b:s12+s3] =	stream.linear.scatter [tilespmem:s13], [sflag:$0x4], $0x80, $0x38;
	[tilespmem:$0xD200] =	vst v63  }
0x4bd: {  	_ =	swait.ge [sflag:s15], $0x800  }
0x4be: {  	[sflag:s15] =	ssyncset.done $0x0  }
0x4bf: {  	[sflag:s15] =	ssyncadd.s32 $0xFFFFF800  }
0x4c0: {  	_ =	swait.ge [sflag:s15], $0x800  }
0x4c1: {  	[sflag:s15] =	ssyncset.done $0x0  }
0x4c2: {  	[sflag:s15] =	ssyncadd.s32 $0xFFFFF800  }
0x4c3: {  	_ =	swait.ge [sflag:s15], $0x800  }
0x4c4: {  	[sflag:s15] =	ssyncset.done $0x0  }
0x4c5: {  	[sflag:s15] =	ssyncadd.s32 $0xFFFFF800  }
0x4c6: {  	_ =	swait.ge [sflag:s15], $0x800  }
0x4c7: {  	[sflag:s15] =	ssyncset.done $0x0  }
0x4c8: {  	[sflag:s15] =	ssyncadd.s32 $0xFFFFF800  }
0x4c9: {  	_ =	swait.ge [sflag:s16], $0x800  }
0x4ca: {  	[sflag:s16] =	ssyncset.done $0x0  }
0x4cb: {  	[sflag:s16] =	ssyncadd.s32 $0xFFFFF800  }
0x4cc: {  	_ =	swait.ge [sflag:s16], $0x800  }
0x4cd: {  	[sflag:s16] =	ssyncset.done $0x0  }
0x4ce: {  	[sflag:s16] =	ssyncadd.s32 $0xFFFFF800  }
0x4cf: {  	_ =	swait.ge [sflag:s16], $0x800  }
0x4d0: {  	[sflag:s16] =	ssyncset.done $0x0  }
0x4d1: {  	[sflag:s16] =	ssyncadd.s32 $0xFFFFF800  }
0x4d2: {  	_ =	swait.ge [sflag:s16], $0x800  }
0x4d3: {  	s15 =	rddreg [dreg:$0x10]  }
0x4d4: {  	s20 =	rddreg [dreg:$0xe];
	s6 =	sadd.s32 $0x1, s15  }
0x4d5: {  	p0 =	sne.s32 s6, s20  }
.Ltmp5:
0x4d6: {  	_ = 	snop;
	(pc) =	sbr.rel @p0 .LBB2_1-.Ltmp5, $3  }
0x4d7: {  	_ =	sdelay $0x1  }
0x4d8: {  	[sflag:s16] =	ssyncset.done $0x0  }
0x4d9: {  	[sflag:s16] =	ssyncadd.s32 $0xFFFFF800  }
0x4da: {  	_ =	sfence.sel $0x180000  }
0x4db: {  	[bflag:$0x0] =	sbarrier.arrive $0xFFFF  }
0x4dc: {  	_ =	strace $0x90000047  }
0x4dd: {  	s0 =	stileid.u32;
	[bflag:$0x2] =	sbarrier.arrive $0xFFFF  }
0x4de: {  	p0 =	sne.s32 s0, $0x0;
	s0 =	rddreg [dreg:$0x2]  }
0x4df: {  	s0 =	sadd.s32 @!p0 $0x100000, s0  }
0x4e0: {  	[sflag:s0] =	ssyncadd.tile.s32 @!p0 $0x1;
	_ =	shalt  }
.Lfunc_end2:
_tile_overlayer_lowered:
.L_overlay_start_2:
0x4e1: {  	(tag) =	ssettag $0x2  }
0x4e2: {  	s0 =	rddreg [dreg:$0x0];
	s2 =	stileid.u32  }
0x4e3: {  	s1 =	rddreg [dreg:$0x1];
	p0 =	sne.s32 s2, $0x0  }
0x4e4: {  	s3 =	rddreg [dreg:$0x2];
	[bflag:$0x3] =	sbarrier.arrive $0xFFFF;
	s2 =	simm.s32 @!p0 $0x1C05  }
0x4e5: {  	[timem:s3], [sflag:s2] =	dma.local @!p0 [hbm:s0], s1  }
0x4e6: {  	s0 =	simm.s32 @!p0 $0x5  }
0x4e7: {  	_ =	swait.ge @!p0 [sflag:s0], s1  }
0x4e8: {  	s1 =	ssub.s32 @!p0 $0x0, s1;
	[sflag:s0] =	ssyncset.done @!p0 $0x0  }
0x4e9: {  	[sflag:s0] =	ssyncadd.s32 @!p0 s1  }
0x4ea: {  	[bflag:$0x3] =	sbarrier.arrive $0xFFFF  }
0x4eb: {  	_ =	shalt  }

</sc_bundles>
